<compile_context>
chip_gen: v7x
topology: tpu7x:2x2x1
jax: 0.10.2.dev20260603
libtpu: 0.0.44.dev20260713+nightly
codegen_flags: <defaults>
</compile_context>

<pallas_src>
import jax
import jax.numpy as jnp
from jax import lax
from jax.experimental import pallas as pl
from jax.experimental.pallas import tpu as pltpu
from jax.experimental.pallas import tpu_sc as plsc

B, T, D = 8, 512, 512
MEL_MAX = 4096

NC, NS = 2, 16
NW = NC * NS
FRAMES_PER_W = B * MEL_MAX // NW
CHUNK = 64
NCHUNK = FRAMES_PER_W // CHUNK
GROUPS = FRAMES_PER_W // 16
ZERO_ROW = B * T
ZROWS = 32


def _lr_body(x_hbm, tgt_hbm, out_hbm, tgt_v, cums_v, gidx_v, zbuf,
             buf0, buf1, buf2, wsem, zsem, sem0, sem1, sem2):
    cid = lax.axis_index("c")
    sid = lax.axis_index("s")
    wid = sid * NC + cid
    b = wid & 7
    q4 = wid >> 3

    zcp = pltpu.make_async_copy(x_hbm.at[pl.ds(ZERO_ROW, ZROWS)], zbuf, zsem)
    zcp.start()

    pltpu.sync_copy(tgt_hbm.at[b], tgt_v)
    zcp.wait()

    def cum_step(i, carry):
        v = tgt_v[pl.ds(i * 16, 16)]
        cums_v[pl.ds(i * 16, 16)] = plsc.cumsum(v) + carry
        return carry + jnp.sum(v)

    total = lax.fori_loop(0, T // 16, cum_step, jnp.int32(0))

    lane = lax.iota(jnp.int32, 16)

    def frame_base(gi):
        ck = gi // 4
        t = gi % 4
        return (q4 + 4 * ck) * CHUNK + t * 16

    def bs_step(hi, _):
        j0 = frame_base(2 * hi) + lane
        j1 = frame_base(2 * hi + 1) + lane
        idx0 = jnp.zeros((16,), jnp.int32)
        idx1 = jnp.zeros((16,), jnp.int32)
        for s in (256, 128, 64, 32, 16, 8, 4, 2, 1):
            v0 = plsc.load_gather(cums_v, [idx0 + (s - 1)])
            v1 = plsc.load_gather(cums_v, [idx1 + (s - 1)])
            idx0 = jnp.where(v0 <= j0, idx0 + s, idx0)
            idx1 = jnp.where(v1 <= j1, idx1 + s, idx1)
        v0 = plsc.load_gather(cums_v, [idx0])
        v1 = plsc.load_gather(cums_v, [idx1])
        cnt0 = jnp.minimum(idx0 + (v0 <= j0).astype(jnp.int32), T - 1)
        cnt1 = jnp.minimum(idx1 + (v1 <= j1).astype(jnp.int32), T - 1)
        g0 = jnp.where(j0 < total, b * T + cnt0, ZERO_ROW + (j0 & 63))
        g1 = jnp.where(j1 < total, b * T + cnt1, ZERO_ROW + (j1 & 63))
        gidx_v[pl.ds(2 * hi * 16, 16)] = g0
        gidx_v[pl.ds((2 * hi + 1) * 16, 16)] = g1
        return 0



    bufs = (buf0, buf1, buf2)
    sems = (sem0, sem1, sem2)

    def gcp(c, k):
        return pltpu.make_async_copy(
            x_hbm.at[gidx_v.at[pl.ds(c * CHUNK, CHUNK)]], bufs[k], sems[k])

    def valid(c):
        return (q4 + 4 * c) * CHUNK < total

    def start(c):
        @pl.when(valid(c))
        def _():
            gcp(c, c % 3).start()

    def drain_one():
        pltpu.make_async_copy(x_hbm.at[pl.ds(0, CHUNK)], bufs[0], wsem).wait()

    lax.fori_loop(0, 4, bs_step, 0)
    start(0)
    start(1)
    lax.fori_loop(4, GROUPS // 2, bs_step, 0)
    for c in range(NCHUNK):
        k = c % 3
        if c >= 1:
            drain_one()
        if c + 2 < NCHUNK:
            start(c + 2)
        out_base = (b * (MEL_MAX // CHUNK) + q4 + 4 * c) * CHUNK

        @pl.when(valid(c))
        def _(c=c, k=k, out_base=out_base):
            gcp(c, k).wait()
            pltpu.async_copy(bufs[k], out_hbm.at[pl.ds(out_base, CHUNK)], wsem)

        @pl.when(jnp.logical_not(valid(c)))
        def _(out_base=out_base):
            pltpu.async_copy(zbuf, out_hbm.at[pl.ds(out_base, ZROWS)], wsem)
            pltpu.async_copy(zbuf, out_hbm.at[pl.ds(out_base + ZROWS, ZROWS)], wsem)

    drain_one()


def _length_regulate(x_pad, target):
    mesh = plsc.VectorSubcoreMesh(
        core_axis_name="c", subcore_axis_name="s", num_cores=NC, num_subcores=NS)
    k = pl.kernel(
        _lr_body,
        out_type=jax.ShapeDtypeStruct((B * MEL_MAX, D), jnp.float32),
        mesh=mesh,
        compiler_params=pltpu.CompilerParams(needs_layout_passes=False),
        scratch_types=[
            pltpu.VMEM((T,), jnp.int32),
            pltpu.VMEM((T,), jnp.int32),
            pltpu.VMEM((FRAMES_PER_W,), jnp.int32),
            pltpu.VMEM((ZROWS, D), jnp.float32),
            pltpu.VMEM((CHUNK, D), jnp.float32),
            pltpu.VMEM((CHUNK, D), jnp.float32),
            pltpu.VMEM((CHUNK, D), jnp.float32),
            pltpu.SemaphoreType.DMA,
            pltpu.SemaphoreType.DMA,
            pltpu.SemaphoreType.DMA,
            pltpu.SemaphoreType.DMA,
            pltpu.SemaphoreType.DMA,
        ],
    )
    return k(x_pad, target)


def _dp_body(x_ref, w1_ref, b1_ref, w2_ref, b2_ref, o_ref):
    xb = x_ref[0]
    h = jnp.dot(xb, w1_ref[...], preferred_element_type=jnp.float32) + b1_ref[...]
    h = jnp.maximum(h, 0.0)
    d = jnp.sum(h * w2_ref[...], axis=1, keepdims=True) + b2_ref[0, 0]
    d = jnp.maximum(d, 0.0)
    o_ref[...] = jnp.broadcast_to(d, (T, 8))


def _duration_predictor(x, W1, b1, W2, b2):
    out = pl.pallas_call(
        _dp_body,
        grid=(B,),
        in_specs=[
            pl.BlockSpec((1, T, D), lambda i: (i, 0, 0)),
            pl.BlockSpec((D, D), lambda i: (0, 0)),
            pl.BlockSpec((1, D), lambda i: (0, 0)),
            pl.BlockSpec((1, D), lambda i: (0, 0)),
            pl.BlockSpec((1, 1), lambda i: (0, 0)),
        ],
        out_specs=pl.BlockSpec((T, 8), lambda i: (i, 0)),
        out_shape=jax.ShapeDtypeStruct((B * T, 8), jnp.float32),
    )(x, W1, b1.reshape(1, D), W2.reshape(1, D), b2.reshape(1, 1))
    return out[:, 0].reshape(B, T)


def kernel(x, target, mel_max_length, W1, b1, W2, b2):
    del mel_max_length
    dp = _duration_predictor(x, W1, b1, W2, b2)
    x_pad = jnp.concatenate(
        [x.reshape(B * T, D), jnp.zeros((64, D), x.dtype)], axis=0)
    out = _length_regulate(x_pad, target).reshape(B, MEL_MAX, D)
    return out, dp

# --- scband reference (transcript-rebuilt; emitter-appended) ---
"""Pipeline reference for scband-length-regulator-51161650430547 (READ-ONLY COPY).

The authoritative reference and input builder live on the scoring server;
editing this copy changes nothing except your own understanding.
"""

import jax, jax.numpy as jnp
import numpy as np

B, T, D = 8, 512, 512
MEL_MAX = 4096

def setup_inputs(seed: int = 0) -> dict:
    key = jax.random.key(seed)
    k1, k2, k3, k4 = jax.random.split(key, 4)
    x = jax.random.normal(k1, (B, T, D), dtype=jnp.float32)
    target = jax.random.randint(k2, (B, T), 0, 8, dtype=jnp.int32)
    # DurationPredictor parameters (Linear 512->512, Linear 512->1), xavier-ish init
    W1 = jax.random.normal(k3, (D, D), dtype=jnp.float32) * (1.0 / np.sqrt(D))
    b1 = jnp.zeros((D,), dtype=jnp.float32)
    W2 = jax.random.normal(k4, (D, 1), dtype=jnp.float32) * (1.0 / np.sqrt(D))
    b2 = jnp.zeros((1,), dtype=jnp.float32)
    return {"x": x, "target": target, "mel_max_length": MEL_MAX,
            "W1": W1, "b1": b1, "W2": W2, "b2": b2}

def reference(x, target, mel_max_length, W1, b1, W2, b2):
    # DurationPredictor forward (training mode: squeeze -> [B, T])
    h = jax.nn.relu(x @ W1 + b1)
    duration_predictor_output = jax.nn.relu(h @ W2 + b2)[..., 0]
    # LR: expand each token i of each batch row by target[b, i] frames, pad to mel_max_length
    cums = jnp.cumsum(target, axis=1)           # [B, T]
    total = cums[:, -1]                          # [B]
    pos = jnp.arange(MEL_MAX) + 0 * mel_max_length  # [M]
    # frame j maps to token idx = searchsorted(cums, j, side='right')
    idx = jax.vmap(lambda c: jnp.searchsorted(c, pos, side='right'))(cums)  # [B, M]
    idx_c = jnp.minimum(idx, target.shape[1] - 1)
    gathered = jnp.take_along_axis(x, idx_c[:, :, None], axis=1)  # [B, M, D]
    mask = (pos[None, :] < total[:, None]).astype(x.dtype)        # [B, M]
    output = gathered * mask[:, :, None]
    return output, duration_predictor_output

if __name__ == "__main__":
    import jax
    _d = setup_inputs()
    print(jax.jit(kernel)(*tuple(_d.values())))

</pallas_src>

<mosaic_0001>
#map = affine_map<(d0, d1) -> (0, 0)>
module attributes {stable_mosaic.version = 14 : i64} {
  func.func @_lr_body(%arg0: i32, %arg1: i32, %arg2: memref<4160x512xf32, #tpu.memory_space<hbm>>, %arg3: memref<8x512xi32, #tpu.memory_space<hbm>>, %arg4: memref<32768x512xf32, #tpu.memory_space<hbm>>, %arg5: memref<512xi32, #tpu.memory_space<vmem>>, %arg6: memref<512xi32, #tpu.memory_space<vmem>>, %arg7: memref<1024xi32, #tpu.memory_space<vmem>>, %arg8: memref<32x512xf32, #tpu.memory_space<vmem>>, %arg9: memref<64x512xf32, #tpu.memory_space<vmem>>, %arg10: memref<64x512xf32, #tpu.memory_space<vmem>>, %arg11: memref<64x512xf32, #tpu.memory_space<vmem>>, %arg12: memref<!tpu.dma_semaphore, #tpu.memory_space<semaphore_mem>>, %arg13: memref<!tpu.dma_semaphore, #tpu.memory_space<semaphore_mem>>, %arg14: memref<!tpu.dma_semaphore, #tpu.memory_space<semaphore_mem>>, %arg15: memref<!tpu.dma_semaphore, #tpu.memory_space<semaphore_mem>>, %arg16: memref<!tpu.dma_semaphore, #tpu.memory_space<semaphore_mem>>) attributes {dimension_semantics = [#tpu.dimension_semantics<core_parallel>, #tpu.dimension_semantics<subcore_parallel>], iteration_bounds = array<i64: 2, 16>, scalar_prefetch = 0 : i64, scratch_operands = 12 : i64, tpu.core_type = #tpu.core_type<sc_vector_subcore>, window_params = [{transform_indices = #map}, {transform_indices = #map}, {transform_indices = #map}]} {
    %mul3A = arith.constant 2 : i32
    %mul3A_0 = arith.muli %arg1, %mul3A : i32
    %add3A = arith.addi %mul3A_0, %arg0 : i32
    %and3A = arith.constant 7 : i32
    %and3A_1 = arith.andi %add3A, %and3A : i32
    %shift_right_arithmetic3A = arith.constant 3 : i32
    %shift_right_arithmetic3A_2 = arith.shrsi %add3A, %shift_right_arithmetic3A : i32
    %dma_start3A = arith.constant 4096 : i32
    %dma_start3A_3 = arith.constant 0 : i32
    %dma_start3A_4 = tpu.memref_slice %arg2[%dma_start3A, %dma_start3A_3] : memref<4160x512xf32, #tpu.memory_space<hbm>> -> memref<32x512xf32, #tpu.memory_space<hbm>>
    %dma_start3A_5 = arith.constant 4096 : i32
    %dma_start3A_6 = arith.constant 0 : i32
    %dma_start3A_7 = tpu.memref_slice %arg2[%dma_start3A_5, %dma_start3A_6] : memref<4160x512xf32, #tpu.memory_space<hbm>> -> memref<32x512xf32, #tpu.memory_space<hbm>>
    tpu.enqueue_dma source(%dma_start3A_7 : memref<32x512xf32, #tpu.memory_space<hbm>>) target(%arg8 : memref<32x512xf32, #tpu.memory_space<vmem>>) target_semaphore(%arg13 : memref<!tpu.dma_semaphore, #tpu.memory_space<semaphore_mem>>)
    "tpu.region"() ({
      %run_scoped3A = tpu.sem_alloc : memref<!tpu.dma_semaphore, #tpu.memory_space<semaphore_mem>>
      %dma_start3A_653 = arith.constant 0 : i32
      %dma_start3A_654 = tpu.memref_slice %arg3[%and3A_1, %dma_start3A_653] : memref<8x512xi32, #tpu.memory_space<hbm>> -> memref<1x512xi32, #tpu.memory_space<hbm>>
      %dma_start3A_655 = tpu.memref_squeeze %dma_start3A_654 : memref<1x512xi32, #tpu.memory_space<hbm>> -> memref<512xi32, #tpu.memory_space<hbm>>
      %dma_start3A_656 = arith.constant 0 : i32
      %dma_start3A_657 = tpu.memref_slice %arg3[%and3A_1, %dma_start3A_656] : memref<8x512xi32, #tpu.memory_space<hbm>> -> memref<1x512xi32, #tpu.memory_space<hbm>>
      %dma_start3A_658 = tpu.memref_squeeze %dma_start3A_657 : memref<1x512xi32, #tpu.memory_space<hbm>> -> memref<512xi32, #tpu.memory_space<hbm>>
      tpu.enqueue_dma source(%dma_start3A_658 : memref<512xi32, #tpu.memory_space<hbm>>) target(%arg5 : memref<512xi32, #tpu.memory_space<vmem>>) target_semaphore(%run_scoped3A : memref<!tpu.dma_semaphore, #tpu.memory_space<semaphore_mem>>)
      %dma_wait3A_659 = arith.constant 0 : i32
      %dma_wait3A_660 = tpu.memref_slice %arg3[%and3A_1, %dma_wait3A_659] : memref<8x512xi32, #tpu.memory_space<hbm>> -> memref<1x512xi32, #tpu.memory_space<hbm>>
      %dma_wait3A_661 = tpu.memref_squeeze %dma_wait3A_660 : memref<1x512xi32, #tpu.memory_space<hbm>> -> memref<512xi32, #tpu.memory_space<hbm>>
      %dma_wait3A_662 = arith.constant 0 : i32
      %dma_wait3A_663 = tpu.memref_slice %arg3[%and3A_1, %dma_wait3A_662] : memref<8x512xi32, #tpu.memory_space<hbm>> -> memref<1x512xi32, #tpu.memory_space<hbm>>
      %dma_wait3A_664 = tpu.memref_squeeze %dma_wait3A_663 : memref<1x512xi32, #tpu.memory_space<hbm>> -> memref<512xi32, #tpu.memory_space<hbm>>
      tpu.wait_dma2 semaphore(%run_scoped3A : memref<!tpu.dma_semaphore, #tpu.memory_space<semaphore_mem>>) src(%dma_wait3A_664 : memref<512xi32, #tpu.memory_space<hbm>>) dst(%arg5 : memref<512xi32, #tpu.memory_space<vmem>>)
      tpu.yield
    }) : () -> ()
    %dma_wait3A = arith.constant 4096 : i32
    %dma_wait3A_8 = arith.constant 0 : i32
    %dma_wait3A_9 = tpu.memref_slice %arg2[%dma_wait3A, %dma_wait3A_8] : memref<4160x512xf32, #tpu.memory_space<hbm>> -> memref<32x512xf32, #tpu.memory_space<hbm>>
    %dma_wait3A_10 = arith.constant 4096 : i32
    %dma_wait3A_11 = arith.constant 0 : i32
    %dma_wait3A_12 = tpu.memref_slice %arg2[%dma_wait3A_10, %dma_wait3A_11] : memref<4160x512xf32, #tpu.memory_space<hbm>> -> memref<32x512xf32, #tpu.memory_space<hbm>>
    tpu.wait_dma2 semaphore(%arg13 : memref<!tpu.dma_semaphore, #tpu.memory_space<semaphore_mem>>) src(%dma_wait3A_12 : memref<32x512xf32, #tpu.memory_space<hbm>>) dst(%arg8 : memref<32x512xf32, #tpu.memory_space<vmem>>)
    %scan3A = arith.constant 0 : i32
    %scan3A_13 = arith.constant 0 : i32
    %scan3A_14 = arith.constant 32 : i32
    %scan3A_15 = arith.addi %scan3A_13, %scan3A_14 : i32
    %scan3A_16 = arith.constant 1 : i32
    %scan3A_17 = scf.for %scan3A_653 = %scan3A_13 to %scan3A_15 step %scan3A_16 iter_args(%scan3A_654 = %scan3A) -> (i32)  : i32 {
      %mul3A_655 = arith.constant 16 : i32
      %mul3A_656 = arith.muli %scan3A_653, %mul3A_655 : i32
      %get3A = arith.index_cast %mul3A_656 : i32 to index
      %get3A_657 = tpu.vector_load %arg5[%get3A] {strides = array<i32>} : memref<512xi32, #tpu.memory_space<vmem>>, vector<16xi32>,
      %broadcast_in_dim3A = arith.constant true
      %broadcast_in_dim3A_658 = vector.broadcast %broadcast_in_dim3A : i1 to vector<16xi1>
      %masked_cumsum3A = tpu.scan <sum>, %get3A_657 masked %broadcast_in_dim3A_658 : vector<16xi32>, vector<16xi1> -> vector<16xi32>
      %add3A_659 = vector.broadcast %scan3A_654 : i32 to vector<16xi32>
      %add3A_660 = arith.addi %masked_cumsum3A, %add3A_659 : vector<16xi32>
      %mul3A_661 = arith.constant 16 : i32
      %mul3A_662 = arith.muli %scan3A_653, %mul3A_661 : i32
      %swap3A = arith.index_cast %mul3A_662 : i32 to index
      %swap3A_663 = tpu.vector_load %arg6[%swap3A] {strides = array<i32>} : memref<512xi32, #tpu.memory_space<vmem>>, vector<16xi32>,
      tpu.vector_store %arg6[%swap3A], %add3A_660 {strides = array<i32>} : memref<512xi32, #tpu.memory_space<vmem>>, vector<16xi32>,
      %reduce_sum3A = arith.constant true
      %reduce_sum3A_664 = vector.broadcast %reduce_sum3A : i1 to vector<16xi1>
      %reduce_sum3A_665 = tpu.scan <sum>, %get3A_657 masked %reduce_sum3A_664 : vector<16xi32>, vector<16xi1> -> vector<16xi32>
      %reduce_sum3A_666 = vector.extract %reduce_sum3A_665[15] : i32 from vector<16xi32>
      %add3A_667 = arith.addi %scan3A_654, %reduce_sum3A_666 : i32
      scf.yield %add3A_667 : i32
    }
    %scan3A_18 = arith.constant 32 : i32
    %iota3A = tpu.iota {dimensions = array<i32: 0>} : vector<16xi32>
    %scan3A_19 = arith.constant 0 : i32
    %scan3A_20 = arith.constant 0 : i32
    %scan3A_21 = arith.constant 4 : i32
    %scan3A_22 = arith.addi %scan3A_20, %scan3A_21 : i32
    %scan3A_23 = arith.constant 1 : i32
    %scan3A_24 = scf.for %scan3A_653 = %scan3A_20 to %scan3A_22 step %scan3A_23 iter_args(%scan3A_654 = %scan3A_19) -> (i32)  : i32 {
      %mul3A_655 = arith.constant 2 : i32
      %mul3A_656 = arith.muli %mul3A_655, %scan3A_653 : i32
      %jit3A = arith.constant 4 : i32
      %div3A = arith.divsi %mul3A_656, %jit3A : i32
      %sign3A = arith.constant 0 : i32
      %sign3A_657 = arith.cmpi sgt, %mul3A_656, %sign3A : i32
      %sign3A_658 = arith.extui %sign3A_657 : i1 to i32
      %sign3A_659 = arith.constant 0 : i32
      %sign3A_660 = arith.cmpi slt, %mul3A_656, %sign3A_659 : i32
      %sign3A_661 = arith.extui %sign3A_660 : i1 to i32
      %sign3A_662 = arith.subi %sign3A_658, %sign3A_661 : i32
      %sign3A_663 = arith.constant 0 : i32
      %sign3A_664 = arith.cmpi sgt, %jit3A, %sign3A_663 : i32
      %sign3A_665 = arith.extui %sign3A_664 : i1 to i32
      %sign3A_666 = arith.constant 0 : i32
      %sign3A_667 = arith.cmpi slt, %jit3A, %sign3A_666 : i32
      %sign3A_668 = arith.extui %sign3A_667 : i1 to i32
      %sign3A_669 = arith.subi %sign3A_665, %sign3A_668 : i32
      %ne3A = arith.cmpi ne, %sign3A_662, %sign3A_669 : i32
      %rem3A = arith.remsi %mul3A_656, %jit3A : i32
      %ne3A_670 = arith.constant 0 : i32
      %ne3A_671 = arith.cmpi ne, %rem3A, %ne3A_670 : i32
      %and3A_672 = arith.andi %ne3A, %ne3A_671 : i1
      %sub3A = arith.constant 1 : i32
      %sub3A_673 = arith.subi %div3A, %sub3A : i32
      %select_n3A = arith.select %and3A_672, %sub3A_673, %div3A : i32
      %jit3A_674 = arith.constant 4 : i32
      %eq3A = arith.constant 0 : i32
      %eq3A_675 = arith.cmpi eq, %jit3A_674, %eq3A : i32
      %jit3A_676 = arith.constant 1 : i32
      %select_n3A_677 = arith.select %eq3A_675, %jit3A_676, %jit3A_674 : i32
      %rem3A_678 = arith.remsi %mul3A_656, %select_n3A_677 : i32
      %ne3A_679 = arith.constant 0 : i32
      %ne3A_680 = arith.cmpi ne, %rem3A_678, %ne3A_679 : i32
      %lt3A_681 = arith.constant 0 : i32
      %lt3A_682 = arith.cmpi slt, %rem3A_678, %lt3A_681 : i32
      %lt3A_683 = arith.constant 0 : i32
      %lt3A_684 = arith.cmpi slt, %select_n3A_677, %lt3A_683 : i32
      %ne3A_685 = arith.xori %lt3A_682, %lt3A_684 : i1
      %and3A_686 = arith.andi %ne3A_685, %ne3A_680 : i1
      %add3A_687 = arith.addi %rem3A_678, %select_n3A_677 : i32
      %select_n3A_688 = arith.select %and3A_686, %add3A_687, %rem3A_678 : i32
      %mul3A_689 = arith.constant 4 : i32
      %mul3A_690 = arith.muli %mul3A_689, %select_n3A : i32
      %add3A_691 = arith.addi %shift_right_arithmetic3A_2, %mul3A_690 : i32
      %mul3A_692 = arith.constant 64 : i32
      %mul3A_693 = arith.muli %add3A_691, %mul3A_692 : i32
      %mul3A_694 = arith.constant 16 : i32
      %mul3A_695 = arith.muli %select_n3A_688, %mul3A_694 : i32
      %add3A_696 = arith.addi %mul3A_693, %mul3A_695 : i32
      %add3A_697 = vector.broadcast %add3A_696 : i32 to vector<16xi32>
      %add3A_698 = arith.addi %add3A_697, %iota3A : vector<16xi32>
      %mul3A_699 = arith.constant 2 : i32
      %mul3A_700 = arith.muli %mul3A_699, %scan3A_653 : i32
      %add3A_701 = arith.constant 1 : i32
      %add3A_702 = arith.addi %mul3A_700, %add3A_701 : i32
      %jit3A_703 = arith.constant 4 : i32
      %div3A_704 = arith.divsi %add3A_702, %jit3A_703 : i32
      %sign3A_705 = arith.constant 0 : i32
      %sign3A_706 = arith.cmpi sgt, %add3A_702, %sign3A_705 : i32
      %sign3A_707 = arith.extui %sign3A_706 : i1 to i32
      %sign3A_708 = arith.constant 0 : i32
      %sign3A_709 = arith.cmpi slt, %add3A_702, %sign3A_708 : i32
      %sign3A_710 = arith.extui %sign3A_709 : i1 to i32
      %sign3A_711 = arith.subi %sign3A_707, %sign3A_710 : i32
      %sign3A_712 = arith.constant 0 : i32
      %sign3A_713 = arith.cmpi sgt, %jit3A_703, %sign3A_712 : i32
      %sign3A_714 = arith.extui %sign3A_713 : i1 to i32
      %sign3A_715 = arith.constant 0 : i32
      %sign3A_716 = arith.cmpi slt, %jit3A_703, %sign3A_715 : i32
      %sign3A_717 = arith.extui %sign3A_716 : i1 to i32
      %sign3A_718 = arith.subi %sign3A_714, %sign3A_717 : i32
      %ne3A_719 = arith.cmpi ne, %sign3A_711, %sign3A_718 : i32
      %rem3A_720 = arith.remsi %add3A_702, %jit3A_703 : i32
      %ne3A_721 = arith.constant 0 : i32
      %ne3A_722 = arith.cmpi ne, %rem3A_720, %ne3A_721 : i32
      %and3A_723 = arith.andi %ne3A_719, %ne3A_722 : i1
      %sub3A_724 = arith.constant 1 : i32
      %sub3A_725 = arith.subi %div3A_704, %sub3A_724 : i32
      %select_n3A_726 = arith.select %and3A_723, %sub3A_725, %div3A_704 : i32
      %jit3A_727 = arith.constant 4 : i32
      %eq3A_728 = arith.constant 0 : i32
      %eq3A_729 = arith.cmpi eq, %jit3A_727, %eq3A_728 : i32
      %jit3A_730 = arith.constant 1 : i32
      %select_n3A_731 = arith.select %eq3A_729, %jit3A_730, %jit3A_727 : i32
      %rem3A_732 = arith.remsi %add3A_702, %select_n3A_731 : i32
      %ne3A_733 = arith.constant 0 : i32
      %ne3A_734 = arith.cmpi ne, %rem3A_732, %ne3A_733 : i32
      %lt3A_735 = arith.constant 0 : i32
      %lt3A_736 = arith.cmpi slt, %rem3A_732, %lt3A_735 : i32
      %lt3A_737 = arith.constant 0 : i32
      %lt3A_738 = arith.cmpi slt, %select_n3A_731, %lt3A_737 : i32
      %ne3A_739 = arith.xori %lt3A_736, %lt3A_738 : i1
      %and3A_740 = arith.andi %ne3A_739, %ne3A_734 : i1
      %add3A_741 = arith.addi %rem3A_732, %select_n3A_731 : i32
      %select_n3A_742 = arith.select %and3A_740, %add3A_741, %rem3A_732 : i32
      %mul3A_743 = arith.constant 4 : i32
      %mul3A_744 = arith.muli %mul3A_743, %select_n3A_726 : i32
      %add3A_745 = arith.addi %shift_right_arithmetic3A_2, %mul3A_744 : i32
      %mul3A_746 = arith.constant 64 : i32
      %mul3A_747 = arith.muli %add3A_745, %mul3A_746 : i32
      %mul3A_748 = arith.constant 16 : i32
      %mul3A_749 = arith.muli %select_n3A_742, %mul3A_748 : i32
      %add3A_750 = arith.addi %mul3A_747, %mul3A_749 : i32
      %add3A_751 = vector.broadcast %add3A_750 : i32 to vector<16xi32>
      %add3A_752 = arith.addi %add3A_751, %iota3A : vector<16xi32>
      %broadcast_in_dim3A = arith.constant 0 : i32
      %broadcast_in_dim3A_753 = vector.broadcast %broadcast_in_dim3A : i32 to vector<16xi32>
      %broadcast_in_dim3A_754 = arith.constant 0 : i32
      %broadcast_in_dim3A_755 = vector.broadcast %broadcast_in_dim3A_754 : i32 to vector<16xi32>
      %add3A_756 = arith.constant 255 : i32
      %add3A_757 = vector.broadcast %add3A_756 : i32 to vector<16xi32>
      %add3A_758 = arith.addi %broadcast_in_dim3A_753, %add3A_757 : vector<16xi32>
      %gather3A = tpu.vector_load_idx %arg6[%add3A_758] : memref<512xi32, #tpu.memory_space<vmem>>[vector<16xi32>], vector<16xi32>,
      %add3A_759 = arith.constant 255 : i32
      %add3A_760 = vector.broadcast %add3A_759 : i32 to vector<16xi32>
      %add3A_761 = arith.addi %broadcast_in_dim3A_755, %add3A_760 : vector<16xi32>
      %gather3A_762 = tpu.vector_load_idx %arg6[%add3A_761] : memref<512xi32, #tpu.memory_space<vmem>>[vector<16xi32>], vector<16xi32>,
      %le3A = arith.cmpi sle, %gather3A, %add3A_698 : vector<16xi32>
      %add3A_763 = arith.constant 256 : i32
      %add3A_764 = vector.broadcast %add3A_763 : i32 to vector<16xi32>
      %add3A_765 = arith.addi %broadcast_in_dim3A_753, %add3A_764 : vector<16xi32>
      %select_n3A_766 = arith.select %le3A, %add3A_765, %broadcast_in_dim3A_753 : vector<16xi1>, vector<16xi32>
      %le3A_767 = arith.cmpi sle, %gather3A_762, %add3A_752 : vector<16xi32>
      %add3A_768 = arith.constant 256 : i32
      %add3A_769 = vector.broadcast %add3A_768 : i32 to vector<16xi32>
      %add3A_770 = arith.addi %broadcast_in_dim3A_755, %add3A_769 : vector<16xi32>
      %select_n3A_771 = arith.select %le3A_767, %add3A_770, %broadcast_in_dim3A_755 : vector<16xi1>, vector<16xi32>
      %add3A_772 = arith.constant 127 : i32
      %add3A_773 = vector.broadcast %add3A_772 : i32 to vector<16xi32>
      %add3A_774 = arith.addi %select_n3A_766, %add3A_773 : vector<16xi32>
      %gather3A_775 = tpu.vector_load_idx %arg6[%add3A_774] : memref<512xi32, #tpu.memory_space<vmem>>[vector<16xi32>], vector<16xi32>,
      %add3A_776 = arith.constant 127 : i32
      %add3A_777 = vector.broadcast %add3A_776 : i32 to vector<16xi32>
      %add3A_778 = arith.addi %select_n3A_771, %add3A_777 : vector<16xi32>
      %gather3A_779 = tpu.vector_load_idx %arg6[%add3A_778] : memref<512xi32, #tpu.memory_space<vmem>>[vector<16xi32>], vector<16xi32>,
      %le3A_780 = arith.cmpi sle, %gather3A_775, %add3A_698 : vector<16xi32>
      %add3A_781 = arith.constant 128 : i32
      %add3A_782 = vector.broadcast %add3A_781 : i32 to vector<16xi32>
      %add3A_783 = arith.addi %select_n3A_766, %add3A_782 : vector<16xi32>
      %select_n3A_784 = arith.select %le3A_780, %add3A_783, %select_n3A_766 : vector<16xi1>, vector<16xi32>
      %le3A_785 = arith.cmpi sle, %gather3A_779, %add3A_752 : vector<16xi32>
      %add3A_786 = arith.constant 128 : i32
      %add3A_787 = vector.broadcast %add3A_786 : i32 to vector<16xi32>
      %add3A_788 = arith.addi %select_n3A_771, %add3A_787 : vector<16xi32>
      %select_n3A_789 = arith.select %le3A_785, %add3A_788, %select_n3A_771 : vector<16xi1>, vector<16xi32>
      %add3A_790 = arith.constant 63 : i32
      %add3A_791 = vector.broadcast %add3A_790 : i32 to vector<16xi32>
      %add3A_792 = arith.addi %select_n3A_784, %add3A_791 : vector<16xi32>
      %gather3A_793 = tpu.vector_load_idx %arg6[%add3A_792] : memref<512xi32, #tpu.memory_space<vmem>>[vector<16xi32>], vector<16xi32>,
      %add3A_794 = arith.constant 63 : i32
      %add3A_795 = vector.broadcast %add3A_794 : i32 to vector<16xi32>
      %add3A_796 = arith.addi %select_n3A_789, %add3A_795 : vector<16xi32>
      %gather3A_797 = tpu.vector_load_idx %arg6[%add3A_796] : memref<512xi32, #tpu.memory_space<vmem>>[vector<16xi32>], vector<16xi32>,
      %le3A_798 = arith.cmpi sle, %gather3A_793, %add3A_698 : vector<16xi32>
      %add3A_799 = arith.constant 64 : i32
      %add3A_800 = vector.broadcast %add3A_799 : i32 to vector<16xi32>
      %add3A_801 = arith.addi %select_n3A_784, %add3A_800 : vector<16xi32>
      %select_n3A_802 = arith.select %le3A_798, %add3A_801, %select_n3A_784 : vector<16xi1>, vector<16xi32>
      %le3A_803 = arith.cmpi sle, %gather3A_797, %add3A_752 : vector<16xi32>
      %add3A_804 = arith.constant 64 : i32
      %add3A_805 = vector.broadcast %add3A_804 : i32 to vector<16xi32>
      %add3A_806 = arith.addi %select_n3A_789, %add3A_805 : vector<16xi32>
      %select_n3A_807 = arith.select %le3A_803, %add3A_806, %select_n3A_789 : vector<16xi1>, vector<16xi32>
      %add3A_808 = arith.constant 31 : i32
      %add3A_809 = vector.broadcast %add3A_808 : i32 to vector<16xi32>
      %add3A_810 = arith.addi %select_n3A_802, %add3A_809 : vector<16xi32>
      %gather3A_811 = tpu.vector_load_idx %arg6[%add3A_810] : memref<512xi32, #tpu.memory_space<vmem>>[vector<16xi32>], vector<16xi32>,
      %add3A_812 = arith.constant 31 : i32
      %add3A_813 = vector.broadcast %add3A_812 : i32 to vector<16xi32>
      %add3A_814 = arith.addi %select_n3A_807, %add3A_813 : vector<16xi32>
      %gather3A_815 = tpu.vector_load_idx %arg6[%add3A_814] : memref<512xi32, #tpu.memory_space<vmem>>[vector<16xi32>], vector<16xi32>,
      %le3A_816 = arith.cmpi sle, %gather3A_811, %add3A_698 : vector<16xi32>
      %add3A_817 = arith.constant 32 : i32
      %add3A_818 = vector.broadcast %add3A_817 : i32 to vector<16xi32>
      %add3A_819 = arith.addi %select_n3A_802, %add3A_818 : vector<16xi32>
      %select_n3A_820 = arith.select %le3A_816, %add3A_819, %select_n3A_802 : vector<16xi1>, vector<16xi32>
      %le3A_821 = arith.cmpi sle, %gather3A_815, %add3A_752 : vector<16xi32>
      %add3A_822 = arith.constant 32 : i32
      %add3A_823 = vector.broadcast %add3A_822 : i32 to vector<16xi32>
      %add3A_824 = arith.addi %select_n3A_807, %add3A_823 : vector<16xi32>
      %select_n3A_825 = arith.select %le3A_821, %add3A_824, %select_n3A_807 : vector<16xi1>, vector<16xi32>
      %add3A_826 = arith.constant 15 : i32
      %add3A_827 = vector.broadcast %add3A_826 : i32 to vector<16xi32>
      %add3A_828 = arith.addi %select_n3A_820, %add3A_827 : vector<16xi32>
      %gather3A_829 = tpu.vector_load_idx %arg6[%add3A_828] : memref<512xi32, #tpu.memory_space<vmem>>[vector<16xi32>], vector<16xi32>,
      %add3A_830 = arith.constant 15 : i32
      %add3A_831 = vector.broadcast %add3A_830 : i32 to vector<16xi32>
      %add3A_832 = arith.addi %select_n3A_825, %add3A_831 : vector<16xi32>
      %gather3A_833 = tpu.vector_load_idx %arg6[%add3A_832] : memref<512xi32, #tpu.memory_space<vmem>>[vector<16xi32>], vector<16xi32>,
      %le3A_834 = arith.cmpi sle, %gather3A_829, %add3A_698 : vector<16xi32>
      %add3A_835 = arith.constant 16 : i32
      %add3A_836 = vector.broadcast %add3A_835 : i32 to vector<16xi32>
      %add3A_837 = arith.addi %select_n3A_820, %add3A_836 : vector<16xi32>
      %select_n3A_838 = arith.select %le3A_834, %add3A_837, %select_n3A_820 : vector<16xi1>, vector<16xi32>
      %le3A_839 = arith.cmpi sle, %gather3A_833, %add3A_752 : vector<16xi32>
      %add3A_840 = arith.constant 16 : i32
      %add3A_841 = vector.broadcast %add3A_840 : i32 to vector<16xi32>
      %add3A_842 = arith.addi %select_n3A_825, %add3A_841 : vector<16xi32>
      %select_n3A_843 = arith.select %le3A_839, %add3A_842, %select_n3A_825 : vector<16xi1>, vector<16xi32>
      %add3A_844 = arith.constant 7 : i32
      %add3A_845 = vector.broadcast %add3A_844 : i32 to vector<16xi32>
      %add3A_846 = arith.addi %select_n3A_838, %add3A_845 : vector<16xi32>
      %gather3A_847 = tpu.vector_load_idx %arg6[%add3A_846] : memref<512xi32, #tpu.memory_space<vmem>>[vector<16xi32>], vector<16xi32>,
      %add3A_848 = arith.constant 7 : i32
      %add3A_849 = vector.broadcast %add3A_848 : i32 to vector<16xi32>
      %add3A_850 = arith.addi %select_n3A_843, %add3A_849 : vector<16xi32>
      %gather3A_851 = tpu.vector_load_idx %arg6[%add3A_850] : memref<512xi32, #tpu.memory_space<vmem>>[vector<16xi32>], vector<16xi32>,
      %le3A_852 = arith.cmpi sle, %gather3A_847, %add3A_698 : vector<16xi32>
      %add3A_853 = arith.constant 8 : i32
      %add3A_854 = vector.broadcast %add3A_853 : i32 to vector<16xi32>
      %add3A_855 = arith.addi %select_n3A_838, %add3A_854 : vector<16xi32>
      %select_n3A_856 = arith.select %le3A_852, %add3A_855, %select_n3A_838 : vector<16xi1>, vector<16xi32>
      %le3A_857 = arith.cmpi sle, %gather3A_851, %add3A_752 : vector<16xi32>
      %add3A_858 = arith.constant 8 : i32
      %add3A_859 = vector.broadcast %add3A_858 : i32 to vector<16xi32>
      %add3A_860 = arith.addi %select_n3A_843, %add3A_859 : vector<16xi32>
      %select_n3A_861 = arith.select %le3A_857, %add3A_860, %select_n3A_843 : vector<16xi1>, vector<16xi32>
      %add3A_862 = arith.constant 3 : i32
      %add3A_863 = vector.broadcast %add3A_862 : i32 to vector<16xi32>
      %add3A_864 = arith.addi %select_n3A_856, %add3A_863 : vector<16xi32>
      %gather3A_865 = tpu.vector_load_idx %arg6[%add3A_864] : memref<512xi32, #tpu.memory_space<vmem>>[vector<16xi32>], vector<16xi32>,
      %add3A_866 = arith.constant 3 : i32
      %add3A_867 = vector.broadcast %add3A_866 : i32 to vector<16xi32>
      %add3A_868 = arith.addi %select_n3A_861, %add3A_867 : vector<16xi32>
      %gather3A_869 = tpu.vector_load_idx %arg6[%add3A_868] : memref<512xi32, #tpu.memory_space<vmem>>[vector<16xi32>], vector<16xi32>,
      %le3A_870 = arith.cmpi sle, %gather3A_865, %add3A_698 : vector<16xi32>
      %add3A_871 = arith.constant 4 : i32
      %add3A_872 = vector.broadcast %add3A_871 : i32 to vector<16xi32>
      %add3A_873 = arith.addi %select_n3A_856, %add3A_872 : vector<16xi32>
      %select_n3A_874 = arith.select %le3A_870, %add3A_873, %select_n3A_856 : vector<16xi1>, vector<16xi32>
      %le3A_875 = arith.cmpi sle, %gather3A_869, %add3A_752 : vector<16xi32>
      %add3A_876 = arith.constant 4 : i32
      %add3A_877 = vector.broadcast %add3A_876 : i32 to vector<16xi32>
      %add3A_878 = arith.addi %select_n3A_861, %add3A_877 : vector<16xi32>
      %select_n3A_879 = arith.select %le3A_875, %add3A_878, %select_n3A_861 : vector<16xi1>, vector<16xi32>
      %add3A_880 = arith.constant 1 : i32
      %add3A_881 = vector.broadcast %add3A_880 : i32 to vector<16xi32>
      %add3A_882 = arith.addi %select_n3A_874, %add3A_881 : vector<16xi32>
      %gather3A_883 = tpu.vector_load_idx %arg6[%add3A_882] : memref<512xi32, #tpu.memory_space<vmem>>[vector<16xi32>], vector<16xi32>,
      %add3A_884 = arith.constant 1 : i32
      %add3A_885 = vector.broadcast %add3A_884 : i32 to vector<16xi32>
      %add3A_886 = arith.addi %select_n3A_879, %add3A_885 : vector<16xi32>
      %gather3A_887 = tpu.vector_load_idx %arg6[%add3A_886] : memref<512xi32, #tpu.memory_space<vmem>>[vector<16xi32>], vector<16xi32>,
      %le3A_888 = arith.cmpi sle, %gather3A_883, %add3A_698 : vector<16xi32>
      %add3A_889 = arith.constant 2 : i32
      %add3A_890 = vector.broadcast %add3A_889 : i32 to vector<16xi32>
      %add3A_891 = arith.addi %select_n3A_874, %add3A_890 : vector<16xi32>
      %select_n3A_892 = arith.select %le3A_888, %add3A_891, %select_n3A_874 : vector<16xi1>, vector<16xi32>
      %le3A_893 = arith.cmpi sle, %gather3A_887, %add3A_752 : vector<16xi32>
      %add3A_894 = arith.constant 2 : i32
      %add3A_895 = vector.broadcast %add3A_894 : i32 to vector<16xi32>
      %add3A_896 = arith.addi %select_n3A_879, %add3A_895 : vector<16xi32>
      %select_n3A_897 = arith.select %le3A_893, %add3A_896, %select_n3A_879 : vector<16xi1>, vector<16xi32>
      %add3A_898 = arith.constant 0 : i32
      %add3A_899 = vector.broadcast %add3A_898 : i32 to vector<16xi32>
      %add3A_900 = arith.addi %select_n3A_892, %add3A_899 : vector<16xi32>
      %gather3A_901 = tpu.vector_load_idx %arg6[%add3A_900] : memref<512xi32, #tpu.memory_space<vmem>>[vector<16xi32>], vector<16xi32>,
      %add3A_902 = arith.constant 0 : i32
      %add3A_903 = vector.broadcast %add3A_902 : i32 to vector<16xi32>
      %add3A_904 = arith.addi %select_n3A_897, %add3A_903 : vector<16xi32>
      %gather3A_905 = tpu.vector_load_idx %arg6[%add3A_904] : memref<512xi32, #tpu.memory_space<vmem>>[vector<16xi32>], vector<16xi32>,
      %le3A_906 = arith.cmpi sle, %gather3A_901, %add3A_698 : vector<16xi32>
      %add3A_907 = arith.constant 1 : i32
      %add3A_908 = vector.broadcast %add3A_907 : i32 to vector<16xi32>
      %add3A_909 = arith.addi %select_n3A_892, %add3A_908 : vector<16xi32>
      %select_n3A_910 = arith.select %le3A_906, %add3A_909, %select_n3A_892 : vector<16xi1>, vector<16xi32>
      %le3A_911 = arith.cmpi sle, %gather3A_905, %add3A_752 : vector<16xi32>
      %add3A_912 = arith.constant 1 : i32
      %add3A_913 = vector.broadcast %add3A_912 : i32 to vector<16xi32>
      %add3A_914 = arith.addi %select_n3A_897, %add3A_913 : vector<16xi32>
      %select_n3A_915 = arith.select %le3A_911, %add3A_914, %select_n3A_897 : vector<16xi1>, vector<16xi32>
      %gather3A_916 = tpu.vector_load_idx %arg6[%select_n3A_910] : memref<512xi32, #tpu.memory_space<vmem>>[vector<16xi32>], vector<16xi32>,
      %gather3A_917 = tpu.vector_load_idx %arg6[%select_n3A_915] : memref<512xi32, #tpu.memory_space<vmem>>[vector<16xi32>], vector<16xi32>,
      %le3A_918 = arith.cmpi sle, %gather3A_916, %add3A_698 : vector<16xi32>
      %convert_element_type3A_919 = arith.extui %le3A_918 : vector<16xi1> to vector<16xi32>
      %add3A_920 = arith.addi %select_n3A_910, %convert_element_type3A_919 : vector<16xi32>
      %min3A = arith.constant 511 : i32
      %min3A_921 = vector.broadcast %min3A : i32 to vector<16xi32>
      %min3A_922 = arith.minsi %add3A_920, %min3A_921 : vector<16xi32>
      %le3A_923 = arith.cmpi sle, %gather3A_917, %add3A_752 : vector<16xi32>
      %convert_element_type3A_924 = arith.extui %le3A_923 : vector<16xi1> to vector<16xi32>
      %add3A_925 = arith.addi %select_n3A_915, %convert_element_type3A_924 : vector<16xi32>
      %min3A_926 = arith.constant 511 : i32
      %min3A_927 = vector.broadcast %min3A_926 : i32 to vector<16xi32>
      %min3A_928 = arith.minsi %add3A_925, %min3A_927 : vector<16xi32>
      %lt3A_929 = vector.broadcast %scan3A_17 : i32 to vector<16xi32>
      %lt3A_930 = arith.cmpi slt, %add3A_698, %lt3A_929 : vector<16xi32>
      %mul3A_931 = arith.constant 512 : i32
      %mul3A_932 = arith.muli %and3A_1, %mul3A_931 : i32
      %add3A_933 = vector.broadcast %mul3A_932 : i32 to vector<16xi32>
      %add3A_934 = arith.addi %add3A_933, %min3A_922 : vector<16xi32>
      %and3A_935 = arith.constant 63 : i32
      %and3A_936 = vector.broadcast %and3A_935 : i32 to vector<16xi32>
      %and3A_937 = arith.andi %add3A_698, %and3A_936 : vector<16xi32>
      %add3A_938 = arith.constant 4096 : i32
      %add3A_939 = vector.broadcast %add3A_938 : i32 to vector<16xi32>
      %add3A_940 = arith.addi %add3A_939, %and3A_937 : vector<16xi32>
      %select_n3A_941 = arith.select %lt3A_930, %add3A_934, %add3A_940 : vector<16xi1>, vector<16xi32>
      %lt3A_942 = vector.broadcast %scan3A_17 : i32 to vector<16xi32>
      %lt3A_943 = arith.cmpi slt, %add3A_752, %lt3A_942 : vector<16xi32>
      %mul3A_944 = arith.constant 512 : i32
      %mul3A_945 = arith.muli %and3A_1, %mul3A_944 : i32
      %add3A_946 = vector.broadcast %mul3A_945 : i32 to vector<16xi32>
      %add3A_947 = arith.addi %add3A_946, %min3A_928 : vector<16xi32>
      %and3A_948 = arith.constant 63 : i32
      %and3A_949 = vector.broadcast %and3A_948 : i32 to vector<16xi32>
      %and3A_950 = arith.andi %add3A_752, %and3A_949 : vector<16xi32>
      %add3A_951 = arith.constant 4096 : i32
      %add3A_952 = vector.broadcast %add3A_951 : i32 to vector<16xi32>
      %add3A_953 = arith.addi %add3A_952, %and3A_950 : vector<16xi32>
      %select_n3A_954 = arith.select %lt3A_943, %add3A_947, %add3A_953 : vector<16xi1>, vector<16xi32>
      %mul3A_955 = arith.constant 2 : i32
      %mul3A_956 = arith.muli %mul3A_955, %scan3A_653 : i32
      %mul3A_957 = arith.constant 16 : i32
      %mul3A_958 = arith.muli %mul3A_956, %mul3A_957 : i32
      %swap3A = arith.index_cast %mul3A_958 : i32 to index
      %swap3A_959 = tpu.vector_load %arg7[%swap3A] {strides = array<i32>} : memref<1024xi32, #tpu.memory_space<vmem>>, vector<16xi32>,
      tpu.vector_store %arg7[%swap3A], %select_n3A_941 {strides = array<i32>} : memref<1024xi32, #tpu.memory_space<vmem>>, vector<16xi32>,
      %mul3A_960 = arith.constant 2 : i32
      %mul3A_961 = arith.muli %mul3A_960, %scan3A_653 : i32
      %add3A_962 = arith.constant 1 : i32
      %add3A_963 = arith.addi %mul3A_961, %add3A_962 : i32
      %mul3A_964 = arith.constant 16 : i32
      %mul3A_965 = arith.muli %add3A_963, %mul3A_964 : i32
      %swap3A_966 = arith.index_cast %mul3A_965 : i32 to index
      %swap3A_967 = tpu.vector_load %arg7[%swap3A_966] {strides = array<i32>} : memref<1024xi32, #tpu.memory_space<vmem>>, vector<16xi32>,
      tpu.vector_store %arg7[%swap3A_966], %select_n3A_954 {strides = array<i32>} : memref<1024xi32, #tpu.memory_space<vmem>>, vector<16xi32>,
      %scan3A_968 = arith.constant 0 : i32
      scf.yield %scan3A_968 : i32
    }
    %scan3A_25 = arith.constant 4 : i32
    %add3A_26 = arith.constant 0 : i32
    %add3A_27 = arith.addi %shift_right_arithmetic3A_2, %add3A_26 : i32
    %mul3A_28 = arith.constant 64 : i32
    %mul3A_29 = arith.muli %add3A_27, %mul3A_28 : i32
    %lt3A = arith.cmpi slt, %mul3A_29, %scan3A_17 : i32
    %convert_element_type3A = arith.extui %lt3A : i1 to i32
    %cond3A = arith.constant 0 : i32
    %cond3A_30 = arith.cmpi ne, %convert_element_type3A, %cond3A : i32
    scf.if %cond3A_30 {
      %dma_start3A_653 = arith.constant 0 : i32
      %dma_start3A_654 = tpu.memref_slice %arg7[%dma_start3A_653] : memref<1024xi32, #tpu.memory_space<vmem>> -> memref<64xi32, #tpu.memory_space<vmem>>
      %dma_start3A_655 = arith.constant 0 : i32
      %dma_start3A_656 = arith.constant 0 : i32
      %dma_start3A_657 = tpu.memref_slice %arg2[%dma_start3A_655, %dma_start3A_656] : memref<4160x512xf32, #tpu.memory_space<hbm>> -> memref<4160x512xf32, #tpu.memory_space<hbm>>
      tpu.enqueue_indirect_dma source(%dma_start3A_657 : memref<4160x512xf32, #tpu.memory_space<hbm>>) target(%arg9 : memref<64x512xf32, #tpu.memory_space<vmem>>) offsets(%dma_start3A_654 : memref<64xi32, #tpu.memory_space<vmem>>) semaphore(%arg14 : memref<!tpu.dma_semaphore, #tpu.memory_space<semaphore_mem>>)
    } else {
    }
    %add3A_31 = arith.constant 4 : i32
    %add3A_32 = arith.addi %shift_right_arithmetic3A_2, %add3A_31 : i32
    %mul3A_33 = arith.constant 64 : i32
    %mul3A_34 = arith.muli %add3A_32, %mul3A_33 : i32
    %lt3A_35 = arith.cmpi slt, %mul3A_34, %scan3A_17 : i32
    %convert_element_type3A_36 = arith.extui %lt3A_35 : i1 to i32
    %cond3A_37 = arith.constant 0 : i32
    %cond3A_38 = arith.cmpi ne, %convert_element_type3A_36, %cond3A_37 : i32
    scf.if %cond3A_38 {
      %dma_start3A_653 = arith.constant 64 : i32
      %dma_start3A_654 = tpu.memref_slice %arg7[%dma_start3A_653] : memref<1024xi32, #tpu.memory_space<vmem>> -> memref<64xi32, #tpu.memory_space<vmem>>
      %dma_start3A_655 = arith.constant 0 : i32
      %dma_start3A_656 = arith.constant 0 : i32
      %dma_start3A_657 = tpu.memref_slice %arg2[%dma_start3A_655, %dma_start3A_656] : memref<4160x512xf32, #tpu.memory_space<hbm>> -> memref<4160x512xf32, #tpu.memory_space<hbm>>
      tpu.enqueue_indirect_dma source(%dma_start3A_657 : memref<4160x512xf32, #tpu.memory_space<hbm>>) target(%arg10 : memref<64x512xf32, #tpu.memory_space<vmem>>) offsets(%dma_start3A_654 : memref<64xi32, #tpu.memory_space<vmem>>) semaphore(%arg15 : memref<!tpu.dma_semaphore, #tpu.memory_space<semaphore_mem>>)
    } else {
    }
    %scan3A_39 = arith.constant 0 : i32
    %scan3A_40 = arith.constant 4 : i32
    %scan3A_41 = arith.constant 28 : i32
    %scan3A_42 = arith.addi %scan3A_40, %scan3A_41 : i32
    %scan3A_43 = arith.constant 1 : i32
    %scan3A_44 = scf.for %scan3A_653 = %scan3A_40 to %scan3A_42 step %scan3A_43 iter_args(%scan3A_654 = %scan3A_39) -> (i32)  : i32 {
      %mul3A_655 = arith.constant 2 : i32
      %mul3A_656 = arith.muli %mul3A_655, %scan3A_653 : i32
      %jit3A = arith.constant 4 : i32
      %div3A = arith.divsi %mul3A_656, %jit3A : i32
      %sign3A = arith.constant 0 : i32
      %sign3A_657 = arith.cmpi sgt, %mul3A_656, %sign3A : i32
      %sign3A_658 = arith.extui %sign3A_657 : i1 to i32
      %sign3A_659 = arith.constant 0 : i32
      %sign3A_660 = arith.cmpi slt, %mul3A_656, %sign3A_659 : i32
      %sign3A_661 = arith.extui %sign3A_660 : i1 to i32
      %sign3A_662 = arith.subi %sign3A_658, %sign3A_661 : i32
      %sign3A_663 = arith.constant 0 : i32
      %sign3A_664 = arith.cmpi sgt, %jit3A, %sign3A_663 : i32
      %sign3A_665 = arith.extui %sign3A_664 : i1 to i32
      %sign3A_666 = arith.constant 0 : i32
      %sign3A_667 = arith.cmpi slt, %jit3A, %sign3A_666 : i32
      %sign3A_668 = arith.extui %sign3A_667 : i1 to i32
      %sign3A_669 = arith.subi %sign3A_665, %sign3A_668 : i32
      %ne3A = arith.cmpi ne, %sign3A_662, %sign3A_669 : i32
      %rem3A = arith.remsi %mul3A_656, %jit3A : i32
      %ne3A_670 = arith.constant 0 : i32
      %ne3A_671 = arith.cmpi ne, %rem3A, %ne3A_670 : i32
      %and3A_672 = arith.andi %ne3A, %ne3A_671 : i1
      %sub3A = arith.constant 1 : i32
      %sub3A_673 = arith.subi %div3A, %sub3A : i32
      %select_n3A = arith.select %and3A_672, %sub3A_673, %div3A : i32
      %jit3A_674 = arith.constant 4 : i32
      %eq3A = arith.constant 0 : i32
      %eq3A_675 = arith.cmpi eq, %jit3A_674, %eq3A : i32
      %jit3A_676 = arith.constant 1 : i32
      %select_n3A_677 = arith.select %eq3A_675, %jit3A_676, %jit3A_674 : i32
      %rem3A_678 = arith.remsi %mul3A_656, %select_n3A_677 : i32
      %ne3A_679 = arith.constant 0 : i32
      %ne3A_680 = arith.cmpi ne, %rem3A_678, %ne3A_679 : i32
      %lt3A_681 = arith.constant 0 : i32
      %lt3A_682 = arith.cmpi slt, %rem3A_678, %lt3A_681 : i32
      %lt3A_683 = arith.constant 0 : i32
      %lt3A_684 = arith.cmpi slt, %select_n3A_677, %lt3A_683 : i32
      %ne3A_685 = arith.xori %lt3A_682, %lt3A_684 : i1
      %and3A_686 = arith.andi %ne3A_685, %ne3A_680 : i1
      %add3A_687 = arith.addi %rem3A_678, %select_n3A_677 : i32
      %select_n3A_688 = arith.select %and3A_686, %add3A_687, %rem3A_678 : i32
      %mul3A_689 = arith.constant 4 : i32
      %mul3A_690 = arith.muli %mul3A_689, %select_n3A : i32
      %add3A_691 = arith.addi %shift_right_arithmetic3A_2, %mul3A_690 : i32
      %mul3A_692 = arith.constant 64 : i32
      %mul3A_693 = arith.muli %add3A_691, %mul3A_692 : i32
      %mul3A_694 = arith.constant 16 : i32
      %mul3A_695 = arith.muli %select_n3A_688, %mul3A_694 : i32
      %add3A_696 = arith.addi %mul3A_693, %mul3A_695 : i32
      %add3A_697 = vector.broadcast %add3A_696 : i32 to vector<16xi32>
      %add3A_698 = arith.addi %add3A_697, %iota3A : vector<16xi32>
      %mul3A_699 = arith.constant 2 : i32
      %mul3A_700 = arith.muli %mul3A_699, %scan3A_653 : i32
      %add3A_701 = arith.constant 1 : i32
      %add3A_702 = arith.addi %mul3A_700, %add3A_701 : i32
      %jit3A_703 = arith.constant 4 : i32
      %div3A_704 = arith.divsi %add3A_702, %jit3A_703 : i32
      %sign3A_705 = arith.constant 0 : i32
      %sign3A_706 = arith.cmpi sgt, %add3A_702, %sign3A_705 : i32
      %sign3A_707 = arith.extui %sign3A_706 : i1 to i32
      %sign3A_708 = arith.constant 0 : i32
      %sign3A_709 = arith.cmpi slt, %add3A_702, %sign3A_708 : i32
      %sign3A_710 = arith.extui %sign3A_709 : i1 to i32
      %sign3A_711 = arith.subi %sign3A_707, %sign3A_710 : i32
      %sign3A_712 = arith.constant 0 : i32
      %sign3A_713 = arith.cmpi sgt, %jit3A_703, %sign3A_712 : i32
      %sign3A_714 = arith.extui %sign3A_713 : i1 to i32
      %sign3A_715 = arith.constant 0 : i32
      %sign3A_716 = arith.cmpi slt, %jit3A_703, %sign3A_715 : i32
      %sign3A_717 = arith.extui %sign3A_716 : i1 to i32
      %sign3A_718 = arith.subi %sign3A_714, %sign3A_717 : i32
      %ne3A_719 = arith.cmpi ne, %sign3A_711, %sign3A_718 : i32
      %rem3A_720 = arith.remsi %add3A_702, %jit3A_703 : i32
      %ne3A_721 = arith.constant 0 : i32
      %ne3A_722 = arith.cmpi ne, %rem3A_720, %ne3A_721 : i32
      %and3A_723 = arith.andi %ne3A_719, %ne3A_722 : i1
      %sub3A_724 = arith.constant 1 : i32
      %sub3A_725 = arith.subi %div3A_704, %sub3A_724 : i32
      %select_n3A_726 = arith.select %and3A_723, %sub3A_725, %div3A_704 : i32
      %jit3A_727 = arith.constant 4 : i32
      %eq3A_728 = arith.constant 0 : i32
      %eq3A_729 = arith.cmpi eq, %jit3A_727, %eq3A_728 : i32
      %jit3A_730 = arith.constant 1 : i32
      %select_n3A_731 = arith.select %eq3A_729, %jit3A_730, %jit3A_727 : i32
      %rem3A_732 = arith.remsi %add3A_702, %select_n3A_731 : i32
      %ne3A_733 = arith.constant 0 : i32
      %ne3A_734 = arith.cmpi ne, %rem3A_732, %ne3A_733 : i32
      %lt3A_735 = arith.constant 0 : i32
      %lt3A_736 = arith.cmpi slt, %rem3A_732, %lt3A_735 : i32
      %lt3A_737 = arith.constant 0 : i32
      %lt3A_738 = arith.cmpi slt, %select_n3A_731, %lt3A_737 : i32
      %ne3A_739 = arith.xori %lt3A_736, %lt3A_738 : i1
      %and3A_740 = arith.andi %ne3A_739, %ne3A_734 : i1
      %add3A_741 = arith.addi %rem3A_732, %select_n3A_731 : i32
      %select_n3A_742 = arith.select %and3A_740, %add3A_741, %rem3A_732 : i32
      %mul3A_743 = arith.constant 4 : i32
      %mul3A_744 = arith.muli %mul3A_743, %select_n3A_726 : i32
      %add3A_745 = arith.addi %shift_right_arithmetic3A_2, %mul3A_744 : i32
      %mul3A_746 = arith.constant 64 : i32
      %mul3A_747 = arith.muli %add3A_745, %mul3A_746 : i32
      %mul3A_748 = arith.constant 16 : i32
      %mul3A_749 = arith.muli %select_n3A_742, %mul3A_748 : i32
      %add3A_750 = arith.addi %mul3A_747, %mul3A_749 : i32
      %add3A_751 = vector.broadcast %add3A_750 : i32 to vector<16xi32>
      %add3A_752 = arith.addi %add3A_751, %iota3A : vector<16xi32>
      %broadcast_in_dim3A = arith.constant 0 : i32
      %broadcast_in_dim3A_753 = vector.broadcast %broadcast_in_dim3A : i32 to vector<16xi32>
      %broadcast_in_dim3A_754 = arith.constant 0 : i32
      %broadcast_in_dim3A_755 = vector.broadcast %broadcast_in_dim3A_754 : i32 to vector<16xi32>
      %add3A_756 = arith.constant 255 : i32
      %add3A_757 = vector.broadcast %add3A_756 : i32 to vector<16xi32>
      %add3A_758 = arith.addi %broadcast_in_dim3A_753, %add3A_757 : vector<16xi32>
      %gather3A = tpu.vector_load_idx %arg6[%add3A_758] : memref<512xi32, #tpu.memory_space<vmem>>[vector<16xi32>], vector<16xi32>,
      %add3A_759 = arith.constant 255 : i32
      %add3A_760 = vector.broadcast %add3A_759 : i32 to vector<16xi32>
      %add3A_761 = arith.addi %broadcast_in_dim3A_755, %add3A_760 : vector<16xi32>
      %gather3A_762 = tpu.vector_load_idx %arg6[%add3A_761] : memref<512xi32, #tpu.memory_space<vmem>>[vector<16xi32>], vector<16xi32>,
      %le3A = arith.cmpi sle, %gather3A, %add3A_698 : vector<16xi32>
      %add3A_763 = arith.constant 256 : i32
      %add3A_764 = vector.broadcast %add3A_763 : i32 to vector<16xi32>
      %add3A_765 = arith.addi %broadcast_in_dim3A_753, %add3A_764 : vector<16xi32>
      %select_n3A_766 = arith.select %le3A, %add3A_765, %broadcast_in_dim3A_753 : vector<16xi1>, vector<16xi32>
      %le3A_767 = arith.cmpi sle, %gather3A_762, %add3A_752 : vector<16xi32>
      %add3A_768 = arith.constant 256 : i32
      %add3A_769 = vector.broadcast %add3A_768 : i32 to vector<16xi32>
      %add3A_770 = arith.addi %broadcast_in_dim3A_755, %add3A_769 : vector<16xi32>
      %select_n3A_771 = arith.select %le3A_767, %add3A_770, %broadcast_in_dim3A_755 : vector<16xi1>, vector<16xi32>
      %add3A_772 = arith.constant 127 : i32
      %add3A_773 = vector.broadcast %add3A_772 : i32 to vector<16xi32>
      %add3A_774 = arith.addi %select_n3A_766, %add3A_773 : vector<16xi32>
      %gather3A_775 = tpu.vector_load_idx %arg6[%add3A_774] : memref<512xi32, #tpu.memory_space<vmem>>[vector<16xi32>], vector<16xi32>,
      %add3A_776 = arith.constant 127 : i32
      %add3A_777 = vector.broadcast %add3A_776 : i32 to vector<16xi32>
      %add3A_778 = arith.addi %select_n3A_771, %add3A_777 : vector<16xi32>
      %gather3A_779 = tpu.vector_load_idx %arg6[%add3A_778] : memref<512xi32, #tpu.memory_space<vmem>>[vector<16xi32>], vector<16xi32>,
      %le3A_780 = arith.cmpi sle, %gather3A_775, %add3A_698 : vector<16xi32>
      %add3A_781 = arith.constant 128 : i32
      %add3A_782 = vector.broadcast %add3A_781 : i32 to vector<16xi32>
      %add3A_783 = arith.addi %select_n3A_766, %add3A_782 : vector<16xi32>
      %select_n3A_784 = arith.select %le3A_780, %add3A_783, %select_n3A_766 : vector<16xi1>, vector<16xi32>
      %le3A_785 = arith.cmpi sle, %gather3A_779, %add3A_752 : vector<16xi32>
      %add3A_786 = arith.constant 128 : i32
      %add3A_787 = vector.broadcast %add3A_786 : i32 to vector<16xi32>
      %add3A_788 = arith.addi %select_n3A_771, %add3A_787 : vector<16xi32>
      %select_n3A_789 = arith.select %le3A_785, %add3A_788, %select_n3A_771 : vector<16xi1>, vector<16xi32>
      %add3A_790 = arith.constant 63 : i32
      %add3A_791 = vector.broadcast %add3A_790 : i32 to vector<16xi32>
      %add3A_792 = arith.addi %select_n3A_784, %add3A_791 : vector<16xi32>
      %gather3A_793 = tpu.vector_load_idx %arg6[%add3A_792] : memref<512xi32, #tpu.memory_space<vmem>>[vector<16xi32>], vector<16xi32>,
      %add3A_794 = arith.constant 63 : i32
      %add3A_795 = vector.broadcast %add3A_794 : i32 to vector<16xi32>
      %add3A_796 = arith.addi %select_n3A_789, %add3A_795 : vector<16xi32>
      %gather3A_797 = tpu.vector_load_idx %arg6[%add3A_796] : memref<512xi32, #tpu.memory_space<vmem>>[vector<16xi32>], vector<16xi32>,
      %le3A_798 = arith.cmpi sle, %gather3A_793, %add3A_698 : vector<16xi32>
      %add3A_799 = arith.constant 64 : i32
      %add3A_800 = vector.broadcast %add3A_799 : i32 to vector<16xi32>
      %add3A_801 = arith.addi %select_n3A_784, %add3A_800 : vector<16xi32>
      %select_n3A_802 = arith.select %le3A_798, %add3A_801, %select_n3A_784 : vector<16xi1>, vector<16xi32>
      %le3A_803 = arith.cmpi sle, %gather3A_797, %add3A_752 : vector<16xi32>
      %add3A_804 = arith.constant 64 : i32
      %add3A_805 = vector.broadcast %add3A_804 : i32 to vector<16xi32>
      %add3A_806 = arith.addi %select_n3A_789, %add3A_805 : vector<16xi32>
      %select_n3A_807 = arith.select %le3A_803, %add3A_806, %select_n3A_789 : vector<16xi1>, vector<16xi32>
      %add3A_808 = arith.constant 31 : i32
      %add3A_809 = vector.broadcast %add3A_808 : i32 to vector<16xi32>
      %add3A_810 = arith.addi %select_n3A_802, %add3A_809 : vector<16xi32>
      %gather3A_811 = tpu.vector_load_idx %arg6[%add3A_810] : memref<512xi32, #tpu.memory_space<vmem>>[vector<16xi32>], vector<16xi32>,
      %add3A_812 = arith.constant 31 : i32
      %add3A_813 = vector.broadcast %add3A_812 : i32 to vector<16xi32>
      %add3A_814 = arith.addi %select_n3A_807, %add3A_813 : vector<16xi32>
      %gather3A_815 = tpu.vector_load_idx %arg6[%add3A_814] : memref<512xi32, #tpu.memory_space<vmem>>[vector<16xi32>], vector<16xi32>,
      %le3A_816 = arith.cmpi sle, %gather3A_811, %add3A_698 : vector<16xi32>
      %add3A_817 = arith.constant 32 : i32
      %add3A_818 = vector.broadcast %add3A_817 : i32 to vector<16xi32>
      %add3A_819 = arith.addi %select_n3A_802, %add3A_818 : vector<16xi32>
      %select_n3A_820 = arith.select %le3A_816, %add3A_819, %select_n3A_802 : vector<16xi1>, vector<16xi32>
      %le3A_821 = arith.cmpi sle, %gather3A_815, %add3A_752 : vector<16xi32>
      %add3A_822 = arith.constant 32 : i32
      %add3A_823 = vector.broadcast %add3A_822 : i32 to vector<16xi32>
      %add3A_824 = arith.addi %select_n3A_807, %add3A_823 : vector<16xi32>
      %select_n3A_825 = arith.select %le3A_821, %add3A_824, %select_n3A_807 : vector<16xi1>, vector<16xi32>
      %add3A_826 = arith.constant 15 : i32
      %add3A_827 = vector.broadcast %add3A_826 : i32 to vector<16xi32>
      %add3A_828 = arith.addi %select_n3A_820, %add3A_827 : vector<16xi32>
      %gather3A_829 = tpu.vector_load_idx %arg6[%add3A_828] : memref<512xi32, #tpu.memory_space<vmem>>[vector<16xi32>], vector<16xi32>,
      %add3A_830 = arith.constant 15 : i32
      %add3A_831 = vector.broadcast %add3A_830 : i32 to vector<16xi32>
      %add3A_832 = arith.addi %select_n3A_825, %add3A_831 : vector<16xi32>
      %gather3A_833 = tpu.vector_load_idx %arg6[%add3A_832] : memref<512xi32, #tpu.memory_space<vmem>>[vector<16xi32>], vector<16xi32>,
      %le3A_834 = arith.cmpi sle, %gather3A_829, %add3A_698 : vector<16xi32>
      %add3A_835 = arith.constant 16 : i32
      %add3A_836 = vector.broadcast %add3A_835 : i32 to vector<16xi32>
      %add3A_837 = arith.addi %select_n3A_820, %add3A_836 : vector<16xi32>
      %select_n3A_838 = arith.select %le3A_834, %add3A_837, %select_n3A_820 : vector<16xi1>, vector<16xi32>
      %le3A_839 = arith.cmpi sle, %gather3A_833, %add3A_752 : vector<16xi32>
      %add3A_840 = arith.constant 16 : i32
      %add3A_841 = vector.broadcast %add3A_840 : i32 to vector<16xi32>
      %add3A_842 = arith.addi %select_n3A_825, %add3A_841 : vector<16xi32>
      %select_n3A_843 = arith.select %le3A_839, %add3A_842, %select_n3A_825 : vector<16xi1>, vector<16xi32>
      %add3A_844 = arith.constant 7 : i32
      %add3A_845 = vector.broadcast %add3A_844 : i32 to vector<16xi32>
      %add3A_846 = arith.addi %select_n3A_838, %add3A_845 : vector<16xi32>
      %gather3A_847 = tpu.vector_load_idx %arg6[%add3A_846] : memref<512xi32, #tpu.memory_space<vmem>>[vector<16xi32>], vector<16xi32>,
      %add3A_848 = arith.constant 7 : i32
      %add3A_849 = vector.broadcast %add3A_848 : i32 to vector<16xi32>
      %add3A_850 = arith.addi %select_n3A_843, %add3A_849 : vector<16xi32>
      %gather3A_851 = tpu.vector_load_idx %arg6[%add3A_850] : memref<512xi32, #tpu.memory_space<vmem>>[vector<16xi32>], vector<16xi32>,
      %le3A_852 = arith.cmpi sle, %gather3A_847, %add3A_698 : vector<16xi32>
      %add3A_853 = arith.constant 8 : i32
      %add3A_854 = vector.broadcast %add3A_853 : i32 to vector<16xi32>
      %add3A_855 = arith.addi %select_n3A_838, %add3A_854 : vector<16xi32>
      %select_n3A_856 = arith.select %le3A_852, %add3A_855, %select_n3A_838 : vector<16xi1>, vector<16xi32>
      %le3A_857 = arith.cmpi sle, %gather3A_851, %add3A_752 : vector<16xi32>
      %add3A_858 = arith.constant 8 : i32
      %add3A_859 = vector.broadcast %add3A_858 : i32 to vector<16xi32>
      %add3A_860 = arith.addi %select_n3A_843, %add3A_859 : vector<16xi32>
      %select_n3A_861 = arith.select %le3A_857, %add3A_860, %select_n3A_843 : vector<16xi1>, vector<16xi32>
      %add3A_862 = arith.constant 3 : i32
      %add3A_863 = vector.broadcast %add3A_862 : i32 to vector<16xi32>
      %add3A_864 = arith.addi %select_n3A_856, %add3A_863 : vector<16xi32>
      %gather3A_865 = tpu.vector_load_idx %arg6[%add3A_864] : memref<512xi32, #tpu.memory_space<vmem>>[vector<16xi32>], vector<16xi32>,
      %add3A_866 = arith.constant 3 : i32
      %add3A_867 = vector.broadcast %add3A_866 : i32 to vector<16xi32>
      %add3A_868 = arith.addi %select_n3A_861, %add3A_867 : vector<16xi32>
      %gather3A_869 = tpu.vector_load_idx %arg6[%add3A_868] : memref<512xi32, #tpu.memory_space<vmem>>[vector<16xi32>], vector<16xi32>,
      %le3A_870 = arith.cmpi sle, %gather3A_865, %add3A_698 : vector<16xi32>
      %add3A_871 = arith.constant 4 : i32
      %add3A_872 = vector.broadcast %add3A_871 : i32 to vector<16xi32>
      %add3A_873 = arith.addi %select_n3A_856, %add3A_872 : vector<16xi32>
      %select_n3A_874 = arith.select %le3A_870, %add3A_873, %select_n3A_856 : vector<16xi1>, vector<16xi32>
      %le3A_875 = arith.cmpi sle, %gather3A_869, %add3A_752 : vector<16xi32>
      %add3A_876 = arith.constant 4 : i32
      %add3A_877 = vector.broadcast %add3A_876 : i32 to vector<16xi32>
      %add3A_878 = arith.addi %select_n3A_861, %add3A_877 : vector<16xi32>
      %select_n3A_879 = arith.select %le3A_875, %add3A_878, %select_n3A_861 : vector<16xi1>, vector<16xi32>
      %add3A_880 = arith.constant 1 : i32
      %add3A_881 = vector.broadcast %add3A_880 : i32 to vector<16xi32>
      %add3A_882 = arith.addi %select_n3A_874, %add3A_881 : vector<16xi32>
      %gather3A_883 = tpu.vector_load_idx %arg6[%add3A_882] : memref<512xi32, #tpu.memory_space<vmem>>[vector<16xi32>], vector<16xi32>,
      %add3A_884 = arith.constant 1 : i32
      %add3A_885 = vector.broadcast %add3A_884 : i32 to vector<16xi32>
      %add3A_886 = arith.addi %select_n3A_879, %add3A_885 : vector<16xi32>
      %gather3A_887 = tpu.vector_load_idx %arg6[%add3A_886] : memref<512xi32, #tpu.memory_space<vmem>>[vector<16xi32>], vector<16xi32>,
      %le3A_888 = arith.cmpi sle, %gather3A_883, %add3A_698 : vector<16xi32>
      %add3A_889 = arith.constant 2 : i32
      %add3A_890 = vector.broadcast %add3A_889 : i32 to vector<16xi32>
      %add3A_891 = arith.addi %select_n3A_874, %add3A_890 : vector<16xi32>
      %select_n3A_892 = arith.select %le3A_888, %add3A_891, %select_n3A_874 : vector<16xi1>, vector<16xi32>
      %le3A_893 = arith.cmpi sle, %gather3A_887, %add3A_752 : vector<16xi32>
      %add3A_894 = arith.constant 2 : i32
      %add3A_895 = vector.broadcast %add3A_894 : i32 to vector<16xi32>
      %add3A_896 = arith.addi %select_n3A_879, %add3A_895 : vector<16xi32>
      %select_n3A_897 = arith.select %le3A_893, %add3A_896, %select_n3A_879 : vector<16xi1>, vector<16xi32>
      %add3A_898 = arith.constant 0 : i32
      %add3A_899 = vector.broadcast %add3A_898 : i32 to vector<16xi32>
      %add3A_900 = arith.addi %select_n3A_892, %add3A_899 : vector<16xi32>
      %gather3A_901 = tpu.vector_load_idx %arg6[%add3A_900] : memref<512xi32, #tpu.memory_space<vmem>>[vector<16xi32>], vector<16xi32>,
      %add3A_902 = arith.constant 0 : i32
      %add3A_903 = vector.broadcast %add3A_902 : i32 to vector<16xi32>
      %add3A_904 = arith.addi %select_n3A_897, %add3A_903 : vector<16xi32>
      %gather3A_905 = tpu.vector_load_idx %arg6[%add3A_904] : memref<512xi32, #tpu.memory_space<vmem>>[vector<16xi32>], vector<16xi32>,
      %le3A_906 = arith.cmpi sle, %gather3A_901, %add3A_698 : vector<16xi32>
      %add3A_907 = arith.constant 1 : i32
      %add3A_908 = vector.broadcast %add3A_907 : i32 to vector<16xi32>
      %add3A_909 = arith.addi %select_n3A_892, %add3A_908 : vector<16xi32>
      %select_n3A_910 = arith.select %le3A_906, %add3A_909, %select_n3A_892 : vector<16xi1>, vector<16xi32>
      %le3A_911 = arith.cmpi sle, %gather3A_905, %add3A_752 : vector<16xi32>
      %add3A_912 = arith.constant 1 : i32
      %add3A_913 = vector.broadcast %add3A_912 : i32 to vector<16xi32>
      %add3A_914 = arith.addi %select_n3A_897, %add3A_913 : vector<16xi32>
      %select_n3A_915 = arith.select %le3A_911, %add3A_914, %select_n3A_897 : vector<16xi1>, vector<16xi32>
      %gather3A_916 = tpu.vector_load_idx %arg6[%select_n3A_910] : memref<512xi32, #tpu.memory_space<vmem>>[vector<16xi32>], vector<16xi32>,
      %gather3A_917 = tpu.vector_load_idx %arg6[%select_n3A_915] : memref<512xi32, #tpu.memory_space<vmem>>[vector<16xi32>], vector<16xi32>,
      %le3A_918 = arith.cmpi sle, %gather3A_916, %add3A_698 : vector<16xi32>
      %convert_element_type3A_919 = arith.extui %le3A_918 : vector<16xi1> to vector<16xi32>
      %add3A_920 = arith.addi %select_n3A_910, %convert_element_type3A_919 : vector<16xi32>
      %min3A = arith.constant 511 : i32
      %min3A_921 = vector.broadcast %min3A : i32 to vector<16xi32>
      %min3A_922 = arith.minsi %add3A_920, %min3A_921 : vector<16xi32>
      %le3A_923 = arith.cmpi sle, %gather3A_917, %add3A_752 : vector<16xi32>
      %convert_element_type3A_924 = arith.extui %le3A_923 : vector<16xi1> to vector<16xi32>
      %add3A_925 = arith.addi %select_n3A_915, %convert_element_type3A_924 : vector<16xi32>
      %min3A_926 = arith.constant 511 : i32
      %min3A_927 = vector.broadcast %min3A_926 : i32 to vector<16xi32>
      %min3A_928 = arith.minsi %add3A_925, %min3A_927 : vector<16xi32>
      %lt3A_929 = vector.broadcast %scan3A_17 : i32 to vector<16xi32>
      %lt3A_930 = arith.cmpi slt, %add3A_698, %lt3A_929 : vector<16xi32>
      %mul3A_931 = arith.constant 512 : i32
      %mul3A_932 = arith.muli %and3A_1, %mul3A_931 : i32
      %add3A_933 = vector.broadcast %mul3A_932 : i32 to vector<16xi32>
      %add3A_934 = arith.addi %add3A_933, %min3A_922 : vector<16xi32>
      %and3A_935 = arith.constant 63 : i32
      %and3A_936 = vector.broadcast %and3A_935 : i32 to vector<16xi32>
      %and3A_937 = arith.andi %add3A_698, %and3A_936 : vector<16xi32>
      %add3A_938 = arith.constant 4096 : i32
      %add3A_939 = vector.broadcast %add3A_938 : i32 to vector<16xi32>
      %add3A_940 = arith.addi %add3A_939, %and3A_937 : vector<16xi32>
      %select_n3A_941 = arith.select %lt3A_930, %add3A_934, %add3A_940 : vector<16xi1>, vector<16xi32>
      %lt3A_942 = vector.broadcast %scan3A_17 : i32 to vector<16xi32>
      %lt3A_943 = arith.cmpi slt, %add3A_752, %lt3A_942 : vector<16xi32>
      %mul3A_944 = arith.constant 512 : i32
      %mul3A_945 = arith.muli %and3A_1, %mul3A_944 : i32
      %add3A_946 = vector.broadcast %mul3A_945 : i32 to vector<16xi32>
      %add3A_947 = arith.addi %add3A_946, %min3A_928 : vector<16xi32>
      %and3A_948 = arith.constant 63 : i32
      %and3A_949 = vector.broadcast %and3A_948 : i32 to vector<16xi32>
      %and3A_950 = arith.andi %add3A_752, %and3A_949 : vector<16xi32>
      %add3A_951 = arith.constant 4096 : i32
      %add3A_952 = vector.broadcast %add3A_951 : i32 to vector<16xi32>
      %add3A_953 = arith.addi %add3A_952, %and3A_950 : vector<16xi32>
      %select_n3A_954 = arith.select %lt3A_943, %add3A_947, %add3A_953 : vector<16xi1>, vector<16xi32>
      %mul3A_955 = arith.constant 2 : i32
      %mul3A_956 = arith.muli %mul3A_955, %scan3A_653 : i32
      %mul3A_957 = arith.constant 16 : i32
      %mul3A_958 = arith.muli %mul3A_956, %mul3A_957 : i32
      %swap3A = arith.index_cast %mul3A_958 : i32 to index
      %swap3A_959 = tpu.vector_load %arg7[%swap3A] {strides = array<i32>} : memref<1024xi32, #tpu.memory_space<vmem>>, vector<16xi32>,
      tpu.vector_store %arg7[%swap3A], %select_n3A_941 {strides = array<i32>} : memref<1024xi32, #tpu.memory_space<vmem>>, vector<16xi32>,
      %mul3A_960 = arith.constant 2 : i32
      %mul3A_961 = arith.muli %mul3A_960, %scan3A_653 : i32
      %add3A_962 = arith.constant 1 : i32
      %add3A_963 = arith.addi %mul3A_961, %add3A_962 : i32
      %mul3A_964 = arith.constant 16 : i32
      %mul3A_965 = arith.muli %add3A_963, %mul3A_964 : i32
      %swap3A_966 = arith.index_cast %mul3A_965 : i32 to index
      %swap3A_967 = tpu.vector_load %arg7[%swap3A_966] {strides = array<i32>} : memref<1024xi32, #tpu.memory_space<vmem>>, vector<16xi32>,
      tpu.vector_store %arg7[%swap3A_966], %select_n3A_954 {strides = array<i32>} : memref<1024xi32, #tpu.memory_space<vmem>>, vector<16xi32>,
      %scan3A_968 = arith.constant 0 : i32
      scf.yield %scan3A_968 : i32
    }
    %scan3A_45 = arith.constant 28 : i32
    %add3A_46 = arith.constant 8 : i32
    %add3A_47 = arith.addi %shift_right_arithmetic3A_2, %add3A_46 : i32
    %mul3A_48 = arith.constant 64 : i32
    %mul3A_49 = arith.muli %add3A_47, %mul3A_48 : i32
    %lt3A_50 = arith.cmpi slt, %mul3A_49, %scan3A_17 : i32
    %convert_element_type3A_51 = arith.extui %lt3A_50 : i1 to i32
    %cond3A_52 = arith.constant 0 : i32
    %cond3A_53 = arith.cmpi ne, %convert_element_type3A_51, %cond3A_52 : i32
    scf.if %cond3A_53 {
      %dma_start3A_653 = arith.constant 128 : i32
      %dma_start3A_654 = tpu.memref_slice %arg7[%dma_start3A_653] : memref<1024xi32, #tpu.memory_space<vmem>> -> memref<64xi32, #tpu.memory_space<vmem>>
      %dma_start3A_655 = arith.constant 0 : i32
      %dma_start3A_656 = arith.constant 0 : i32
      %dma_start3A_657 = tpu.memref_slice %arg2[%dma_start3A_655, %dma_start3A_656] : memref<4160x512xf32, #tpu.memory_space<hbm>> -> memref<4160x512xf32, #tpu.memory_space<hbm>>
      tpu.enqueue_indirect_dma source(%dma_start3A_657 : memref<4160x512xf32, #tpu.memory_space<hbm>>) target(%arg11 : memref<64x512xf32, #tpu.memory_space<vmem>>) offsets(%dma_start3A_654 : memref<64xi32, #tpu.memory_space<vmem>>) semaphore(%arg16 : memref<!tpu.dma_semaphore, #tpu.memory_space<semaphore_mem>>)
    } else {
    }
    %mul3A_54 = arith.constant 64 : i32
    %mul3A_55 = arith.muli %and3A_1, %mul3A_54 : i32
    %add3A_56 = arith.addi %mul3A_55, %shift_right_arithmetic3A_2 : i32
    %add3A_57 = arith.constant 0 : i32
    %add3A_58 = arith.addi %add3A_56, %add3A_57 : i32
    %mul3A_59 = arith.constant 64 : i32
    %mul3A_60 = arith.muli %add3A_58, %mul3A_59 : i32
    %add3A_61 = arith.constant 0 : i32
    %add3A_62 = arith.addi %shift_right_arithmetic3A_2, %add3A_61 : i32
    %mul3A_63 = arith.constant 64 : i32
    %mul3A_64 = arith.muli %add3A_62, %mul3A_63 : i32
    %lt3A_65 = arith.cmpi slt, %mul3A_64, %scan3A_17 : i32
    %convert_element_type3A_66 = arith.extui %lt3A_65 : i1 to i32
    %cond3A_67 = arith.constant 0 : i32
    %cond3A_68 = arith.cmpi ne, %convert_element_type3A_66, %cond3A_67 : i32
    scf.if %cond3A_68 {
      %dma_wait3A_653 = arith.constant 0 : i32
      %dma_wait3A_654 = tpu.memref_slice %arg7[%dma_wait3A_653] : memref<1024xi32, #tpu.memory_space<vmem>> -> memref<64xi32, #tpu.memory_space<vmem>>
      %dma_wait3A_655 = arith.constant 0 : i32
      %dma_wait3A_656 = arith.constant 0 : i32
      %dma_wait3A_657 = tpu.memref_slice %arg2[%dma_wait3A_655, %dma_wait3A_656] : memref<4160x512xf32, #tpu.memory_space<hbm>> -> memref<4160x512xf32, #tpu.memory_space<hbm>>
      tpu.wait_indirect_dma semaphore(%arg14 : memref<!tpu.dma_semaphore, #tpu.memory_space<semaphore_mem>>) src(%dma_wait3A_657 : memref<4160x512xf32, #tpu.memory_space<hbm>>) dst(%arg9 : memref<64x512xf32, #tpu.memory_space<vmem>>)
      %dma_start3A_658 = arith.constant 0 : i32
      %dma_start3A_659 = tpu.memref_slice %arg4[%mul3A_60, %dma_start3A_658] : memref<32768x512xf32, #tpu.memory_space<hbm>> -> memref<64x512xf32, #tpu.memory_space<hbm>>
      %dma_start3A_660 = arith.constant 0 : i32
      %dma_start3A_661 = tpu.memref_slice %arg4[%mul3A_60, %dma_start3A_660] : memref<32768x512xf32, #tpu.memory_space<hbm>> -> memref<64x512xf32, #tpu.memory_space<hbm>>
      tpu.enqueue_dma source(%arg9 : memref<64x512xf32, #tpu.memory_space<vmem>>) target(%dma_start3A_661 : memref<64x512xf32, #tpu.memory_space<hbm>>) target_semaphore(%arg12 : memref<!tpu.dma_semaphore, #tpu.memory_space<semaphore_mem>>)
    } else {
    }
    %add3A_69 = arith.constant 0 : i32
    %add3A_70 = arith.addi %shift_right_arithmetic3A_2, %add3A_69 : i32
    %mul3A_71 = arith.constant 64 : i32
    %mul3A_72 = arith.muli %add3A_70, %mul3A_71 : i32
    %lt3A_73 = arith.cmpi slt, %mul3A_72, %scan3A_17 : i32
    %not3A = arith.constant true
    %not3A_74 = arith.xori %lt3A_73, %not3A : i1
    %convert_element_type3A_75 = arith.extui %not3A_74 : i1 to i32
    %cond3A_76 = arith.constant 0 : i32
    %cond3A_77 = arith.cmpi ne, %convert_element_type3A_75, %cond3A_76 : i32
    scf.if %cond3A_77 {
      %dma_start3A_653 = arith.constant 0 : i32
      %dma_start3A_654 = tpu.memref_slice %arg4[%mul3A_60, %dma_start3A_653] : memref<32768x512xf32, #tpu.memory_space<hbm>> -> memref<32x512xf32, #tpu.memory_space<hbm>>
      %dma_start3A_655 = arith.constant 0 : i32
      %dma_start3A_656 = tpu.memref_slice %arg4[%mul3A_60, %dma_start3A_655] : memref<32768x512xf32, #tpu.memory_space<hbm>> -> memref<32x512xf32, #tpu.memory_space<hbm>>
      tpu.enqueue_dma source(%arg8 : memref<32x512xf32, #tpu.memory_space<vmem>>) target(%dma_start3A_656 : memref<32x512xf32, #tpu.memory_space<hbm>>) target_semaphore(%arg12 : memref<!tpu.dma_semaphore, #tpu.memory_space<semaphore_mem>>)
      %add3A_657 = arith.constant 32 : i32
      %add3A_658 = arith.addi %mul3A_60, %add3A_657 : i32
      %dma_start3A_659 = arith.constant 0 : i32
      %dma_start3A_660 = tpu.memref_slice %arg4[%add3A_658, %dma_start3A_659] : memref<32768x512xf32, #tpu.memory_space<hbm>> -> memref<32x512xf32, #tpu.memory_space<hbm>>
      %dma_start3A_661 = arith.constant 0 : i32
      %dma_start3A_662 = tpu.memref_slice %arg4[%add3A_658, %dma_start3A_661] : memref<32768x512xf32, #tpu.memory_space<hbm>> -> memref<32x512xf32, #tpu.memory_space<hbm>>
      tpu.enqueue_dma source(%arg8 : memref<32x512xf32, #tpu.memory_space<vmem>>) target(%dma_start3A_662 : memref<32x512xf32, #tpu.memory_space<hbm>>) target_semaphore(%arg12 : memref<!tpu.dma_semaphore, #tpu.memory_space<semaphore_mem>>)
    } else {
    }
    %dma_wait3A_78 = arith.constant 0 : i32
    %dma_wait3A_79 = arith.constant 0 : i32
    %dma_wait3A_80 = tpu.memref_slice %arg2[%dma_wait3A_78, %dma_wait3A_79] : memref<4160x512xf32, #tpu.memory_space<hbm>> -> memref<64x512xf32, #tpu.memory_space<hbm>>
    %dma_wait3A_81 = arith.constant 0 : i32
    %dma_wait3A_82 = arith.constant 0 : i32
    %dma_wait3A_83 = tpu.memref_slice %arg2[%dma_wait3A_81, %dma_wait3A_82] : memref<4160x512xf32, #tpu.memory_space<hbm>> -> memref<64x512xf32, #tpu.memory_space<hbm>>
    tpu.wait_dma2 semaphore(%arg12 : memref<!tpu.dma_semaphore, #tpu.memory_space<semaphore_mem>>) src(%dma_wait3A_83 : memref<64x512xf32, #tpu.memory_space<hbm>>) dst(%arg9 : memref<64x512xf32, #tpu.memory_space<vmem>>)
    %add3A_84 = arith.constant 12 : i32
    %add3A_85 = arith.addi %shift_right_arithmetic3A_2, %add3A_84 : i32
    %mul3A_86 = arith.constant 64 : i32
    %mul3A_87 = arith.muli %add3A_85, %mul3A_86 : i32
    %lt3A_88 = arith.cmpi slt, %mul3A_87, %scan3A_17 : i32
    %convert_element_type3A_89 = arith.extui %lt3A_88 : i1 to i32
    %cond3A_90 = arith.constant 0 : i32
    %cond3A_91 = arith.cmpi ne, %convert_element_type3A_89, %cond3A_90 : i32
    scf.if %cond3A_91 {
      %dma_start3A_653 = arith.constant 192 : i32
      %dma_start3A_654 = tpu.memref_slice %arg7[%dma_start3A_653] : memref<1024xi32, #tpu.memory_space<vmem>> -> memref<64xi32, #tpu.memory_space<vmem>>
      %dma_start3A_655 = arith.constant 0 : i32
      %dma_start3A_656 = arith.constant 0 : i32
      %dma_start3A_657 = tpu.memref_slice %arg2[%dma_start3A_655, %dma_start3A_656] : memref<4160x512xf32, #tpu.memory_space<hbm>> -> memref<4160x512xf32, #tpu.memory_space<hbm>>
      tpu.enqueue_indirect_dma source(%dma_start3A_657 : memref<4160x512xf32, #tpu.memory_space<hbm>>) target(%arg9 : memref<64x512xf32, #tpu.memory_space<vmem>>) offsets(%dma_start3A_654 : memref<64xi32, #tpu.memory_space<vmem>>) semaphore(%arg14 : memref<!tpu.dma_semaphore, #tpu.memory_space<semaphore_mem>>)
    } else {
    }
    %mul3A_92 = arith.constant 64 : i32
    %mul3A_93 = arith.muli %and3A_1, %mul3A_92 : i32
    %add3A_94 = arith.addi %mul3A_93, %shift_right_arithmetic3A_2 : i32
    %add3A_95 = arith.constant 4 : i32
    %add3A_96 = arith.addi %add3A_94, %add3A_95 : i32
    %mul3A_97 = arith.constant 64 : i32
    %mul3A_98 = arith.muli %add3A_96, %mul3A_97 : i32
    %add3A_99 = arith.constant 4 : i32
    %add3A_100 = arith.addi %shift_right_arithmetic3A_2, %add3A_99 : i32
    %mul3A_101 = arith.constant 64 : i32
    %mul3A_102 = arith.muli %add3A_100, %mul3A_101 : i32
    %lt3A_103 = arith.cmpi slt, %mul3A_102, %scan3A_17 : i32
    %convert_element_type3A_104 = arith.extui %lt3A_103 : i1 to i32
    %cond3A_105 = arith.constant 0 : i32
    %cond3A_106 = arith.cmpi ne, %convert_element_type3A_104, %cond3A_105 : i32
    scf.if %cond3A_106 {
      %dma_wait3A_653 = arith.constant 64 : i32
      %dma_wait3A_654 = tpu.memref_slice %arg7[%dma_wait3A_653] : memref<1024xi32, #tpu.memory_space<vmem>> -> memref<64xi32, #tpu.memory_space<vmem>>
      %dma_wait3A_655 = arith.constant 0 : i32
      %dma_wait3A_656 = arith.constant 0 : i32
      %dma_wait3A_657 = tpu.memref_slice %arg2[%dma_wait3A_655, %dma_wait3A_656] : memref<4160x512xf32, #tpu.memory_space<hbm>> -> memref<4160x512xf32, #tpu.memory_space<hbm>>
      tpu.wait_indirect_dma semaphore(%arg15 : memref<!tpu.dma_semaphore, #tpu.memory_space<semaphore_mem>>) src(%dma_wait3A_657 : memref<4160x512xf32, #tpu.memory_space<hbm>>) dst(%arg10 : memref<64x512xf32, #tpu.memory_space<vmem>>)
      %dma_start3A_658 = arith.constant 0 : i32
      %dma_start3A_659 = tpu.memref_slice %arg4[%mul3A_98, %dma_start3A_658] : memref<32768x512xf32, #tpu.memory_space<hbm>> -> memref<64x512xf32, #tpu.memory_space<hbm>>
      %dma_start3A_660 = arith.constant 0 : i32
      %dma_start3A_661 = tpu.memref_slice %arg4[%mul3A_98, %dma_start3A_660] : memref<32768x512xf32, #tpu.memory_space<hbm>> -> memref<64x512xf32, #tpu.memory_space<hbm>>
      tpu.enqueue_dma source(%arg10 : memref<64x512xf32, #tpu.memory_space<vmem>>) target(%dma_start3A_661 : memref<64x512xf32, #tpu.memory_space<hbm>>) target_semaphore(%arg12 : memref<!tpu.dma_semaphore, #tpu.memory_space<semaphore_mem>>)
    } else {
    }
    %add3A_107 = arith.constant 4 : i32
    %add3A_108 = arith.addi %shift_right_arithmetic3A_2, %add3A_107 : i32
    %mul3A_109 = arith.constant 64 : i32
    %mul3A_110 = arith.muli %add3A_108, %mul3A_109 : i32
    %lt3A_111 = arith.cmpi slt, %mul3A_110, %scan3A_17 : i32
    %not3A_112 = arith.constant true
    %not3A_113 = arith.xori %lt3A_111, %not3A_112 : i1
    %convert_element_type3A_114 = arith.extui %not3A_113 : i1 to i32
    %cond3A_115 = arith.constant 0 : i32
    %cond3A_116 = arith.cmpi ne, %convert_element_type3A_114, %cond3A_115 : i32
    scf.if %cond3A_116 {
      %dma_start3A_653 = arith.constant 0 : i32
      %dma_start3A_654 = tpu.memref_slice %arg4[%mul3A_98, %dma_start3A_653] : memref<32768x512xf32, #tpu.memory_space<hbm>> -> memref<32x512xf32, #tpu.memory_space<hbm>>
      %dma_start3A_655 = arith.constant 0 : i32
      %dma_start3A_656 = tpu.memref_slice %arg4[%mul3A_98, %dma_start3A_655] : memref<32768x512xf32, #tpu.memory_space<hbm>> -> memref<32x512xf32, #tpu.memory_space<hbm>>
      tpu.enqueue_dma source(%arg8 : memref<32x512xf32, #tpu.memory_space<vmem>>) target(%dma_start3A_656 : memref<32x512xf32, #tpu.memory_space<hbm>>) target_semaphore(%arg12 : memref<!tpu.dma_semaphore, #tpu.memory_space<semaphore_mem>>)
      %add3A_657 = arith.constant 32 : i32
      %add3A_658 = arith.addi %mul3A_98, %add3A_657 : i32
      %dma_start3A_659 = arith.constant 0 : i32
      %dma_start3A_660 = tpu.memref_slice %arg4[%add3A_658, %dma_start3A_659] : memref<32768x512xf32, #tpu.memory_space<hbm>> -> memref<32x512xf32, #tpu.memory_space<hbm>>
      %dma_start3A_661 = arith.constant 0 : i32
      %dma_start3A_662 = tpu.memref_slice %arg4[%add3A_658, %dma_start3A_661] : memref<32768x512xf32, #tpu.memory_space<hbm>> -> memref<32x512xf32, #tpu.memory_space<hbm>>
      tpu.enqueue_dma source(%arg8 : memref<32x512xf32, #tpu.memory_space<vmem>>) target(%dma_start3A_662 : memref<32x512xf32, #tpu.memory_space<hbm>>) target_semaphore(%arg12 : memref<!tpu.dma_semaphore, #tpu.memory_space<semaphore_mem>>)
    } else {
    }
    %dma_wait3A_117 = arith.constant 0 : i32
    %dma_wait3A_118 = arith.constant 0 : i32
    %dma_wait3A_119 = tpu.memref_slice %arg2[%dma_wait3A_117, %dma_wait3A_118] : memref<4160x512xf32, #tpu.memory_space<hbm>> -> memref<64x512xf32, #tpu.memory_space<hbm>>
    %dma_wait3A_120 = arith.constant 0 : i32
    %dma_wait3A_121 = arith.constant 0 : i32
    %dma_wait3A_122 = tpu.memref_slice %arg2[%dma_wait3A_120, %dma_wait3A_121] : memref<4160x512xf32, #tpu.memory_space<hbm>> -> memref<64x512xf32, #tpu.memory_space<hbm>>
    tpu.wait_dma2 semaphore(%arg12 : memref<!tpu.dma_semaphore, #tpu.memory_space<semaphore_mem>>) src(%dma_wait3A_122 : memref<64x512xf32, #tpu.memory_space<hbm>>) dst(%arg9 : memref<64x512xf32, #tpu.memory_space<vmem>>)
    %add3A_123 = arith.constant 16 : i32
    %add3A_124 = arith.addi %shift_right_arithmetic3A_2, %add3A_123 : i32
    %mul3A_125 = arith.constant 64 : i32
    %mul3A_126 = arith.muli %add3A_124, %mul3A_125 : i32
    %lt3A_127 = arith.cmpi slt, %mul3A_126, %scan3A_17 : i32
    %convert_element_type3A_128 = arith.extui %lt3A_127 : i1 to i32
    %cond3A_129 = arith.constant 0 : i32
    %cond3A_130 = arith.cmpi ne, %convert_element_type3A_128, %cond3A_129 : i32
    scf.if %cond3A_130 {
      %dma_start3A_653 = arith.constant 256 : i32
      %dma_start3A_654 = tpu.memref_slice %arg7[%dma_start3A_653] : memref<1024xi32, #tpu.memory_space<vmem>> -> memref<64xi32, #tpu.memory_space<vmem>>
      %dma_start3A_655 = arith.constant 0 : i32
      %dma_start3A_656 = arith.constant 0 : i32
      %dma_start3A_657 = tpu.memref_slice %arg2[%dma_start3A_655, %dma_start3A_656] : memref<4160x512xf32, #tpu.memory_space<hbm>> -> memref<4160x512xf32, #tpu.memory_space<hbm>>
      tpu.enqueue_indirect_dma source(%dma_start3A_657 : memref<4160x512xf32, #tpu.memory_space<hbm>>) target(%arg10 : memref<64x512xf32, #tpu.memory_space<vmem>>) offsets(%dma_start3A_654 : memref<64xi32, #tpu.memory_space<vmem>>) semaphore(%arg15 : memref<!tpu.dma_semaphore, #tpu.memory_space<semaphore_mem>>)
    } else {
    }
    %mul3A_131 = arith.constant 64 : i32
    %mul3A_132 = arith.muli %and3A_1, %mul3A_131 : i32
    %add3A_133 = arith.addi %mul3A_132, %shift_right_arithmetic3A_2 : i32
    %add3A_134 = arith.constant 8 : i32
    %add3A_135 = arith.addi %add3A_133, %add3A_134 : i32
    %mul3A_136 = arith.constant 64 : i32
    %mul3A_137 = arith.muli %add3A_135, %mul3A_136 : i32
    %add3A_138 = arith.constant 8 : i32
    %add3A_139 = arith.addi %shift_right_arithmetic3A_2, %add3A_138 : i32
    %mul3A_140 = arith.constant 64 : i32
    %mul3A_141 = arith.muli %add3A_139, %mul3A_140 : i32
    %lt3A_142 = arith.cmpi slt, %mul3A_141, %scan3A_17 : i32
    %convert_element_type3A_143 = arith.extui %lt3A_142 : i1 to i32
    %cond3A_144 = arith.constant 0 : i32
    %cond3A_145 = arith.cmpi ne, %convert_element_type3A_143, %cond3A_144 : i32
    scf.if %cond3A_145 {
      %dma_wait3A_653 = arith.constant 128 : i32
      %dma_wait3A_654 = tpu.memref_slice %arg7[%dma_wait3A_653] : memref<1024xi32, #tpu.memory_space<vmem>> -> memref<64xi32, #tpu.memory_space<vmem>>
      %dma_wait3A_655 = arith.constant 0 : i32
      %dma_wait3A_656 = arith.constant 0 : i32
      %dma_wait3A_657 = tpu.memref_slice %arg2[%dma_wait3A_655, %dma_wait3A_656] : memref<4160x512xf32, #tpu.memory_space<hbm>> -> memref<4160x512xf32, #tpu.memory_space<hbm>>
      tpu.wait_indirect_dma semaphore(%arg16 : memref<!tpu.dma_semaphore, #tpu.memory_space<semaphore_mem>>) src(%dma_wait3A_657 : memref<4160x512xf32, #tpu.memory_space<hbm>>) dst(%arg11 : memref<64x512xf32, #tpu.memory_space<vmem>>)
      %dma_start3A_658 = arith.constant 0 : i32
      %dma_start3A_659 = tpu.memref_slice %arg4[%mul3A_137, %dma_start3A_658] : memref<32768x512xf32, #tpu.memory_space<hbm>> -> memref<64x512xf32, #tpu.memory_space<hbm>>
      %dma_start3A_660 = arith.constant 0 : i32
      %dma_start3A_661 = tpu.memref_slice %arg4[%mul3A_137, %dma_start3A_660] : memref<32768x512xf32, #tpu.memory_space<hbm>> -> memref<64x512xf32, #tpu.memory_space<hbm>>
      tpu.enqueue_dma source(%arg11 : memref<64x512xf32, #tpu.memory_space<vmem>>) target(%dma_start3A_661 : memref<64x512xf32, #tpu.memory_space<hbm>>) target_semaphore(%arg12 : memref<!tpu.dma_semaphore, #tpu.memory_space<semaphore_mem>>)
    } else {
    }
    %add3A_146 = arith.constant 8 : i32
    %add3A_147 = arith.addi %shift_right_arithmetic3A_2, %add3A_146 : i32
    %mul3A_148 = arith.constant 64 : i32
    %mul3A_149 = arith.muli %add3A_147, %mul3A_148 : i32
    %lt3A_150 = arith.cmpi slt, %mul3A_149, %scan3A_17 : i32
    %not3A_151 = arith.constant true
    %not3A_152 = arith.xori %lt3A_150, %not3A_151 : i1
    %convert_element_type3A_153 = arith.extui %not3A_152 : i1 to i32
    %cond3A_154 = arith.constant 0 : i32
    %cond3A_155 = arith.cmpi ne, %convert_element_type3A_153, %cond3A_154 : i32
    scf.if %cond3A_155 {
      %dma_start3A_653 = arith.constant 0 : i32
      %dma_start3A_654 = tpu.memref_slice %arg4[%mul3A_137, %dma_start3A_653] : memref<32768x512xf32, #tpu.memory_space<hbm>> -> memref<32x512xf32, #tpu.memory_space<hbm>>
      %dma_start3A_655 = arith.constant 0 : i32
      %dma_start3A_656 = tpu.memref_slice %arg4[%mul3A_137, %dma_start3A_655] : memref<32768x512xf32, #tpu.memory_space<hbm>> -> memref<32x512xf32, #tpu.memory_space<hbm>>
      tpu.enqueue_dma source(%arg8 : memref<32x512xf32, #tpu.memory_space<vmem>>) target(%dma_start3A_656 : memref<32x512xf32, #tpu.memory_space<hbm>>) target_semaphore(%arg12 : memref<!tpu.dma_semaphore, #tpu.memory_space<semaphore_mem>>)
      %add3A_657 = arith.constant 32 : i32
      %add3A_658 = arith.addi %mul3A_137, %add3A_657 : i32
      %dma_start3A_659 = arith.constant 0 : i32
      %dma_start3A_660 = tpu.memref_slice %arg4[%add3A_658, %dma_start3A_659] : memref<32768x512xf32, #tpu.memory_space<hbm>> -> memref<32x512xf32, #tpu.memory_space<hbm>>
      %dma_start3A_661 = arith.constant 0 : i32
      %dma_start3A_662 = tpu.memref_slice %arg4[%add3A_658, %dma_start3A_661] : memref<32768x512xf32, #tpu.memory_space<hbm>> -> memref<32x512xf32, #tpu.memory_space<hbm>>
      tpu.enqueue_dma source(%arg8 : memref<32x512xf32, #tpu.memory_space<vmem>>) target(%dma_start3A_662 : memref<32x512xf32, #tpu.memory_space<hbm>>) target_semaphore(%arg12 : memref<!tpu.dma_semaphore, #tpu.memory_space<semaphore_mem>>)
    } else {
    }
    %dma_wait3A_156 = arith.constant 0 : i32
    %dma_wait3A_157 = arith.constant 0 : i32
    %dma_wait3A_158 = tpu.memref_slice %arg2[%dma_wait3A_156, %dma_wait3A_157] : memref<4160x512xf32, #tpu.memory_space<hbm>> -> memref<64x512xf32, #tpu.memory_space<hbm>>
    %dma_wait3A_159 = arith.constant 0 : i32
    %dma_wait3A_160 = arith.constant 0 : i32
    %dma_wait3A_161 = tpu.memref_slice %arg2[%dma_wait3A_159, %dma_wait3A_160] : memref<4160x512xf32, #tpu.memory_space<hbm>> -> memref<64x512xf32, #tpu.memory_space<hbm>>
    tpu.wait_dma2 semaphore(%arg12 : memref<!tpu.dma_semaphore, #tpu.memory_space<semaphore_mem>>) src(%dma_wait3A_161 : memref<64x512xf32, #tpu.memory_space<hbm>>) dst(%arg9 : memref<64x512xf32, #tpu.memory_space<vmem>>)
    %add3A_162 = arith.constant 20 : i32
    %add3A_163 = arith.addi %shift_right_arithmetic3A_2, %add3A_162 : i32
    %mul3A_164 = arith.constant 64 : i32
    %mul3A_165 = arith.muli %add3A_163, %mul3A_164 : i32
    %lt3A_166 = arith.cmpi slt, %mul3A_165, %scan3A_17 : i32
    %convert_element_type3A_167 = arith.extui %lt3A_166 : i1 to i32
    %cond3A_168 = arith.constant 0 : i32
    %cond3A_169 = arith.cmpi ne, %convert_element_type3A_167, %cond3A_168 : i32
    scf.if %cond3A_169 {
      %dma_start3A_653 = arith.constant 320 : i32
      %dma_start3A_654 = tpu.memref_slice %arg7[%dma_start3A_653] : memref<1024xi32, #tpu.memory_space<vmem>> -> memref<64xi32, #tpu.memory_space<vmem>>
      %dma_start3A_655 = arith.constant 0 : i32
      %dma_start3A_656 = arith.constant 0 : i32
      %dma_start3A_657 = tpu.memref_slice %arg2[%dma_start3A_655, %dma_start3A_656] : memref<4160x512xf32, #tpu.memory_space<hbm>> -> memref<4160x512xf32, #tpu.memory_space<hbm>>
      tpu.enqueue_indirect_dma source(%dma_start3A_657 : memref<4160x512xf32, #tpu.memory_space<hbm>>) target(%arg11 : memref<64x512xf32, #tpu.memory_space<vmem>>) offsets(%dma_start3A_654 : memref<64xi32, #tpu.memory_space<vmem>>) semaphore(%arg16 : memref<!tpu.dma_semaphore, #tpu.memory_space<semaphore_mem>>)
    } else {
    }
    %mul3A_170 = arith.constant 64 : i32
    %mul3A_171 = arith.muli %and3A_1, %mul3A_170 : i32
    %add3A_172 = arith.addi %mul3A_171, %shift_right_arithmetic3A_2 : i32
    %add3A_173 = arith.constant 12 : i32
    %add3A_174 = arith.addi %add3A_172, %add3A_173 : i32
    %mul3A_175 = arith.constant 64 : i32
    %mul3A_176 = arith.muli %add3A_174, %mul3A_175 : i32
    %add3A_177 = arith.constant 12 : i32
    %add3A_178 = arith.addi %shift_right_arithmetic3A_2, %add3A_177 : i32
    %mul3A_179 = arith.constant 64 : i32
    %mul3A_180 = arith.muli %add3A_178, %mul3A_179 : i32
    %lt3A_181 = arith.cmpi slt, %mul3A_180, %scan3A_17 : i32
    %convert_element_type3A_182 = arith.extui %lt3A_181 : i1 to i32
    %cond3A_183 = arith.constant 0 : i32
    %cond3A_184 = arith.cmpi ne, %convert_element_type3A_182, %cond3A_183 : i32
    scf.if %cond3A_184 {
      %dma_wait3A_653 = arith.constant 192 : i32
      %dma_wait3A_654 = tpu.memref_slice %arg7[%dma_wait3A_653] : memref<1024xi32, #tpu.memory_space<vmem>> -> memref<64xi32, #tpu.memory_space<vmem>>
      %dma_wait3A_655 = arith.constant 0 : i32
      %dma_wait3A_656 = arith.constant 0 : i32
      %dma_wait3A_657 = tpu.memref_slice %arg2[%dma_wait3A_655, %dma_wait3A_656] : memref<4160x512xf32, #tpu.memory_space<hbm>> -> memref<4160x512xf32, #tpu.memory_space<hbm>>
      tpu.wait_indirect_dma semaphore(%arg14 : memref<!tpu.dma_semaphore, #tpu.memory_space<semaphore_mem>>) src(%dma_wait3A_657 : memref<4160x512xf32, #tpu.memory_space<hbm>>) dst(%arg9 : memref<64x512xf32, #tpu.memory_space<vmem>>)
      %dma_start3A_658 = arith.constant 0 : i32
      %dma_start3A_659 = tpu.memref_slice %arg4[%mul3A_176, %dma_start3A_658] : memref<32768x512xf32, #tpu.memory_space<hbm>> -> memref<64x512xf32, #tpu.memory_space<hbm>>
      %dma_start3A_660 = arith.constant 0 : i32
      %dma_start3A_661 = tpu.memref_slice %arg4[%mul3A_176, %dma_start3A_660] : memref<32768x512xf32, #tpu.memory_space<hbm>> -> memref<64x512xf32, #tpu.memory_space<hbm>>
      tpu.enqueue_dma source(%arg9 : memref<64x512xf32, #tpu.memory_space<vmem>>) target(%dma_start3A_661 : memref<64x512xf32, #tpu.memory_space<hbm>>) target_semaphore(%arg12 : memref<!tpu.dma_semaphore, #tpu.memory_space<semaphore_mem>>)
    } else {
    }
    %add3A_185 = arith.constant 12 : i32
    %add3A_186 = arith.addi %shift_right_arithmetic3A_2, %add3A_185 : i32
    %mul3A_187 = arith.constant 64 : i32
    %mul3A_188 = arith.muli %add3A_186, %mul3A_187 : i32
    %lt3A_189 = arith.cmpi slt, %mul3A_188, %scan3A_17 : i32
    %not3A_190 = arith.constant true
    %not3A_191 = arith.xori %lt3A_189, %not3A_190 : i1
    %convert_element_type3A_192 = arith.extui %not3A_191 : i1 to i32
    %cond3A_193 = arith.constant 0 : i32
    %cond3A_194 = arith.cmpi ne, %convert_element_type3A_192, %cond3A_193 : i32
    scf.if %cond3A_194 {
      %dma_start3A_653 = arith.constant 0 : i32
      %dma_start3A_654 = tpu.memref_slice %arg4[%mul3A_176, %dma_start3A_653] : memref<32768x512xf32, #tpu.memory_space<hbm>> -> memref<32x512xf32, #tpu.memory_space<hbm>>
      %dma_start3A_655 = arith.constant 0 : i32
      %dma_start3A_656 = tpu.memref_slice %arg4[%mul3A_176, %dma_start3A_655] : memref<32768x512xf32, #tpu.memory_space<hbm>> -> memref<32x512xf32, #tpu.memory_space<hbm>>
      tpu.enqueue_dma source(%arg8 : memref<32x512xf32, #tpu.memory_space<vmem>>) target(%dma_start3A_656 : memref<32x512xf32, #tpu.memory_space<hbm>>) target_semaphore(%arg12 : memref<!tpu.dma_semaphore, #tpu.memory_space<semaphore_mem>>)
      %add3A_657 = arith.constant 32 : i32
      %add3A_658 = arith.addi %mul3A_176, %add3A_657 : i32
      %dma_start3A_659 = arith.constant 0 : i32
      %dma_start3A_660 = tpu.memref_slice %arg4[%add3A_658, %dma_start3A_659] : memref<32768x512xf32, #tpu.memory_space<hbm>> -> memref<32x512xf32, #tpu.memory_space<hbm>>
      %dma_start3A_661 = arith.constant 0 : i32
      %dma_start3A_662 = tpu.memref_slice %arg4[%add3A_658, %dma_start3A_661] : memref<32768x512xf32, #tpu.memory_space<hbm>> -> memref<32x512xf32, #tpu.memory_space<hbm>>
      tpu.enqueue_dma source(%arg8 : memref<32x512xf32, #tpu.memory_space<vmem>>) target(%dma_start3A_662 : memref<32x512xf32, #tpu.memory_space<hbm>>) target_semaphore(%arg12 : memref<!tpu.dma_semaphore, #tpu.memory_space<semaphore_mem>>)
    } else {
    }
    %dma_wait3A_195 = arith.constant 0 : i32
    %dma_wait3A_196 = arith.constant 0 : i32
    %dma_wait3A_197 = tpu.memref_slice %arg2[%dma_wait3A_195, %dma_wait3A_196] : memref<4160x512xf32, #tpu.memory_space<hbm>> -> memref<64x512xf32, #tpu.memory_space<hbm>>
    %dma_wait3A_198 = arith.constant 0 : i32
    %dma_wait3A_199 = arith.constant 0 : i32
    %dma_wait3A_200 = tpu.memref_slice %arg2[%dma_wait3A_198, %dma_wait3A_199] : memref<4160x512xf32, #tpu.memory_space<hbm>> -> memref<64x512xf32, #tpu.memory_space<hbm>>
    tpu.wait_dma2 semaphore(%arg12 : memref<!tpu.dma_semaphore, #tpu.memory_space<semaphore_mem>>) src(%dma_wait3A_200 : memref<64x512xf32, #tpu.memory_space<hbm>>) dst(%arg9 : memref<64x512xf32, #tpu.memory_space<vmem>>)
    %add3A_201 = arith.constant 24 : i32
    %add3A_202 = arith.addi %shift_right_arithmetic3A_2, %add3A_201 : i32
    %mul3A_203 = arith.constant 64 : i32
    %mul3A_204 = arith.muli %add3A_202, %mul3A_203 : i32
    %lt3A_205 = arith.cmpi slt, %mul3A_204, %scan3A_17 : i32
    %convert_element_type3A_206 = arith.extui %lt3A_205 : i1 to i32
    %cond3A_207 = arith.constant 0 : i32
    %cond3A_208 = arith.cmpi ne, %convert_element_type3A_206, %cond3A_207 : i32
    scf.if %cond3A_208 {
      %dma_start3A_653 = arith.constant 384 : i32
      %dma_start3A_654 = tpu.memref_slice %arg7[%dma_start3A_653] : memref<1024xi32, #tpu.memory_space<vmem>> -> memref<64xi32, #tpu.memory_space<vmem>>
      %dma_start3A_655 = arith.constant 0 : i32
      %dma_start3A_656 = arith.constant 0 : i32
      %dma_start3A_657 = tpu.memref_slice %arg2[%dma_start3A_655, %dma_start3A_656] : memref<4160x512xf32, #tpu.memory_space<hbm>> -> memref<4160x512xf32, #tpu.memory_space<hbm>>
      tpu.enqueue_indirect_dma source(%dma_start3A_657 : memref<4160x512xf32, #tpu.memory_space<hbm>>) target(%arg9 : memref<64x512xf32, #tpu.memory_space<vmem>>) offsets(%dma_start3A_654 : memref<64xi32, #tpu.memory_space<vmem>>) semaphore(%arg14 : memref<!tpu.dma_semaphore, #tpu.memory_space<semaphore_mem>>)
    } else {
    }
    %mul3A_209 = arith.constant 64 : i32
    %mul3A_210 = arith.muli %and3A_1, %mul3A_209 : i32
    %add3A_211 = arith.addi %mul3A_210, %shift_right_arithmetic3A_2 : i32
    %add3A_212 = arith.constant 16 : i32
    %add3A_213 = arith.addi %add3A_211, %add3A_212 : i32
    %mul3A_214 = arith.constant 64 : i32
    %mul3A_215 = arith.muli %add3A_213, %mul3A_214 : i32
    %add3A_216 = arith.constant 16 : i32
    %add3A_217 = arith.addi %shift_right_arithmetic3A_2, %add3A_216 : i32
    %mul3A_218 = arith.constant 64 : i32
    %mul3A_219 = arith.muli %add3A_217, %mul3A_218 : i32
    %lt3A_220 = arith.cmpi slt, %mul3A_219, %scan3A_17 : i32
    %convert_element_type3A_221 = arith.extui %lt3A_220 : i1 to i32
    %cond3A_222 = arith.constant 0 : i32
    %cond3A_223 = arith.cmpi ne, %convert_element_type3A_221, %cond3A_222 : i32
    scf.if %cond3A_223 {
      %dma_wait3A_653 = arith.constant 256 : i32
      %dma_wait3A_654 = tpu.memref_slice %arg7[%dma_wait3A_653] : memref<1024xi32, #tpu.memory_space<vmem>> -> memref<64xi32, #tpu.memory_space<vmem>>
      %dma_wait3A_655 = arith.constant 0 : i32
      %dma_wait3A_656 = arith.constant 0 : i32
      %dma_wait3A_657 = tpu.memref_slice %arg2[%dma_wait3A_655, %dma_wait3A_656] : memref<4160x512xf32, #tpu.memory_space<hbm>> -> memref<4160x512xf32, #tpu.memory_space<hbm>>
      tpu.wait_indirect_dma semaphore(%arg15 : memref<!tpu.dma_semaphore, #tpu.memory_space<semaphore_mem>>) src(%dma_wait3A_657 : memref<4160x512xf32, #tpu.memory_space<hbm>>) dst(%arg10 : memref<64x512xf32, #tpu.memory_space<vmem>>)
      %dma_start3A_658 = arith.constant 0 : i32
      %dma_start3A_659 = tpu.memref_slice %arg4[%mul3A_215, %dma_start3A_658] : memref<32768x512xf32, #tpu.memory_space<hbm>> -> memref<64x512xf32, #tpu.memory_space<hbm>>
      %dma_start3A_660 = arith.constant 0 : i32
      %dma_start3A_661 = tpu.memref_slice %arg4[%mul3A_215, %dma_start3A_660] : memref<32768x512xf32, #tpu.memory_space<hbm>> -> memref<64x512xf32, #tpu.memory_space<hbm>>
      tpu.enqueue_dma source(%arg10 : memref<64x512xf32, #tpu.memory_space<vmem>>) target(%dma_start3A_661 : memref<64x512xf32, #tpu.memory_space<hbm>>) target_semaphore(%arg12 : memref<!tpu.dma_semaphore, #tpu.memory_space<semaphore_mem>>)
    } else {
    }
    %add3A_224 = arith.constant 16 : i32
    %add3A_225 = arith.addi %shift_right_arithmetic3A_2, %add3A_224 : i32
    %mul3A_226 = arith.constant 64 : i32
    %mul3A_227 = arith.muli %add3A_225, %mul3A_226 : i32
    %lt3A_228 = arith.cmpi slt, %mul3A_227, %scan3A_17 : i32
    %not3A_229 = arith.constant true
    %not3A_230 = arith.xori %lt3A_228, %not3A_229 : i1
    %convert_element_type3A_231 = arith.extui %not3A_230 : i1 to i32
    %cond3A_232 = arith.constant 0 : i32
    %cond3A_233 = arith.cmpi ne, %convert_element_type3A_231, %cond3A_232 : i32
    scf.if %cond3A_233 {
      %dma_start3A_653 = arith.constant 0 : i32
      %dma_start3A_654 = tpu.memref_slice %arg4[%mul3A_215, %dma_start3A_653] : memref<32768x512xf32, #tpu.memory_space<hbm>> -> memref<32x512xf32, #tpu.memory_space<hbm>>
      %dma_start3A_655 = arith.constant 0 : i32
      %dma_start3A_656 = tpu.memref_slice %arg4[%mul3A_215, %dma_start3A_655] : memref<32768x512xf32, #tpu.memory_space<hbm>> -> memref<32x512xf32, #tpu.memory_space<hbm>>
      tpu.enqueue_dma source(%arg8 : memref<32x512xf32, #tpu.memory_space<vmem>>) target(%dma_start3A_656 : memref<32x512xf32, #tpu.memory_space<hbm>>) target_semaphore(%arg12 : memref<!tpu.dma_semaphore, #tpu.memory_space<semaphore_mem>>)
      %add3A_657 = arith.constant 32 : i32
      %add3A_658 = arith.addi %mul3A_215, %add3A_657 : i32
      %dma_start3A_659 = arith.constant 0 : i32
      %dma_start3A_660 = tpu.memref_slice %arg4[%add3A_658, %dma_start3A_659] : memref<32768x512xf32, #tpu.memory_space<hbm>> -> memref<32x512xf32, #tpu.memory_space<hbm>>
      %dma_start3A_661 = arith.constant 0 : i32
      %dma_start3A_662 = tpu.memref_slice %arg4[%add3A_658, %dma_start3A_661] : memref<32768x512xf32, #tpu.memory_space<hbm>> -> memref<32x512xf32, #tpu.memory_space<hbm>>
      tpu.enqueue_dma source(%arg8 : memref<32x512xf32, #tpu.memory_space<vmem>>) target(%dma_start3A_662 : memref<32x512xf32, #tpu.memory_space<hbm>>) target_semaphore(%arg12 : memref<!tpu.dma_semaphore, #tpu.memory_space<semaphore_mem>>)
    } else {
    }
    %dma_wait3A_234 = arith.constant 0 : i32
    %dma_wait3A_235 = arith.constant 0 : i32
    %dma_wait3A_236 = tpu.memref_slice %arg2[%dma_wait3A_234, %dma_wait3A_235] : memref<4160x512xf32, #tpu.memory_space<hbm>> -> memref<64x512xf32, #tpu.memory_space<hbm>>
    %dma_wait3A_237 = arith.constant 0 : i32
    %dma_wait3A_238 = arith.constant 0 : i32
    %dma_wait3A_239 = tpu.memref_slice %arg2[%dma_wait3A_237, %dma_wait3A_238] : memref<4160x512xf32, #tpu.memory_space<hbm>> -> memref<64x512xf32, #tpu.memory_space<hbm>>
    tpu.wait_dma2 semaphore(%arg12 : memref<!tpu.dma_semaphore, #tpu.memory_space<semaphore_mem>>) src(%dma_wait3A_239 : memref<64x512xf32, #tpu.memory_space<hbm>>) dst(%arg9 : memref<64x512xf32, #tpu.memory_space<vmem>>)
    %add3A_240 = arith.constant 28 : i32
    %add3A_241 = arith.addi %shift_right_arithmetic3A_2, %add3A_240 : i32
    %mul3A_242 = arith.constant 64 : i32
    %mul3A_243 = arith.muli %add3A_241, %mul3A_242 : i32
    %lt3A_244 = arith.cmpi slt, %mul3A_243, %scan3A_17 : i32
    %convert_element_type3A_245 = arith.extui %lt3A_244 : i1 to i32
    %cond3A_246 = arith.constant 0 : i32
    %cond3A_247 = arith.cmpi ne, %convert_element_type3A_245, %cond3A_246 : i32
    scf.if %cond3A_247 {
      %dma_start3A_653 = arith.constant 448 : i32
      %dma_start3A_654 = tpu.memref_slice %arg7[%dma_start3A_653] : memref<1024xi32, #tpu.memory_space<vmem>> -> memref<64xi32, #tpu.memory_space<vmem>>
      %dma_start3A_655 = arith.constant 0 : i32
      %dma_start3A_656 = arith.constant 0 : i32
      %dma_start3A_657 = tpu.memref_slice %arg2[%dma_start3A_655, %dma_start3A_656] : memref<4160x512xf32, #tpu.memory_space<hbm>> -> memref<4160x512xf32, #tpu.memory_space<hbm>>
      tpu.enqueue_indirect_dma source(%dma_start3A_657 : memref<4160x512xf32, #tpu.memory_space<hbm>>) target(%arg10 : memref<64x512xf32, #tpu.memory_space<vmem>>) offsets(%dma_start3A_654 : memref<64xi32, #tpu.memory_space<vmem>>) semaphore(%arg15 : memref<!tpu.dma_semaphore, #tpu.memory_space<semaphore_mem>>)
    } else {
    }
    %mul3A_248 = arith.constant 64 : i32
    %mul3A_249 = arith.muli %and3A_1, %mul3A_248 : i32
    %add3A_250 = arith.addi %mul3A_249, %shift_right_arithmetic3A_2 : i32
    %add3A_251 = arith.constant 20 : i32
    %add3A_252 = arith.addi %add3A_250, %add3A_251 : i32
    %mul3A_253 = arith.constant 64 : i32
    %mul3A_254 = arith.muli %add3A_252, %mul3A_253 : i32
    %add3A_255 = arith.constant 20 : i32
    %add3A_256 = arith.addi %shift_right_arithmetic3A_2, %add3A_255 : i32
    %mul3A_257 = arith.constant 64 : i32
    %mul3A_258 = arith.muli %add3A_256, %mul3A_257 : i32
    %lt3A_259 = arith.cmpi slt, %mul3A_258, %scan3A_17 : i32
    %convert_element_type3A_260 = arith.extui %lt3A_259 : i1 to i32
    %cond3A_261 = arith.constant 0 : i32
    %cond3A_262 = arith.cmpi ne, %convert_element_type3A_260, %cond3A_261 : i32
    scf.if %cond3A_262 {
      %dma_wait3A_653 = arith.constant 320 : i32
      %dma_wait3A_654 = tpu.memref_slice %arg7[%dma_wait3A_653] : memref<1024xi32, #tpu.memory_space<vmem>> -> memref<64xi32, #tpu.memory_space<vmem>>
      %dma_wait3A_655 = arith.constant 0 : i32
      %dma_wait3A_656 = arith.constant 0 : i32
      %dma_wait3A_657 = tpu.memref_slice %arg2[%dma_wait3A_655, %dma_wait3A_656] : memref<4160x512xf32, #tpu.memory_space<hbm>> -> memref<4160x512xf32, #tpu.memory_space<hbm>>
      tpu.wait_indirect_dma semaphore(%arg16 : memref<!tpu.dma_semaphore, #tpu.memory_space<semaphore_mem>>) src(%dma_wait3A_657 : memref<4160x512xf32, #tpu.memory_space<hbm>>) dst(%arg11 : memref<64x512xf32, #tpu.memory_space<vmem>>)
      %dma_start3A_658 = arith.constant 0 : i32
      %dma_start3A_659 = tpu.memref_slice %arg4[%mul3A_254, %dma_start3A_658] : memref<32768x512xf32, #tpu.memory_space<hbm>> -> memref<64x512xf32, #tpu.memory_space<hbm>>
      %dma_start3A_660 = arith.constant 0 : i32
      %dma_start3A_661 = tpu.memref_slice %arg4[%mul3A_254, %dma_start3A_660] : memref<32768x512xf32, #tpu.memory_space<hbm>> -> memref<64x512xf32, #tpu.memory_space<hbm>>
      tpu.enqueue_dma source(%arg11 : memref<64x512xf32, #tpu.memory_space<vmem>>) target(%dma_start3A_661 : memref<64x512xf32, #tpu.memory_space<hbm>>) target_semaphore(%arg12 : memref<!tpu.dma_semaphore, #tpu.memory_space<semaphore_mem>>)
    } else {
    }
    %add3A_263 = arith.constant 20 : i32
    %add3A_264 = arith.addi %shift_right_arithmetic3A_2, %add3A_263 : i32
    %mul3A_265 = arith.constant 64 : i32
    %mul3A_266 = arith.muli %add3A_264, %mul3A_265 : i32
    %lt3A_267 = arith.cmpi slt, %mul3A_266, %scan3A_17 : i32
    %not3A_268 = arith.constant true
    %not3A_269 = arith.xori %lt3A_267, %not3A_268 : i1
    %convert_element_type3A_270 = arith.extui %not3A_269 : i1 to i32
    %cond3A_271 = arith.constant 0 : i32
    %cond3A_272 = arith.cmpi ne, %convert_element_type3A_270, %cond3A_271 : i32
    scf.if %cond3A_272 {
      %dma_start3A_653 = arith.constant 0 : i32
      %dma_start3A_654 = tpu.memref_slice %arg4[%mul3A_254, %dma_start3A_653] : memref<32768x512xf32, #tpu.memory_space<hbm>> -> memref<32x512xf32, #tpu.memory_space<hbm>>
      %dma_start3A_655 = arith.constant 0 : i32
      %dma_start3A_656 = tpu.memref_slice %arg4[%mul3A_254, %dma_start3A_655] : memref<32768x512xf32, #tpu.memory_space<hbm>> -> memref<32x512xf32, #tpu.memory_space<hbm>>
      tpu.enqueue_dma source(%arg8 : memref<32x512xf32, #tpu.memory_space<vmem>>) target(%dma_start3A_656 : memref<32x512xf32, #tpu.memory_space<hbm>>) target_semaphore(%arg12 : memref<!tpu.dma_semaphore, #tpu.memory_space<semaphore_mem>>)
      %add3A_657 = arith.constant 32 : i32
      %add3A_658 = arith.addi %mul3A_254, %add3A_657 : i32
      %dma_start3A_659 = arith.constant 0 : i32
      %dma_start3A_660 = tpu.memref_slice %arg4[%add3A_658, %dma_start3A_659] : memref<32768x512xf32, #tpu.memory_space<hbm>> -> memref<32x512xf32, #tpu.memory_space<hbm>>
      %dma_start3A_661 = arith.constant 0 : i32
      %dma_start3A_662 = tpu.memref_slice %arg4[%add3A_658, %dma_start3A_661] : memref<32768x512xf32, #tpu.memory_space<hbm>> -> memref<32x512xf32, #tpu.memory_space<hbm>>
      tpu.enqueue_dma source(%arg8 : memref<32x512xf32, #tpu.memory_space<vmem>>) target(%dma_start3A_662 : memref<32x512xf32, #tpu.memory_space<hbm>>) target_semaphore(%arg12 : memref<!tpu.dma_semaphore, #tpu.memory_space<semaphore_mem>>)
    } else {
    }
    %dma_wait3A_273 = arith.constant 0 : i32
    %dma_wait3A_274 = arith.constant 0 : i32
    %dma_wait3A_275 = tpu.memref_slice %arg2[%dma_wait3A_273, %dma_wait3A_274] : memref<4160x512xf32, #tpu.memory_space<hbm>> -> memref<64x512xf32, #tpu.memory_space<hbm>>
    %dma_wait3A_276 = arith.constant 0 : i32
    %dma_wait3A_277 = arith.constant 0 : i32
    %dma_wait3A_278 = tpu.memref_slice %arg2[%dma_wait3A_276, %dma_wait3A_277] : memref<4160x512xf32, #tpu.memory_space<hbm>> -> memref<64x512xf32, #tpu.memory_space<hbm>>
    tpu.wait_dma2 semaphore(%arg12 : memref<!tpu.dma_semaphore, #tpu.memory_space<semaphore_mem>>) src(%dma_wait3A_278 : memref<64x512xf32, #tpu.memory_space<hbm>>) dst(%arg9 : memref<64x512xf32, #tpu.memory_space<vmem>>)
    %add3A_279 = arith.constant 32 : i32
    %add3A_280 = arith.addi %shift_right_arithmetic3A_2, %add3A_279 : i32
    %mul3A_281 = arith.constant 64 : i32
    %mul3A_282 = arith.muli %add3A_280, %mul3A_281 : i32
    %lt3A_283 = arith.cmpi slt, %mul3A_282, %scan3A_17 : i32
    %convert_element_type3A_284 = arith.extui %lt3A_283 : i1 to i32
    %cond3A_285 = arith.constant 0 : i32
    %cond3A_286 = arith.cmpi ne, %convert_element_type3A_284, %cond3A_285 : i32
    scf.if %cond3A_286 {
      %dma_start3A_653 = arith.constant 512 : i32
      %dma_start3A_654 = tpu.memref_slice %arg7[%dma_start3A_653] : memref<1024xi32, #tpu.memory_space<vmem>> -> memref<64xi32, #tpu.memory_space<vmem>>
      %dma_start3A_655 = arith.constant 0 : i32
      %dma_start3A_656 = arith.constant 0 : i32
      %dma_start3A_657 = tpu.memref_slice %arg2[%dma_start3A_655, %dma_start3A_656] : memref<4160x512xf32, #tpu.memory_space<hbm>> -> memref<4160x512xf32, #tpu.memory_space<hbm>>
      tpu.enqueue_indirect_dma source(%dma_start3A_657 : memref<4160x512xf32, #tpu.memory_space<hbm>>) target(%arg11 : memref<64x512xf32, #tpu.memory_space<vmem>>) offsets(%dma_start3A_654 : memref<64xi32, #tpu.memory_space<vmem>>) semaphore(%arg16 : memref<!tpu.dma_semaphore, #tpu.memory_space<semaphore_mem>>)
    } else {
    }
    %mul3A_287 = arith.constant 64 : i32
    %mul3A_288 = arith.muli %and3A_1, %mul3A_287 : i32
    %add3A_289 = arith.addi %mul3A_288, %shift_right_arithmetic3A_2 : i32
    %add3A_290 = arith.constant 24 : i32
    %add3A_291 = arith.addi %add3A_289, %add3A_290 : i32
    %mul3A_292 = arith.constant 64 : i32
    %mul3A_293 = arith.muli %add3A_291, %mul3A_292 : i32
    %add3A_294 = arith.constant 24 : i32
    %add3A_295 = arith.addi %shift_right_arithmetic3A_2, %add3A_294 : i32
    %mul3A_296 = arith.constant 64 : i32
    %mul3A_297 = arith.muli %add3A_295, %mul3A_296 : i32
    %lt3A_298 = arith.cmpi slt, %mul3A_297, %scan3A_17 : i32
    %convert_element_type3A_299 = arith.extui %lt3A_298 : i1 to i32
    %cond3A_300 = arith.constant 0 : i32
    %cond3A_301 = arith.cmpi ne, %convert_element_type3A_299, %cond3A_300 : i32
    scf.if %cond3A_301 {
      %dma_wait3A_653 = arith.constant 384 : i32
      %dma_wait3A_654 = tpu.memref_slice %arg7[%dma_wait3A_653] : memref<1024xi32, #tpu.memory_space<vmem>> -> memref<64xi32, #tpu.memory_space<vmem>>
      %dma_wait3A_655 = arith.constant 0 : i32
      %dma_wait3A_656 = arith.constant 0 : i32
      %dma_wait3A_657 = tpu.memref_slice %arg2[%dma_wait3A_655, %dma_wait3A_656] : memref<4160x512xf32, #tpu.memory_space<hbm>> -> memref<4160x512xf32, #tpu.memory_space<hbm>>
      tpu.wait_indirect_dma semaphore(%arg14 : memref<!tpu.dma_semaphore, #tpu.memory_space<semaphore_mem>>) src(%dma_wait3A_657 : memref<4160x512xf32, #tpu.memory_space<hbm>>) dst(%arg9 : memref<64x512xf32, #tpu.memory_space<vmem>>)
      %dma_start3A_658 = arith.constant 0 : i32
      %dma_start3A_659 = tpu.memref_slice %arg4[%mul3A_293, %dma_start3A_658] : memref<32768x512xf32, #tpu.memory_space<hbm>> -> memref<64x512xf32, #tpu.memory_space<hbm>>
      %dma_start3A_660 = arith.constant 0 : i32
      %dma_start3A_661 = tpu.memref_slice %arg4[%mul3A_293, %dma_start3A_660] : memref<32768x512xf32, #tpu.memory_space<hbm>> -> memref<64x512xf32, #tpu.memory_space<hbm>>
      tpu.enqueue_dma source(%arg9 : memref<64x512xf32, #tpu.memory_space<vmem>>) target(%dma_start3A_661 : memref<64x512xf32, #tpu.memory_space<hbm>>) target_semaphore(%arg12 : memref<!tpu.dma_semaphore, #tpu.memory_space<semaphore_mem>>)
    } else {
    }
    %add3A_302 = arith.constant 24 : i32
    %add3A_303 = arith.addi %shift_right_arithmetic3A_2, %add3A_302 : i32
    %mul3A_304 = arith.constant 64 : i32
    %mul3A_305 = arith.muli %add3A_303, %mul3A_304 : i32
    %lt3A_306 = arith.cmpi slt, %mul3A_305, %scan3A_17 : i32
    %not3A_307 = arith.constant true
    %not3A_308 = arith.xori %lt3A_306, %not3A_307 : i1
    %convert_element_type3A_309 = arith.extui %not3A_308 : i1 to i32
    %cond3A_310 = arith.constant 0 : i32
    %cond3A_311 = arith.cmpi ne, %convert_element_type3A_309, %cond3A_310 : i32
    scf.if %cond3A_311 {
      %dma_start3A_653 = arith.constant 0 : i32
      %dma_start3A_654 = tpu.memref_slice %arg4[%mul3A_293, %dma_start3A_653] : memref<32768x512xf32, #tpu.memory_space<hbm>> -> memref<32x512xf32, #tpu.memory_space<hbm>>
      %dma_start3A_655 = arith.constant 0 : i32
      %dma_start3A_656 = tpu.memref_slice %arg4[%mul3A_293, %dma_start3A_655] : memref<32768x512xf32, #tpu.memory_space<hbm>> -> memref<32x512xf32, #tpu.memory_space<hbm>>
      tpu.enqueue_dma source(%arg8 : memref<32x512xf32, #tpu.memory_space<vmem>>) target(%dma_start3A_656 : memref<32x512xf32, #tpu.memory_space<hbm>>) target_semaphore(%arg12 : memref<!tpu.dma_semaphore, #tpu.memory_space<semaphore_mem>>)
      %add3A_657 = arith.constant 32 : i32
      %add3A_658 = arith.addi %mul3A_293, %add3A_657 : i32
      %dma_start3A_659 = arith.constant 0 : i32
      %dma_start3A_660 = tpu.memref_slice %arg4[%add3A_658, %dma_start3A_659] : memref<32768x512xf32, #tpu.memory_space<hbm>> -> memref<32x512xf32, #tpu.memory_space<hbm>>
      %dma_start3A_661 = arith.constant 0 : i32
      %dma_start3A_662 = tpu.memref_slice %arg4[%add3A_658, %dma_start3A_661] : memref<32768x512xf32, #tpu.memory_space<hbm>> -> memref<32x512xf32, #tpu.memory_space<hbm>>
      tpu.enqueue_dma source(%arg8 : memref<32x512xf32, #tpu.memory_space<vmem>>) target(%dma_start3A_662 : memref<32x512xf32, #tpu.memory_space<hbm>>) target_semaphore(%arg12 : memref<!tpu.dma_semaphore, #tpu.memory_space<semaphore_mem>>)
    } else {
    }
    %dma_wait3A_312 = arith.constant 0 : i32
    %dma_wait3A_313 = arith.constant 0 : i32
    %dma_wait3A_314 = tpu.memref_slice %arg2[%dma_wait3A_312, %dma_wait3A_313] : memref<4160x512xf32, #tpu.memory_space<hbm>> -> memref<64x512xf32, #tpu.memory_space<hbm>>
    %dma_wait3A_315 = arith.constant 0 : i32
    %dma_wait3A_316 = arith.constant 0 : i32
    %dma_wait3A_317 = tpu.memref_slice %arg2[%dma_wait3A_315, %dma_wait3A_316] : memref<4160x512xf32, #tpu.memory_space<hbm>> -> memref<64x512xf32, #tpu.memory_space<hbm>>
    tpu.wait_dma2 semaphore(%arg12 : memref<!tpu.dma_semaphore, #tpu.memory_space<semaphore_mem>>) src(%dma_wait3A_317 : memref<64x512xf32, #tpu.memory_space<hbm>>) dst(%arg9 : memref<64x512xf32, #tpu.memory_space<vmem>>)
    %add3A_318 = arith.constant 36 : i32
    %add3A_319 = arith.addi %shift_right_arithmetic3A_2, %add3A_318 : i32
    %mul3A_320 = arith.constant 64 : i32
    %mul3A_321 = arith.muli %add3A_319, %mul3A_320 : i32
    %lt3A_322 = arith.cmpi slt, %mul3A_321, %scan3A_17 : i32
    %convert_element_type3A_323 = arith.extui %lt3A_322 : i1 to i32
    %cond3A_324 = arith.constant 0 : i32
    %cond3A_325 = arith.cmpi ne, %convert_element_type3A_323, %cond3A_324 : i32
    scf.if %cond3A_325 {
      %dma_start3A_653 = arith.constant 576 : i32
      %dma_start3A_654 = tpu.memref_slice %arg7[%dma_start3A_653] : memref<1024xi32, #tpu.memory_space<vmem>> -> memref<64xi32, #tpu.memory_space<vmem>>
      %dma_start3A_655 = arith.constant 0 : i32
      %dma_start3A_656 = arith.constant 0 : i32
      %dma_start3A_657 = tpu.memref_slice %arg2[%dma_start3A_655, %dma_start3A_656] : memref<4160x512xf32, #tpu.memory_space<hbm>> -> memref<4160x512xf32, #tpu.memory_space<hbm>>
      tpu.enqueue_indirect_dma source(%dma_start3A_657 : memref<4160x512xf32, #tpu.memory_space<hbm>>) target(%arg9 : memref<64x512xf32, #tpu.memory_space<vmem>>) offsets(%dma_start3A_654 : memref<64xi32, #tpu.memory_space<vmem>>) semaphore(%arg14 : memref<!tpu.dma_semaphore, #tpu.memory_space<semaphore_mem>>)
    } else {
    }
    %mul3A_326 = arith.constant 64 : i32
    %mul3A_327 = arith.muli %and3A_1, %mul3A_326 : i32
    %add3A_328 = arith.addi %mul3A_327, %shift_right_arithmetic3A_2 : i32
    %add3A_329 = arith.constant 28 : i32
    %add3A_330 = arith.addi %add3A_328, %add3A_329 : i32
    %mul3A_331 = arith.constant 64 : i32
    %mul3A_332 = arith.muli %add3A_330, %mul3A_331 : i32
    %add3A_333 = arith.constant 28 : i32
    %add3A_334 = arith.addi %shift_right_arithmetic3A_2, %add3A_333 : i32
    %mul3A_335 = arith.constant 64 : i32
    %mul3A_336 = arith.muli %add3A_334, %mul3A_335 : i32
    %lt3A_337 = arith.cmpi slt, %mul3A_336, %scan3A_17 : i32
    %convert_element_type3A_338 = arith.extui %lt3A_337 : i1 to i32
    %cond3A_339 = arith.constant 0 : i32
    %cond3A_340 = arith.cmpi ne, %convert_element_type3A_338, %cond3A_339 : i32
    scf.if %cond3A_340 {
      %dma_wait3A_653 = arith.constant 448 : i32
      %dma_wait3A_654 = tpu.memref_slice %arg7[%dma_wait3A_653] : memref<1024xi32, #tpu.memory_space<vmem>> -> memref<64xi32, #tpu.memory_space<vmem>>
      %dma_wait3A_655 = arith.constant 0 : i32
      %dma_wait3A_656 = arith.constant 0 : i32
      %dma_wait3A_657 = tpu.memref_slice %arg2[%dma_wait3A_655, %dma_wait3A_656] : memref<4160x512xf32, #tpu.memory_space<hbm>> -> memref<4160x512xf32, #tpu.memory_space<hbm>>
      tpu.wait_indirect_dma semaphore(%arg15 : memref<!tpu.dma_semaphore, #tpu.memory_space<semaphore_mem>>) src(%dma_wait3A_657 : memref<4160x512xf32, #tpu.memory_space<hbm>>) dst(%arg10 : memref<64x512xf32, #tpu.memory_space<vmem>>)
      %dma_start3A_658 = arith.constant 0 : i32
      %dma_start3A_659 = tpu.memref_slice %arg4[%mul3A_332, %dma_start3A_658] : memref<32768x512xf32, #tpu.memory_space<hbm>> -> memref<64x512xf32, #tpu.memory_space<hbm>>
      %dma_start3A_660 = arith.constant 0 : i32
      %dma_start3A_661 = tpu.memref_slice %arg4[%mul3A_332, %dma_start3A_660] : memref<32768x512xf32, #tpu.memory_space<hbm>> -> memref<64x512xf32, #tpu.memory_space<hbm>>
      tpu.enqueue_dma source(%arg10 : memref<64x512xf32, #tpu.memory_space<vmem>>) target(%dma_start3A_661 : memref<64x512xf32, #tpu.memory_space<hbm>>) target_semaphore(%arg12 : memref<!tpu.dma_semaphore, #tpu.memory_space<semaphore_mem>>)
    } else {
    }
    %add3A_341 = arith.constant 28 : i32
    %add3A_342 = arith.addi %shift_right_arithmetic3A_2, %add3A_341 : i32
    %mul3A_343 = arith.constant 64 : i32
    %mul3A_344 = arith.muli %add3A_342, %mul3A_343 : i32
    %lt3A_345 = arith.cmpi slt, %mul3A_344, %scan3A_17 : i32
    %not3A_346 = arith.constant true
    %not3A_347 = arith.xori %lt3A_345, %not3A_346 : i1
    %convert_element_type3A_348 = arith.extui %not3A_347 : i1 to i32
    %cond3A_349 = arith.constant 0 : i32
    %cond3A_350 = arith.cmpi ne, %convert_element_type3A_348, %cond3A_349 : i32
    scf.if %cond3A_350 {
      %dma_start3A_653 = arith.constant 0 : i32
      %dma_start3A_654 = tpu.memref_slice %arg4[%mul3A_332, %dma_start3A_653] : memref<32768x512xf32, #tpu.memory_space<hbm>> -> memref<32x512xf32, #tpu.memory_space<hbm>>
      %dma_start3A_655 = arith.constant 0 : i32
      %dma_start3A_656 = tpu.memref_slice %arg4[%mul3A_332, %dma_start3A_655] : memref<32768x512xf32, #tpu.memory_space<hbm>> -> memref<32x512xf32, #tpu.memory_space<hbm>>
      tpu.enqueue_dma source(%arg8 : memref<32x512xf32, #tpu.memory_space<vmem>>) target(%dma_start3A_656 : memref<32x512xf32, #tpu.memory_space<hbm>>) target_semaphore(%arg12 : memref<!tpu.dma_semaphore, #tpu.memory_space<semaphore_mem>>)
      %add3A_657 = arith.constant 32 : i32
      %add3A_658 = arith.addi %mul3A_332, %add3A_657 : i32
      %dma_start3A_659 = arith.constant 0 : i32
      %dma_start3A_660 = tpu.memref_slice %arg4[%add3A_658, %dma_start3A_659] : memref<32768x512xf32, #tpu.memory_space<hbm>> -> memref<32x512xf32, #tpu.memory_space<hbm>>
      %dma_start3A_661 = arith.constant 0 : i32
      %dma_start3A_662 = tpu.memref_slice %arg4[%add3A_658, %dma_start3A_661] : memref<32768x512xf32, #tpu.memory_space<hbm>> -> memref<32x512xf32, #tpu.memory_space<hbm>>
      tpu.enqueue_dma source(%arg8 : memref<32x512xf32, #tpu.memory_space<vmem>>) target(%dma_start3A_662 : memref<32x512xf32, #tpu.memory_space<hbm>>) target_semaphore(%arg12 : memref<!tpu.dma_semaphore, #tpu.memory_space<semaphore_mem>>)
    } else {
    }
    %dma_wait3A_351 = arith.constant 0 : i32
    %dma_wait3A_352 = arith.constant 0 : i32
    %dma_wait3A_353 = tpu.memref_slice %arg2[%dma_wait3A_351, %dma_wait3A_352] : memref<4160x512xf32, #tpu.memory_space<hbm>> -> memref<64x512xf32, #tpu.memory_space<hbm>>
    %dma_wait3A_354 = arith.constant 0 : i32
    %dma_wait3A_355 = arith.constant 0 : i32
    %dma_wait3A_356 = tpu.memref_slice %arg2[%dma_wait3A_354, %dma_wait3A_355] : memref<4160x512xf32, #tpu.memory_space<hbm>> -> memref<64x512xf32, #tpu.memory_space<hbm>>
    tpu.wait_dma2 semaphore(%arg12 : memref<!tpu.dma_semaphore, #tpu.memory_space<semaphore_mem>>) src(%dma_wait3A_356 : memref<64x512xf32, #tpu.memory_space<hbm>>) dst(%arg9 : memref<64x512xf32, #tpu.memory_space<vmem>>)
    %add3A_357 = arith.constant 40 : i32
    %add3A_358 = arith.addi %shift_right_arithmetic3A_2, %add3A_357 : i32
    %mul3A_359 = arith.constant 64 : i32
    %mul3A_360 = arith.muli %add3A_358, %mul3A_359 : i32
    %lt3A_361 = arith.cmpi slt, %mul3A_360, %scan3A_17 : i32
    %convert_element_type3A_362 = arith.extui %lt3A_361 : i1 to i32
    %cond3A_363 = arith.constant 0 : i32
    %cond3A_364 = arith.cmpi ne, %convert_element_type3A_362, %cond3A_363 : i32
    scf.if %cond3A_364 {
      %dma_start3A_653 = arith.constant 640 : i32
      %dma_start3A_654 = tpu.memref_slice %arg7[%dma_start3A_653] : memref<1024xi32, #tpu.memory_space<vmem>> -> memref<64xi32, #tpu.memory_space<vmem>>
      %dma_start3A_655 = arith.constant 0 : i32
      %dma_start3A_656 = arith.constant 0 : i32
      %dma_start3A_657 = tpu.memref_slice %arg2[%dma_start3A_655, %dma_start3A_656] : memref<4160x512xf32, #tpu.memory_space<hbm>> -> memref<4160x512xf32, #tpu.memory_space<hbm>>
      tpu.enqueue_indirect_dma source(%dma_start3A_657 : memref<4160x512xf32, #tpu.memory_space<hbm>>) target(%arg10 : memref<64x512xf32, #tpu.memory_space<vmem>>) offsets(%dma_start3A_654 : memref<64xi32, #tpu.memory_space<vmem>>) semaphore(%arg15 : memref<!tpu.dma_semaphore, #tpu.memory_space<semaphore_mem>>)
    } else {
    }
    %mul3A_365 = arith.constant 64 : i32
    %mul3A_366 = arith.muli %and3A_1, %mul3A_365 : i32
    %add3A_367 = arith.addi %mul3A_366, %shift_right_arithmetic3A_2 : i32
    %add3A_368 = arith.constant 32 : i32
    %add3A_369 = arith.addi %add3A_367, %add3A_368 : i32
    %mul3A_370 = arith.constant 64 : i32
    %mul3A_371 = arith.muli %add3A_369, %mul3A_370 : i32
    %add3A_372 = arith.constant 32 : i32
    %add3A_373 = arith.addi %shift_right_arithmetic3A_2, %add3A_372 : i32
    %mul3A_374 = arith.constant 64 : i32
    %mul3A_375 = arith.muli %add3A_373, %mul3A_374 : i32
    %lt3A_376 = arith.cmpi slt, %mul3A_375, %scan3A_17 : i32
    %convert_element_type3A_377 = arith.extui %lt3A_376 : i1 to i32
    %cond3A_378 = arith.constant 0 : i32
    %cond3A_379 = arith.cmpi ne, %convert_element_type3A_377, %cond3A_378 : i32
    scf.if %cond3A_379 {
      %dma_wait3A_653 = arith.constant 512 : i32
      %dma_wait3A_654 = tpu.memref_slice %arg7[%dma_wait3A_653] : memref<1024xi32, #tpu.memory_space<vmem>> -> memref<64xi32, #tpu.memory_space<vmem>>
      %dma_wait3A_655 = arith.constant 0 : i32
      %dma_wait3A_656 = arith.constant 0 : i32
      %dma_wait3A_657 = tpu.memref_slice %arg2[%dma_wait3A_655, %dma_wait3A_656] : memref<4160x512xf32, #tpu.memory_space<hbm>> -> memref<4160x512xf32, #tpu.memory_space<hbm>>
      tpu.wait_indirect_dma semaphore(%arg16 : memref<!tpu.dma_semaphore, #tpu.memory_space<semaphore_mem>>) src(%dma_wait3A_657 : memref<4160x512xf32, #tpu.memory_space<hbm>>) dst(%arg11 : memref<64x512xf32, #tpu.memory_space<vmem>>)
      %dma_start3A_658 = arith.constant 0 : i32
      %dma_start3A_659 = tpu.memref_slice %arg4[%mul3A_371, %dma_start3A_658] : memref<32768x512xf32, #tpu.memory_space<hbm>> -> memref<64x512xf32, #tpu.memory_space<hbm>>
      %dma_start3A_660 = arith.constant 0 : i32
      %dma_start3A_661 = tpu.memref_slice %arg4[%mul3A_371, %dma_start3A_660] : memref<32768x512xf32, #tpu.memory_space<hbm>> -> memref<64x512xf32, #tpu.memory_space<hbm>>
      tpu.enqueue_dma source(%arg11 : memref<64x512xf32, #tpu.memory_space<vmem>>) target(%dma_start3A_661 : memref<64x512xf32, #tpu.memory_space<hbm>>) target_semaphore(%arg12 : memref<!tpu.dma_semaphore, #tpu.memory_space<semaphore_mem>>)
    } else {
    }
    %add3A_380 = arith.constant 32 : i32
    %add3A_381 = arith.addi %shift_right_arithmetic3A_2, %add3A_380 : i32
    %mul3A_382 = arith.constant 64 : i32
    %mul3A_383 = arith.muli %add3A_381, %mul3A_382 : i32
    %lt3A_384 = arith.cmpi slt, %mul3A_383, %scan3A_17 : i32
    %not3A_385 = arith.constant true
    %not3A_386 = arith.xori %lt3A_384, %not3A_385 : i1
    %convert_element_type3A_387 = arith.extui %not3A_386 : i1 to i32
    %cond3A_388 = arith.constant 0 : i32
    %cond3A_389 = arith.cmpi ne, %convert_element_type3A_387, %cond3A_388 : i32
    scf.if %cond3A_389 {
      %dma_start3A_653 = arith.constant 0 : i32
      %dma_start3A_654 = tpu.memref_slice %arg4[%mul3A_371, %dma_start3A_653] : memref<32768x512xf32, #tpu.memory_space<hbm>> -> memref<32x512xf32, #tpu.memory_space<hbm>>
      %dma_start3A_655 = arith.constant 0 : i32
      %dma_start3A_656 = tpu.memref_slice %arg4[%mul3A_371, %dma_start3A_655] : memref<32768x512xf32, #tpu.memory_space<hbm>> -> memref<32x512xf32, #tpu.memory_space<hbm>>
      tpu.enqueue_dma source(%arg8 : memref<32x512xf32, #tpu.memory_space<vmem>>) target(%dma_start3A_656 : memref<32x512xf32, #tpu.memory_space<hbm>>) target_semaphore(%arg12 : memref<!tpu.dma_semaphore, #tpu.memory_space<semaphore_mem>>)
      %add3A_657 = arith.constant 32 : i32
      %add3A_658 = arith.addi %mul3A_371, %add3A_657 : i32
      %dma_start3A_659 = arith.constant 0 : i32
      %dma_start3A_660 = tpu.memref_slice %arg4[%add3A_658, %dma_start3A_659] : memref<32768x512xf32, #tpu.memory_space<hbm>> -> memref<32x512xf32, #tpu.memory_space<hbm>>
      %dma_start3A_661 = arith.constant 0 : i32
      %dma_start3A_662 = tpu.memref_slice %arg4[%add3A_658, %dma_start3A_661] : memref<32768x512xf32, #tpu.memory_space<hbm>> -> memref<32x512xf32, #tpu.memory_space<hbm>>
      tpu.enqueue_dma source(%arg8 : memref<32x512xf32, #tpu.memory_space<vmem>>) target(%dma_start3A_662 : memref<32x512xf32, #tpu.memory_space<hbm>>) target_semaphore(%arg12 : memref<!tpu.dma_semaphore, #tpu.memory_space<semaphore_mem>>)
    } else {
    }
    %dma_wait3A_390 = arith.constant 0 : i32
    %dma_wait3A_391 = arith.constant 0 : i32
    %dma_wait3A_392 = tpu.memref_slice %arg2[%dma_wait3A_390, %dma_wait3A_391] : memref<4160x512xf32, #tpu.memory_space<hbm>> -> memref<64x512xf32, #tpu.memory_space<hbm>>
    %dma_wait3A_393 = arith.constant 0 : i32
    %dma_wait3A_394 = arith.constant 0 : i32
    %dma_wait3A_395 = tpu.memref_slice %arg2[%dma_wait3A_393, %dma_wait3A_394] : memref<4160x512xf32, #tpu.memory_space<hbm>> -> memref<64x512xf32, #tpu.memory_space<hbm>>
    tpu.wait_dma2 semaphore(%arg12 : memref<!tpu.dma_semaphore, #tpu.memory_space<semaphore_mem>>) src(%dma_wait3A_395 : memref<64x512xf32, #tpu.memory_space<hbm>>) dst(%arg9 : memref<64x512xf32, #tpu.memory_space<vmem>>)
    %add3A_396 = arith.constant 44 : i32
    %add3A_397 = arith.addi %shift_right_arithmetic3A_2, %add3A_396 : i32
    %mul3A_398 = arith.constant 64 : i32
    %mul3A_399 = arith.muli %add3A_397, %mul3A_398 : i32
    %lt3A_400 = arith.cmpi slt, %mul3A_399, %scan3A_17 : i32
    %convert_element_type3A_401 = arith.extui %lt3A_400 : i1 to i32
    %cond3A_402 = arith.constant 0 : i32
    %cond3A_403 = arith.cmpi ne, %convert_element_type3A_401, %cond3A_402 : i32
    scf.if %cond3A_403 {
      %dma_start3A_653 = arith.constant 704 : i32
      %dma_start3A_654 = tpu.memref_slice %arg7[%dma_start3A_653] : memref<1024xi32, #tpu.memory_space<vmem>> -> memref<64xi32, #tpu.memory_space<vmem>>
      %dma_start3A_655 = arith.constant 0 : i32
      %dma_start3A_656 = arith.constant 0 : i32
      %dma_start3A_657 = tpu.memref_slice %arg2[%dma_start3A_655, %dma_start3A_656] : memref<4160x512xf32, #tpu.memory_space<hbm>> -> memref<4160x512xf32, #tpu.memory_space<hbm>>
      tpu.enqueue_indirect_dma source(%dma_start3A_657 : memref<4160x512xf32, #tpu.memory_space<hbm>>) target(%arg11 : memref<64x512xf32, #tpu.memory_space<vmem>>) offsets(%dma_start3A_654 : memref<64xi32, #tpu.memory_space<vmem>>) semaphore(%arg16 : memref<!tpu.dma_semaphore, #tpu.memory_space<semaphore_mem>>)
    } else {
    }
    %mul3A_404 = arith.constant 64 : i32
    %mul3A_405 = arith.muli %and3A_1, %mul3A_404 : i32
    %add3A_406 = arith.addi %mul3A_405, %shift_right_arithmetic3A_2 : i32
    %add3A_407 = arith.constant 36 : i32
    %add3A_408 = arith.addi %add3A_406, %add3A_407 : i32
    %mul3A_409 = arith.constant 64 : i32
    %mul3A_410 = arith.muli %add3A_408, %mul3A_409 : i32
    %add3A_411 = arith.constant 36 : i32
    %add3A_412 = arith.addi %shift_right_arithmetic3A_2, %add3A_411 : i32
    %mul3A_413 = arith.constant 64 : i32
    %mul3A_414 = arith.muli %add3A_412, %mul3A_413 : i32
    %lt3A_415 = arith.cmpi slt, %mul3A_414, %scan3A_17 : i32
    %convert_element_type3A_416 = arith.extui %lt3A_415 : i1 to i32
    %cond3A_417 = arith.constant 0 : i32
    %cond3A_418 = arith.cmpi ne, %convert_element_type3A_416, %cond3A_417 : i32
    scf.if %cond3A_418 {
      %dma_wait3A_653 = arith.constant 576 : i32
      %dma_wait3A_654 = tpu.memref_slice %arg7[%dma_wait3A_653] : memref<1024xi32, #tpu.memory_space<vmem>> -> memref<64xi32, #tpu.memory_space<vmem>>
      %dma_wait3A_655 = arith.constant 0 : i32
      %dma_wait3A_656 = arith.constant 0 : i32
      %dma_wait3A_657 = tpu.memref_slice %arg2[%dma_wait3A_655, %dma_wait3A_656] : memref<4160x512xf32, #tpu.memory_space<hbm>> -> memref<4160x512xf32, #tpu.memory_space<hbm>>
      tpu.wait_indirect_dma semaphore(%arg14 : memref<!tpu.dma_semaphore, #tpu.memory_space<semaphore_mem>>) src(%dma_wait3A_657 : memref<4160x512xf32, #tpu.memory_space<hbm>>) dst(%arg9 : memref<64x512xf32, #tpu.memory_space<vmem>>)
      %dma_start3A_658 = arith.constant 0 : i32
      %dma_start3A_659 = tpu.memref_slice %arg4[%mul3A_410, %dma_start3A_658] : memref<32768x512xf32, #tpu.memory_space<hbm>> -> memref<64x512xf32, #tpu.memory_space<hbm>>
      %dma_start3A_660 = arith.constant 0 : i32
      %dma_start3A_661 = tpu.memref_slice %arg4[%mul3A_410, %dma_start3A_660] : memref<32768x512xf32, #tpu.memory_space<hbm>> -> memref<64x512xf32, #tpu.memory_space<hbm>>
      tpu.enqueue_dma source(%arg9 : memref<64x512xf32, #tpu.memory_space<vmem>>) target(%dma_start3A_661 : memref<64x512xf32, #tpu.memory_space<hbm>>) target_semaphore(%arg12 : memref<!tpu.dma_semaphore, #tpu.memory_space<semaphore_mem>>)
    } else {
    }
    %add3A_419 = arith.constant 36 : i32
    %add3A_420 = arith.addi %shift_right_arithmetic3A_2, %add3A_419 : i32
    %mul3A_421 = arith.constant 64 : i32
    %mul3A_422 = arith.muli %add3A_420, %mul3A_421 : i32
    %lt3A_423 = arith.cmpi slt, %mul3A_422, %scan3A_17 : i32
    %not3A_424 = arith.constant true
    %not3A_425 = arith.xori %lt3A_423, %not3A_424 : i1
    %convert_element_type3A_426 = arith.extui %not3A_425 : i1 to i32
    %cond3A_427 = arith.constant 0 : i32
    %cond3A_428 = arith.cmpi ne, %convert_element_type3A_426, %cond3A_427 : i32
    scf.if %cond3A_428 {
      %dma_start3A_653 = arith.constant 0 : i32
      %dma_start3A_654 = tpu.memref_slice %arg4[%mul3A_410, %dma_start3A_653] : memref<32768x512xf32, #tpu.memory_space<hbm>> -> memref<32x512xf32, #tpu.memory_space<hbm>>
      %dma_start3A_655 = arith.constant 0 : i32
      %dma_start3A_656 = tpu.memref_slice %arg4[%mul3A_410, %dma_start3A_655] : memref<32768x512xf32, #tpu.memory_space<hbm>> -> memref<32x512xf32, #tpu.memory_space<hbm>>
      tpu.enqueue_dma source(%arg8 : memref<32x512xf32, #tpu.memory_space<vmem>>) target(%dma_start3A_656 : memref<32x512xf32, #tpu.memory_space<hbm>>) target_semaphore(%arg12 : memref<!tpu.dma_semaphore, #tpu.memory_space<semaphore_mem>>)
      %add3A_657 = arith.constant 32 : i32
      %add3A_658 = arith.addi %mul3A_410, %add3A_657 : i32
      %dma_start3A_659 = arith.constant 0 : i32
      %dma_start3A_660 = tpu.memref_slice %arg4[%add3A_658, %dma_start3A_659] : memref<32768x512xf32, #tpu.memory_space<hbm>> -> memref<32x512xf32, #tpu.memory_space<hbm>>
      %dma_start3A_661 = arith.constant 0 : i32
      %dma_start3A_662 = tpu.memref_slice %arg4[%add3A_658, %dma_start3A_661] : memref<32768x512xf32, #tpu.memory_space<hbm>> -> memref<32x512xf32, #tpu.memory_space<hbm>>
      tpu.enqueue_dma source(%arg8 : memref<32x512xf32, #tpu.memory_space<vmem>>) target(%dma_start3A_662 : memref<32x512xf32, #tpu.memory_space<hbm>>) target_semaphore(%arg12 : memref<!tpu.dma_semaphore, #tpu.memory_space<semaphore_mem>>)
    } else {
    }
    %dma_wait3A_429 = arith.constant 0 : i32
    %dma_wait3A_430 = arith.constant 0 : i32
    %dma_wait3A_431 = tpu.memref_slice %arg2[%dma_wait3A_429, %dma_wait3A_430] : memref<4160x512xf32, #tpu.memory_space<hbm>> -> memref<64x512xf32, #tpu.memory_space<hbm>>
    %dma_wait3A_432 = arith.constant 0 : i32
    %dma_wait3A_433 = arith.constant 0 : i32
    %dma_wait3A_434 = tpu.memref_slice %arg2[%dma_wait3A_432, %dma_wait3A_433] : memref<4160x512xf32, #tpu.memory_space<hbm>> -> memref<64x512xf32, #tpu.memory_space<hbm>>
    tpu.wait_dma2 semaphore(%arg12 : memref<!tpu.dma_semaphore, #tpu.memory_space<semaphore_mem>>) src(%dma_wait3A_434 : memref<64x512xf32, #tpu.memory_space<hbm>>) dst(%arg9 : memref<64x512xf32, #tpu.memory_space<vmem>>)
    %add3A_435 = arith.constant 48 : i32
    %add3A_436 = arith.addi %shift_right_arithmetic3A_2, %add3A_435 : i32
    %mul3A_437 = arith.constant 64 : i32
    %mul3A_438 = arith.muli %add3A_436, %mul3A_437 : i32
    %lt3A_439 = arith.cmpi slt, %mul3A_438, %scan3A_17 : i32
    %convert_element_type3A_440 = arith.extui %lt3A_439 : i1 to i32
    %cond3A_441 = arith.constant 0 : i32
    %cond3A_442 = arith.cmpi ne, %convert_element_type3A_440, %cond3A_441 : i32
    scf.if %cond3A_442 {
      %dma_start3A_653 = arith.constant 768 : i32
      %dma_start3A_654 = tpu.memref_slice %arg7[%dma_start3A_653] : memref<1024xi32, #tpu.memory_space<vmem>> -> memref<64xi32, #tpu.memory_space<vmem>>
      %dma_start3A_655 = arith.constant 0 : i32
      %dma_start3A_656 = arith.constant 0 : i32
      %dma_start3A_657 = tpu.memref_slice %arg2[%dma_start3A_655, %dma_start3A_656] : memref<4160x512xf32, #tpu.memory_space<hbm>> -> memref<4160x512xf32, #tpu.memory_space<hbm>>
      tpu.enqueue_indirect_dma source(%dma_start3A_657 : memref<4160x512xf32, #tpu.memory_space<hbm>>) target(%arg9 : memref<64x512xf32, #tpu.memory_space<vmem>>) offsets(%dma_start3A_654 : memref<64xi32, #tpu.memory_space<vmem>>) semaphore(%arg14 : memref<!tpu.dma_semaphore, #tpu.memory_space<semaphore_mem>>)
    } else {
    }
    %mul3A_443 = arith.constant 64 : i32
    %mul3A_444 = arith.muli %and3A_1, %mul3A_443 : i32
    %add3A_445 = arith.addi %mul3A_444, %shift_right_arithmetic3A_2 : i32
    %add3A_446 = arith.constant 40 : i32
    %add3A_447 = arith.addi %add3A_445, %add3A_446 : i32
    %mul3A_448 = arith.constant 64 : i32
    %mul3A_449 = arith.muli %add3A_447, %mul3A_448 : i32
    %add3A_450 = arith.constant 40 : i32
    %add3A_451 = arith.addi %shift_right_arithmetic3A_2, %add3A_450 : i32
    %mul3A_452 = arith.constant 64 : i32
    %mul3A_453 = arith.muli %add3A_451, %mul3A_452 : i32
    %lt3A_454 = arith.cmpi slt, %mul3A_453, %scan3A_17 : i32
    %convert_element_type3A_455 = arith.extui %lt3A_454 : i1 to i32
    %cond3A_456 = arith.constant 0 : i32
    %cond3A_457 = arith.cmpi ne, %convert_element_type3A_455, %cond3A_456 : i32
    scf.if %cond3A_457 {
      %dma_wait3A_653 = arith.constant 640 : i32
      %dma_wait3A_654 = tpu.memref_slice %arg7[%dma_wait3A_653] : memref<1024xi32, #tpu.memory_space<vmem>> -> memref<64xi32, #tpu.memory_space<vmem>>
      %dma_wait3A_655 = arith.constant 0 : i32
      %dma_wait3A_656 = arith.constant 0 : i32
      %dma_wait3A_657 = tpu.memref_slice %arg2[%dma_wait3A_655, %dma_wait3A_656] : memref<4160x512xf32, #tpu.memory_space<hbm>> -> memref<4160x512xf32, #tpu.memory_space<hbm>>
      tpu.wait_indirect_dma semaphore(%arg15 : memref<!tpu.dma_semaphore, #tpu.memory_space<semaphore_mem>>) src(%dma_wait3A_657 : memref<4160x512xf32, #tpu.memory_space<hbm>>) dst(%arg10 : memref<64x512xf32, #tpu.memory_space<vmem>>)
      %dma_start3A_658 = arith.constant 0 : i32
      %dma_start3A_659 = tpu.memref_slice %arg4[%mul3A_449, %dma_start3A_658] : memref<32768x512xf32, #tpu.memory_space<hbm>> -> memref<64x512xf32, #tpu.memory_space<hbm>>
      %dma_start3A_660 = arith.constant 0 : i32
      %dma_start3A_661 = tpu.memref_slice %arg4[%mul3A_449, %dma_start3A_660] : memref<32768x512xf32, #tpu.memory_space<hbm>> -> memref<64x512xf32, #tpu.memory_space<hbm>>
      tpu.enqueue_dma source(%arg10 : memref<64x512xf32, #tpu.memory_space<vmem>>) target(%dma_start3A_661 : memref<64x512xf32, #tpu.memory_space<hbm>>) target_semaphore(%arg12 : memref<!tpu.dma_semaphore, #tpu.memory_space<semaphore_mem>>)
    } else {
    }
    %add3A_458 = arith.constant 40 : i32
    %add3A_459 = arith.addi %shift_right_arithmetic3A_2, %add3A_458 : i32
    %mul3A_460 = arith.constant 64 : i32
    %mul3A_461 = arith.muli %add3A_459, %mul3A_460 : i32
    %lt3A_462 = arith.cmpi slt, %mul3A_461, %scan3A_17 : i32
    %not3A_463 = arith.constant true
    %not3A_464 = arith.xori %lt3A_462, %not3A_463 : i1
    %convert_element_type3A_465 = arith.extui %not3A_464 : i1 to i32
    %cond3A_466 = arith.constant 0 : i32
    %cond3A_467 = arith.cmpi ne, %convert_element_type3A_465, %cond3A_466 : i32
    scf.if %cond3A_467 {
      %dma_start3A_653 = arith.constant 0 : i32
      %dma_start3A_654 = tpu.memref_slice %arg4[%mul3A_449, %dma_start3A_653] : memref<32768x512xf32, #tpu.memory_space<hbm>> -> memref<32x512xf32, #tpu.memory_space<hbm>>
      %dma_start3A_655 = arith.constant 0 : i32
      %dma_start3A_656 = tpu.memref_slice %arg4[%mul3A_449, %dma_start3A_655] : memref<32768x512xf32, #tpu.memory_space<hbm>> -> memref<32x512xf32, #tpu.memory_space<hbm>>
      tpu.enqueue_dma source(%arg8 : memref<32x512xf32, #tpu.memory_space<vmem>>) target(%dma_start3A_656 : memref<32x512xf32, #tpu.memory_space<hbm>>) target_semaphore(%arg12 : memref<!tpu.dma_semaphore, #tpu.memory_space<semaphore_mem>>)
      %add3A_657 = arith.constant 32 : i32
      %add3A_658 = arith.addi %mul3A_449, %add3A_657 : i32
      %dma_start3A_659 = arith.constant 0 : i32
      %dma_start3A_660 = tpu.memref_slice %arg4[%add3A_658, %dma_start3A_659] : memref<32768x512xf32, #tpu.memory_space<hbm>> -> memref<32x512xf32, #tpu.memory_space<hbm>>
      %dma_start3A_661 = arith.constant 0 : i32
      %dma_start3A_662 = tpu.memref_slice %arg4[%add3A_658, %dma_start3A_661] : memref<32768x512xf32, #tpu.memory_space<hbm>> -> memref<32x512xf32, #tpu.memory_space<hbm>>
      tpu.enqueue_dma source(%arg8 : memref<32x512xf32, #tpu.memory_space<vmem>>) target(%dma_start3A_662 : memref<32x512xf32, #tpu.memory_space<hbm>>) target_semaphore(%arg12 : memref<!tpu.dma_semaphore, #tpu.memory_space<semaphore_mem>>)
    } else {
    }
    %dma_wait3A_468 = arith.constant 0 : i32
    %dma_wait3A_469 = arith.constant 0 : i32
    %dma_wait3A_470 = tpu.memref_slice %arg2[%dma_wait3A_468, %dma_wait3A_469] : memref<4160x512xf32, #tpu.memory_space<hbm>> -> memref<64x512xf32, #tpu.memory_space<hbm>>
    %dma_wait3A_471 = arith.constant 0 : i32
    %dma_wait3A_472 = arith.constant 0 : i32
    %dma_wait3A_473 = tpu.memref_slice %arg2[%dma_wait3A_471, %dma_wait3A_472] : memref<4160x512xf32, #tpu.memory_space<hbm>> -> memref<64x512xf32, #tpu.memory_space<hbm>>
    tpu.wait_dma2 semaphore(%arg12 : memref<!tpu.dma_semaphore, #tpu.memory_space<semaphore_mem>>) src(%dma_wait3A_473 : memref<64x512xf32, #tpu.memory_space<hbm>>) dst(%arg9 : memref<64x512xf32, #tpu.memory_space<vmem>>)
    %add3A_474 = arith.constant 52 : i32
    %add3A_475 = arith.addi %shift_right_arithmetic3A_2, %add3A_474 : i32
    %mul3A_476 = arith.constant 64 : i32
    %mul3A_477 = arith.muli %add3A_475, %mul3A_476 : i32
    %lt3A_478 = arith.cmpi slt, %mul3A_477, %scan3A_17 : i32
    %convert_element_type3A_479 = arith.extui %lt3A_478 : i1 to i32
    %cond3A_480 = arith.constant 0 : i32
    %cond3A_481 = arith.cmpi ne, %convert_element_type3A_479, %cond3A_480 : i32
    scf.if %cond3A_481 {
      %dma_start3A_653 = arith.constant 832 : i32
      %dma_start3A_654 = tpu.memref_slice %arg7[%dma_start3A_653] : memref<1024xi32, #tpu.memory_space<vmem>> -> memref<64xi32, #tpu.memory_space<vmem>>
      %dma_start3A_655 = arith.constant 0 : i32
      %dma_start3A_656 = arith.constant 0 : i32
      %dma_start3A_657 = tpu.memref_slice %arg2[%dma_start3A_655, %dma_start3A_656] : memref<4160x512xf32, #tpu.memory_space<hbm>> -> memref<4160x512xf32, #tpu.memory_space<hbm>>
      tpu.enqueue_indirect_dma source(%dma_start3A_657 : memref<4160x512xf32, #tpu.memory_space<hbm>>) target(%arg10 : memref<64x512xf32, #tpu.memory_space<vmem>>) offsets(%dma_start3A_654 : memref<64xi32, #tpu.memory_space<vmem>>) semaphore(%arg15 : memref<!tpu.dma_semaphore, #tpu.memory_space<semaphore_mem>>)
    } else {
    }
    %mul3A_482 = arith.constant 64 : i32
    %mul3A_483 = arith.muli %and3A_1, %mul3A_482 : i32
    %add3A_484 = arith.addi %mul3A_483, %shift_right_arithmetic3A_2 : i32
    %add3A_485 = arith.constant 44 : i32
    %add3A_486 = arith.addi %add3A_484, %add3A_485 : i32
    %mul3A_487 = arith.constant 64 : i32
    %mul3A_488 = arith.muli %add3A_486, %mul3A_487 : i32
    %add3A_489 = arith.constant 44 : i32
    %add3A_490 = arith.addi %shift_right_arithmetic3A_2, %add3A_489 : i32
    %mul3A_491 = arith.constant 64 : i32
    %mul3A_492 = arith.muli %add3A_490, %mul3A_491 : i32
    %lt3A_493 = arith.cmpi slt, %mul3A_492, %scan3A_17 : i32
    %convert_element_type3A_494 = arith.extui %lt3A_493 : i1 to i32
    %cond3A_495 = arith.constant 0 : i32
    %cond3A_496 = arith.cmpi ne, %convert_element_type3A_494, %cond3A_495 : i32
    scf.if %cond3A_496 {
      %dma_wait3A_653 = arith.constant 704 : i32
      %dma_wait3A_654 = tpu.memref_slice %arg7[%dma_wait3A_653] : memref<1024xi32, #tpu.memory_space<vmem>> -> memref<64xi32, #tpu.memory_space<vmem>>
      %dma_wait3A_655 = arith.constant 0 : i32
      %dma_wait3A_656 = arith.constant 0 : i32
      %dma_wait3A_657 = tpu.memref_slice %arg2[%dma_wait3A_655, %dma_wait3A_656] : memref<4160x512xf32, #tpu.memory_space<hbm>> -> memref<4160x512xf32, #tpu.memory_space<hbm>>
      tpu.wait_indirect_dma semaphore(%arg16 : memref<!tpu.dma_semaphore, #tpu.memory_space<semaphore_mem>>) src(%dma_wait3A_657 : memref<4160x512xf32, #tpu.memory_space<hbm>>) dst(%arg11 : memref<64x512xf32, #tpu.memory_space<vmem>>)
      %dma_start3A_658 = arith.constant 0 : i32
      %dma_start3A_659 = tpu.memref_slice %arg4[%mul3A_488, %dma_start3A_658] : memref<32768x512xf32, #tpu.memory_space<hbm>> -> memref<64x512xf32, #tpu.memory_space<hbm>>
      %dma_start3A_660 = arith.constant 0 : i32
      %dma_start3A_661 = tpu.memref_slice %arg4[%mul3A_488, %dma_start3A_660] : memref<32768x512xf32, #tpu.memory_space<hbm>> -> memref<64x512xf32, #tpu.memory_space<hbm>>
      tpu.enqueue_dma source(%arg11 : memref<64x512xf32, #tpu.memory_space<vmem>>) target(%dma_start3A_661 : memref<64x512xf32, #tpu.memory_space<hbm>>) target_semaphore(%arg12 : memref<!tpu.dma_semaphore, #tpu.memory_space<semaphore_mem>>)
    } else {
    }
    %add3A_497 = arith.constant 44 : i32
    %add3A_498 = arith.addi %shift_right_arithmetic3A_2, %add3A_497 : i32
    %mul3A_499 = arith.constant 64 : i32
    %mul3A_500 = arith.muli %add3A_498, %mul3A_499 : i32
    %lt3A_501 = arith.cmpi slt, %mul3A_500, %scan3A_17 : i32
    %not3A_502 = arith.constant true
    %not3A_503 = arith.xori %lt3A_501, %not3A_502 : i1
    %convert_element_type3A_504 = arith.extui %not3A_503 : i1 to i32
    %cond3A_505 = arith.constant 0 : i32
    %cond3A_506 = arith.cmpi ne, %convert_element_type3A_504, %cond3A_505 : i32
    scf.if %cond3A_506 {
      %dma_start3A_653 = arith.constant 0 : i32
      %dma_start3A_654 = tpu.memref_slice %arg4[%mul3A_488, %dma_start3A_653] : memref<32768x512xf32, #tpu.memory_space<hbm>> -> memref<32x512xf32, #tpu.memory_space<hbm>>
      %dma_start3A_655 = arith.constant 0 : i32
      %dma_start3A_656 = tpu.memref_slice %arg4[%mul3A_488, %dma_start3A_655] : memref<32768x512xf32, #tpu.memory_space<hbm>> -> memref<32x512xf32, #tpu.memory_space<hbm>>
      tpu.enqueue_dma source(%arg8 : memref<32x512xf32, #tpu.memory_space<vmem>>) target(%dma_start3A_656 : memref<32x512xf32, #tpu.memory_space<hbm>>) target_semaphore(%arg12 : memref<!tpu.dma_semaphore, #tpu.memory_space<semaphore_mem>>)
      %add3A_657 = arith.constant 32 : i32
      %add3A_658 = arith.addi %mul3A_488, %add3A_657 : i32
      %dma_start3A_659 = arith.constant 0 : i32
      %dma_start3A_660 = tpu.memref_slice %arg4[%add3A_658, %dma_start3A_659] : memref<32768x512xf32, #tpu.memory_space<hbm>> -> memref<32x512xf32, #tpu.memory_space<hbm>>
      %dma_start3A_661 = arith.constant 0 : i32
      %dma_start3A_662 = tpu.memref_slice %arg4[%add3A_658, %dma_start3A_661] : memref<32768x512xf32, #tpu.memory_space<hbm>> -> memref<32x512xf32, #tpu.memory_space<hbm>>
      tpu.enqueue_dma source(%arg8 : memref<32x512xf32, #tpu.memory_space<vmem>>) target(%dma_start3A_662 : memref<32x512xf32, #tpu.memory_space<hbm>>) target_semaphore(%arg12 : memref<!tpu.dma_semaphore, #tpu.memory_space<semaphore_mem>>)
    } else {
    }
    %dma_wait3A_507 = arith.constant 0 : i32
    %dma_wait3A_508 = arith.constant 0 : i32
    %dma_wait3A_509 = tpu.memref_slice %arg2[%dma_wait3A_507, %dma_wait3A_508] : memref<4160x512xf32, #tpu.memory_space<hbm>> -> memref<64x512xf32, #tpu.memory_space<hbm>>
    %dma_wait3A_510 = arith.constant 0 : i32
    %dma_wait3A_511 = arith.constant 0 : i32
    %dma_wait3A_512 = tpu.memref_slice %arg2[%dma_wait3A_510, %dma_wait3A_511] : memref<4160x512xf32, #tpu.memory_space<hbm>> -> memref<64x512xf32, #tpu.memory_space<hbm>>
    tpu.wait_dma2 semaphore(%arg12 : memref<!tpu.dma_semaphore, #tpu.memory_space<semaphore_mem>>) src(%dma_wait3A_512 : memref<64x512xf32, #tpu.memory_space<hbm>>) dst(%arg9 : memref<64x512xf32, #tpu.memory_space<vmem>>)
    %add3A_513 = arith.constant 56 : i32
    %add3A_514 = arith.addi %shift_right_arithmetic3A_2, %add3A_513 : i32
    %mul3A_515 = arith.constant 64 : i32
    %mul3A_516 = arith.muli %add3A_514, %mul3A_515 : i32
    %lt3A_517 = arith.cmpi slt, %mul3A_516, %scan3A_17 : i32
    %convert_element_type3A_518 = arith.extui %lt3A_517 : i1 to i32
    %cond3A_519 = arith.constant 0 : i32
    %cond3A_520 = arith.cmpi ne, %convert_element_type3A_518, %cond3A_519 : i32
    scf.if %cond3A_520 {
      %dma_start3A_653 = arith.constant 896 : i32
      %dma_start3A_654 = tpu.memref_slice %arg7[%dma_start3A_653] : memref<1024xi32, #tpu.memory_space<vmem>> -> memref<64xi32, #tpu.memory_space<vmem>>
      %dma_start3A_655 = arith.constant 0 : i32
      %dma_start3A_656 = arith.constant 0 : i32
      %dma_start3A_657 = tpu.memref_slice %arg2[%dma_start3A_655, %dma_start3A_656] : memref<4160x512xf32, #tpu.memory_space<hbm>> -> memref<4160x512xf32, #tpu.memory_space<hbm>>
      tpu.enqueue_indirect_dma source(%dma_start3A_657 : memref<4160x512xf32, #tpu.memory_space<hbm>>) target(%arg11 : memref<64x512xf32, #tpu.memory_space<vmem>>) offsets(%dma_start3A_654 : memref<64xi32, #tpu.memory_space<vmem>>) semaphore(%arg16 : memref<!tpu.dma_semaphore, #tpu.memory_space<semaphore_mem>>)
    } else {
    }
    %mul3A_521 = arith.constant 64 : i32
    %mul3A_522 = arith.muli %and3A_1, %mul3A_521 : i32
    %add3A_523 = arith.addi %mul3A_522, %shift_right_arithmetic3A_2 : i32
    %add3A_524 = arith.constant 48 : i32
    %add3A_525 = arith.addi %add3A_523, %add3A_524 : i32
    %mul3A_526 = arith.constant 64 : i32
    %mul3A_527 = arith.muli %add3A_525, %mul3A_526 : i32
    %add3A_528 = arith.constant 48 : i32
    %add3A_529 = arith.addi %shift_right_arithmetic3A_2, %add3A_528 : i32
    %mul3A_530 = arith.constant 64 : i32
    %mul3A_531 = arith.muli %add3A_529, %mul3A_530 : i32
    %lt3A_532 = arith.cmpi slt, %mul3A_531, %scan3A_17 : i32
    %convert_element_type3A_533 = arith.extui %lt3A_532 : i1 to i32
    %cond3A_534 = arith.constant 0 : i32
    %cond3A_535 = arith.cmpi ne, %convert_element_type3A_533, %cond3A_534 : i32
    scf.if %cond3A_535 {
      %dma_wait3A_653 = arith.constant 768 : i32
      %dma_wait3A_654 = tpu.memref_slice %arg7[%dma_wait3A_653] : memref<1024xi32, #tpu.memory_space<vmem>> -> memref<64xi32, #tpu.memory_space<vmem>>
      %dma_wait3A_655 = arith.constant 0 : i32
      %dma_wait3A_656 = arith.constant 0 : i32
      %dma_wait3A_657 = tpu.memref_slice %arg2[%dma_wait3A_655, %dma_wait3A_656] : memref<4160x512xf32, #tpu.memory_space<hbm>> -> memref<4160x512xf32, #tpu.memory_space<hbm>>
      tpu.wait_indirect_dma semaphore(%arg14 : memref<!tpu.dma_semaphore, #tpu.memory_space<semaphore_mem>>) src(%dma_wait3A_657 : memref<4160x512xf32, #tpu.memory_space<hbm>>) dst(%arg9 : memref<64x512xf32, #tpu.memory_space<vmem>>)
      %dma_start3A_658 = arith.constant 0 : i32
      %dma_start3A_659 = tpu.memref_slice %arg4[%mul3A_527, %dma_start3A_658] : memref<32768x512xf32, #tpu.memory_space<hbm>> -> memref<64x512xf32, #tpu.memory_space<hbm>>
      %dma_start3A_660 = arith.constant 0 : i32
      %dma_start3A_661 = tpu.memref_slice %arg4[%mul3A_527, %dma_start3A_660] : memref<32768x512xf32, #tpu.memory_space<hbm>> -> memref<64x512xf32, #tpu.memory_space<hbm>>
      tpu.enqueue_dma source(%arg9 : memref<64x512xf32, #tpu.memory_space<vmem>>) target(%dma_start3A_661 : memref<64x512xf32, #tpu.memory_space<hbm>>) target_semaphore(%arg12 : memref<!tpu.dma_semaphore, #tpu.memory_space<semaphore_mem>>)
    } else {
    }
    %add3A_536 = arith.constant 48 : i32
    %add3A_537 = arith.addi %shift_right_arithmetic3A_2, %add3A_536 : i32
    %mul3A_538 = arith.constant 64 : i32
    %mul3A_539 = arith.muli %add3A_537, %mul3A_538 : i32
    %lt3A_540 = arith.cmpi slt, %mul3A_539, %scan3A_17 : i32
    %not3A_541 = arith.constant true
    %not3A_542 = arith.xori %lt3A_540, %not3A_541 : i1
    %convert_element_type3A_543 = arith.extui %not3A_542 : i1 to i32
    %cond3A_544 = arith.constant 0 : i32
    %cond3A_545 = arith.cmpi ne, %convert_element_type3A_543, %cond3A_544 : i32
    scf.if %cond3A_545 {
      %dma_start3A_653 = arith.constant 0 : i32
      %dma_start3A_654 = tpu.memref_slice %arg4[%mul3A_527, %dma_start3A_653] : memref<32768x512xf32, #tpu.memory_space<hbm>> -> memref<32x512xf32, #tpu.memory_space<hbm>>
      %dma_start3A_655 = arith.constant 0 : i32
      %dma_start3A_656 = tpu.memref_slice %arg4[%mul3A_527, %dma_start3A_655] : memref<32768x512xf32, #tpu.memory_space<hbm>> -> memref<32x512xf32, #tpu.memory_space<hbm>>
      tpu.enqueue_dma source(%arg8 : memref<32x512xf32, #tpu.memory_space<vmem>>) target(%dma_start3A_656 : memref<32x512xf32, #tpu.memory_space<hbm>>) target_semaphore(%arg12 : memref<!tpu.dma_semaphore, #tpu.memory_space<semaphore_mem>>)
      %add3A_657 = arith.constant 32 : i32
      %add3A_658 = arith.addi %mul3A_527, %add3A_657 : i32
      %dma_start3A_659 = arith.constant 0 : i32
      %dma_start3A_660 = tpu.memref_slice %arg4[%add3A_658, %dma_start3A_659] : memref<32768x512xf32, #tpu.memory_space<hbm>> -> memref<32x512xf32, #tpu.memory_space<hbm>>
      %dma_start3A_661 = arith.constant 0 : i32
      %dma_start3A_662 = tpu.memref_slice %arg4[%add3A_658, %dma_start3A_661] : memref<32768x512xf32, #tpu.memory_space<hbm>> -> memref<32x512xf32, #tpu.memory_space<hbm>>
      tpu.enqueue_dma source(%arg8 : memref<32x512xf32, #tpu.memory_space<vmem>>) target(%dma_start3A_662 : memref<32x512xf32, #tpu.memory_space<hbm>>) target_semaphore(%arg12 : memref<!tpu.dma_semaphore, #tpu.memory_space<semaphore_mem>>)
    } else {
    }
    %dma_wait3A_546 = arith.constant 0 : i32
    %dma_wait3A_547 = arith.constant 0 : i32
    %dma_wait3A_548 = tpu.memref_slice %arg2[%dma_wait3A_546, %dma_wait3A_547] : memref<4160x512xf32, #tpu.memory_space<hbm>> -> memref<64x512xf32, #tpu.memory_space<hbm>>
    %dma_wait3A_549 = arith.constant 0 : i32
    %dma_wait3A_550 = arith.constant 0 : i32
    %dma_wait3A_551 = tpu.memref_slice %arg2[%dma_wait3A_549, %dma_wait3A_550] : memref<4160x512xf32, #tpu.memory_space<hbm>> -> memref<64x512xf32, #tpu.memory_space<hbm>>
    tpu.wait_dma2 semaphore(%arg12 : memref<!tpu.dma_semaphore, #tpu.memory_space<semaphore_mem>>) src(%dma_wait3A_551 : memref<64x512xf32, #tpu.memory_space<hbm>>) dst(%arg9 : memref<64x512xf32, #tpu.memory_space<vmem>>)
    %add3A_552 = arith.constant 60 : i32
    %add3A_553 = arith.addi %shift_right_arithmetic3A_2, %add3A_552 : i32
    %mul3A_554 = arith.constant 64 : i32
    %mul3A_555 = arith.muli %add3A_553, %mul3A_554 : i32
    %lt3A_556 = arith.cmpi slt, %mul3A_555, %scan3A_17 : i32
    %convert_element_type3A_557 = arith.extui %lt3A_556 : i1 to i32
    %cond3A_558 = arith.constant 0 : i32
    %cond3A_559 = arith.cmpi ne, %convert_element_type3A_557, %cond3A_558 : i32
    scf.if %cond3A_559 {
      %dma_start3A_653 = arith.constant 960 : i32
      %dma_start3A_654 = tpu.memref_slice %arg7[%dma_start3A_653] : memref<1024xi32, #tpu.memory_space<vmem>> -> memref<64xi32, #tpu.memory_space<vmem>>
      %dma_start3A_655 = arith.constant 0 : i32
      %dma_start3A_656 = arith.constant 0 : i32
      %dma_start3A_657 = tpu.memref_slice %arg2[%dma_start3A_655, %dma_start3A_656] : memref<4160x512xf32, #tpu.memory_space<hbm>> -> memref<4160x512xf32, #tpu.memory_space<hbm>>
      tpu.enqueue_indirect_dma source(%dma_start3A_657 : memref<4160x512xf32, #tpu.memory_space<hbm>>) target(%arg9 : memref<64x512xf32, #tpu.memory_space<vmem>>) offsets(%dma_start3A_654 : memref<64xi32, #tpu.memory_space<vmem>>) semaphore(%arg14 : memref<!tpu.dma_semaphore, #tpu.memory_space<semaphore_mem>>)
    } else {
    }
    %mul3A_560 = arith.constant 64 : i32
    %mul3A_561 = arith.muli %and3A_1, %mul3A_560 : i32
    %add3A_562 = arith.addi %mul3A_561, %shift_right_arithmetic3A_2 : i32
    %add3A_563 = arith.constant 52 : i32
    %add3A_564 = arith.addi %add3A_562, %add3A_563 : i32
    %mul3A_565 = arith.constant 64 : i32
    %mul3A_566 = arith.muli %add3A_564, %mul3A_565 : i32
    %add3A_567 = arith.constant 52 : i32
    %add3A_568 = arith.addi %shift_right_arithmetic3A_2, %add3A_567 : i32
    %mul3A_569 = arith.constant 64 : i32
    %mul3A_570 = arith.muli %add3A_568, %mul3A_569 : i32
    %lt3A_571 = arith.cmpi slt, %mul3A_570, %scan3A_17 : i32
    %convert_element_type3A_572 = arith.extui %lt3A_571 : i1 to i32
    %cond3A_573 = arith.constant 0 : i32
    %cond3A_574 = arith.cmpi ne, %convert_element_type3A_572, %cond3A_573 : i32
    scf.if %cond3A_574 {
      %dma_wait3A_653 = arith.constant 832 : i32
      %dma_wait3A_654 = tpu.memref_slice %arg7[%dma_wait3A_653] : memref<1024xi32, #tpu.memory_space<vmem>> -> memref<64xi32, #tpu.memory_space<vmem>>
      %dma_wait3A_655 = arith.constant 0 : i32
      %dma_wait3A_656 = arith.constant 0 : i32
      %dma_wait3A_657 = tpu.memref_slice %arg2[%dma_wait3A_655, %dma_wait3A_656] : memref<4160x512xf32, #tpu.memory_space<hbm>> -> memref<4160x512xf32, #tpu.memory_space<hbm>>
      tpu.wait_indirect_dma semaphore(%arg15 : memref<!tpu.dma_semaphore, #tpu.memory_space<semaphore_mem>>) src(%dma_wait3A_657 : memref<4160x512xf32, #tpu.memory_space<hbm>>) dst(%arg10 : memref<64x512xf32, #tpu.memory_space<vmem>>)
      %dma_start3A_658 = arith.constant 0 : i32
      %dma_start3A_659 = tpu.memref_slice %arg4[%mul3A_566, %dma_start3A_658] : memref<32768x512xf32, #tpu.memory_space<hbm>> -> memref<64x512xf32, #tpu.memory_space<hbm>>
      %dma_start3A_660 = arith.constant 0 : i32
      %dma_start3A_661 = tpu.memref_slice %arg4[%mul3A_566, %dma_start3A_660] : memref<32768x512xf32, #tpu.memory_space<hbm>> -> memref<64x512xf32, #tpu.memory_space<hbm>>
      tpu.enqueue_dma source(%arg10 : memref<64x512xf32, #tpu.memory_space<vmem>>) target(%dma_start3A_661 : memref<64x512xf32, #tpu.memory_space<hbm>>) target_semaphore(%arg12 : memref<!tpu.dma_semaphore, #tpu.memory_space<semaphore_mem>>)
    } else {
    }
    %add3A_575 = arith.constant 52 : i32
    %add3A_576 = arith.addi %shift_right_arithmetic3A_2, %add3A_575 : i32
    %mul3A_577 = arith.constant 64 : i32
    %mul3A_578 = arith.muli %add3A_576, %mul3A_577 : i32
    %lt3A_579 = arith.cmpi slt, %mul3A_578, %scan3A_17 : i32
    %not3A_580 = arith.constant true
    %not3A_581 = arith.xori %lt3A_579, %not3A_580 : i1
    %convert_element_type3A_582 = arith.extui %not3A_581 : i1 to i32
    %cond3A_583 = arith.constant 0 : i32
    %cond3A_584 = arith.cmpi ne, %convert_element_type3A_582, %cond3A_583 : i32
    scf.if %cond3A_584 {
      %dma_start3A_653 = arith.constant 0 : i32
      %dma_start3A_654 = tpu.memref_slice %arg4[%mul3A_566, %dma_start3A_653] : memref<32768x512xf32, #tpu.memory_space<hbm>> -> memref<32x512xf32, #tpu.memory_space<hbm>>
      %dma_start3A_655 = arith.constant 0 : i32
      %dma_start3A_656 = tpu.memref_slice %arg4[%mul3A_566, %dma_start3A_655] : memref<32768x512xf32, #tpu.memory_space<hbm>> -> memref<32x512xf32, #tpu.memory_space<hbm>>
      tpu.enqueue_dma source(%arg8 : memref<32x512xf32, #tpu.memory_space<vmem>>) target(%dma_start3A_656 : memref<32x512xf32, #tpu.memory_space<hbm>>) target_semaphore(%arg12 : memref<!tpu.dma_semaphore, #tpu.memory_space<semaphore_mem>>)
      %add3A_657 = arith.constant 32 : i32
      %add3A_658 = arith.addi %mul3A_566, %add3A_657 : i32
      %dma_start3A_659 = arith.constant 0 : i32
      %dma_start3A_660 = tpu.memref_slice %arg4[%add3A_658, %dma_start3A_659] : memref<32768x512xf32, #tpu.memory_space<hbm>> -> memref<32x512xf32, #tpu.memory_space<hbm>>
      %dma_start3A_661 = arith.constant 0 : i32
      %dma_start3A_662 = tpu.memref_slice %arg4[%add3A_658, %dma_start3A_661] : memref<32768x512xf32, #tpu.memory_space<hbm>> -> memref<32x512xf32, #tpu.memory_space<hbm>>
      tpu.enqueue_dma source(%arg8 : memref<32x512xf32, #tpu.memory_space<vmem>>) target(%dma_start3A_662 : memref<32x512xf32, #tpu.memory_space<hbm>>) target_semaphore(%arg12 : memref<!tpu.dma_semaphore, #tpu.memory_space<semaphore_mem>>)
    } else {
    }
    %dma_wait3A_585 = arith.constant 0 : i32
    %dma_wait3A_586 = arith.constant 0 : i32
    %dma_wait3A_587 = tpu.memref_slice %arg2[%dma_wait3A_585, %dma_wait3A_586] : memref<4160x512xf32, #tpu.memory_space<hbm>> -> memref<64x512xf32, #tpu.memory_space<hbm>>
    %dma_wait3A_588 = arith.constant 0 : i32
    %dma_wait3A_589 = arith.constant 0 : i32
    %dma_wait3A_590 = tpu.memref_slice %arg2[%dma_wait3A_588, %dma_wait3A_589] : memref<4160x512xf32, #tpu.memory_space<hbm>> -> memref<64x512xf32, #tpu.memory_space<hbm>>
    tpu.wait_dma2 semaphore(%arg12 : memref<!tpu.dma_semaphore, #tpu.memory_space<semaphore_mem>>) src(%dma_wait3A_590 : memref<64x512xf32, #tpu.memory_space<hbm>>) dst(%arg9 : memref<64x512xf32, #tpu.memory_space<vmem>>)
    %mul3A_591 = arith.constant 64 : i32
    %mul3A_592 = arith.muli %and3A_1, %mul3A_591 : i32
    %add3A_593 = arith.addi %mul3A_592, %shift_right_arithmetic3A_2 : i32
    %add3A_594 = arith.constant 56 : i32
    %add3A_595 = arith.addi %add3A_593, %add3A_594 : i32
    %mul3A_596 = arith.constant 64 : i32
    %mul3A_597 = arith.muli %add3A_595, %mul3A_596 : i32
    %add3A_598 = arith.constant 56 : i32
    %add3A_599 = arith.addi %shift_right_arithmetic3A_2, %add3A_598 : i32
    %mul3A_600 = arith.constant 64 : i32
    %mul3A_601 = arith.muli %add3A_599, %mul3A_600 : i32
    %lt3A_602 = arith.cmpi slt, %mul3A_601, %scan3A_17 : i32
    %convert_element_type3A_603 = arith.extui %lt3A_602 : i1 to i32
    %cond3A_604 = arith.constant 0 : i32
    %cond3A_605 = arith.cmpi ne, %convert_element_type3A_603, %cond3A_604 : i32
    scf.if %cond3A_605 {
      %dma_wait3A_653 = arith.constant 896 : i32
      %dma_wait3A_654 = tpu.memref_slice %arg7[%dma_wait3A_653] : memref<1024xi32, #tpu.memory_space<vmem>> -> memref<64xi32, #tpu.memory_space<vmem>>
      %dma_wait3A_655 = arith.constant 0 : i32
      %dma_wait3A_656 = arith.constant 0 : i32
      %dma_wait3A_657 = tpu.memref_slice %arg2[%dma_wait3A_655, %dma_wait3A_656] : memref<4160x512xf32, #tpu.memory_space<hbm>> -> memref<4160x512xf32, #tpu.memory_space<hbm>>
      tpu.wait_indirect_dma semaphore(%arg16 : memref<!tpu.dma_semaphore, #tpu.memory_space<semaphore_mem>>) src(%dma_wait3A_657 : memref<4160x512xf32, #tpu.memory_space<hbm>>) dst(%arg11 : memref<64x512xf32, #tpu.memory_space<vmem>>)
      %dma_start3A_658 = arith.constant 0 : i32
      %dma_start3A_659 = tpu.memref_slice %arg4[%mul3A_597, %dma_start3A_658] : memref<32768x512xf32, #tpu.memory_space<hbm>> -> memref<64x512xf32, #tpu.memory_space<hbm>>
      %dma_start3A_660 = arith.constant 0 : i32
      %dma_start3A_661 = tpu.memref_slice %arg4[%mul3A_597, %dma_start3A_660] : memref<32768x512xf32, #tpu.memory_space<hbm>> -> memref<64x512xf32, #tpu.memory_space<hbm>>
      tpu.enqueue_dma source(%arg11 : memref<64x512xf32, #tpu.memory_space<vmem>>) target(%dma_start3A_661 : memref<64x512xf32, #tpu.memory_space<hbm>>) target_semaphore(%arg12 : memref<!tpu.dma_semaphore, #tpu.memory_space<semaphore_mem>>)
    } else {
    }
    %add3A_606 = arith.constant 56 : i32
    %add3A_607 = arith.addi %shift_right_arithmetic3A_2, %add3A_606 : i32
    %mul3A_608 = arith.constant 64 : i32
    %mul3A_609 = arith.muli %add3A_607, %mul3A_608 : i32
    %lt3A_610 = arith.cmpi slt, %mul3A_609, %scan3A_17 : i32
    %not3A_611 = arith.constant true
    %not3A_612 = arith.xori %lt3A_610, %not3A_611 : i1
    %convert_element_type3A_613 = arith.extui %not3A_612 : i1 to i32
    %cond3A_614 = arith.constant 0 : i32
    %cond3A_615 = arith.cmpi ne, %convert_element_type3A_613, %cond3A_614 : i32
    scf.if %cond3A_615 {
      %dma_start3A_653 = arith.constant 0 : i32
      %dma_start3A_654 = tpu.memref_slice %arg4[%mul3A_597, %dma_start3A_653] : memref<32768x512xf32, #tpu.memory_space<hbm>> -> memref<32x512xf32, #tpu.memory_space<hbm>>
      %dma_start3A_655 = arith.constant 0 : i32
      %dma_start3A_656 = tpu.memref_slice %arg4[%mul3A_597, %dma_start3A_655] : memref<32768x512xf32, #tpu.memory_space<hbm>> -> memref<32x512xf32, #tpu.memory_space<hbm>>
      tpu.enqueue_dma source(%arg8 : memref<32x512xf32, #tpu.memory_space<vmem>>) target(%dma_start3A_656 : memref<32x512xf32, #tpu.memory_space<hbm>>) target_semaphore(%arg12 : memref<!tpu.dma_semaphore, #tpu.memory_space<semaphore_mem>>)
      %add3A_657 = arith.constant 32 : i32
      %add3A_658 = arith.addi %mul3A_597, %add3A_657 : i32
      %dma_start3A_659 = arith.constant 0 : i32
      %dma_start3A_660 = tpu.memref_slice %arg4[%add3A_658, %dma_start3A_659] : memref<32768x512xf32, #tpu.memory_space<hbm>> -> memref<32x512xf32, #tpu.memory_space<hbm>>
      %dma_start3A_661 = arith.constant 0 : i32
      %dma_start3A_662 = tpu.memref_slice %arg4[%add3A_658, %dma_start3A_661] : memref<32768x512xf32, #tpu.memory_space<hbm>> -> memref<32x512xf32, #tpu.memory_space<hbm>>
      tpu.enqueue_dma source(%arg8 : memref<32x512xf32, #tpu.memory_space<vmem>>) target(%dma_start3A_662 : memref<32x512xf32, #tpu.memory_space<hbm>>) target_semaphore(%arg12 : memref<!tpu.dma_semaphore, #tpu.memory_space<semaphore_mem>>)
    } else {
    }
    %dma_wait3A_616 = arith.constant 0 : i32
    %dma_wait3A_617 = arith.constant 0 : i32
    %dma_wait3A_618 = tpu.memref_slice %arg2[%dma_wait3A_616, %dma_wait3A_617] : memref<4160x512xf32, #tpu.memory_space<hbm>> -> memref<64x512xf32, #tpu.memory_space<hbm>>
    %dma_wait3A_619 = arith.constant 0 : i32
    %dma_wait3A_620 = arith.constant 0 : i32
    %dma_wait3A_621 = tpu.memref_slice %arg2[%dma_wait3A_619, %dma_wait3A_620] : memref<4160x512xf32, #tpu.memory_space<hbm>> -> memref<64x512xf32, #tpu.memory_space<hbm>>
    tpu.wait_dma2 semaphore(%arg12 : memref<!tpu.dma_semaphore, #tpu.memory_space<semaphore_mem>>) src(%dma_wait3A_621 : memref<64x512xf32, #tpu.memory_space<hbm>>) dst(%arg9 : memref<64x512xf32, #tpu.memory_space<vmem>>)
    %mul3A_622 = arith.constant 64 : i32
    %mul3A_623 = arith.muli %and3A_1, %mul3A_622 : i32
    %add3A_624 = arith.addi %mul3A_623, %shift_right_arithmetic3A_2 : i32
    %add3A_625 = arith.constant 60 : i32
    %add3A_626 = arith.addi %add3A_624, %add3A_625 : i32
    %mul3A_627 = arith.constant 64 : i32
    %mul3A_628 = arith.muli %add3A_626, %mul3A_627 : i32
    %add3A_629 = arith.constant 60 : i32
    %add3A_630 = arith.addi %shift_right_arithmetic3A_2, %add3A_629 : i32
    %mul3A_631 = arith.constant 64 : i32
    %mul3A_632 = arith.muli %add3A_630, %mul3A_631 : i32
    %lt3A_633 = arith.cmpi slt, %mul3A_632, %scan3A_17 : i32
    %convert_element_type3A_634 = arith.extui %lt3A_633 : i1 to i32
    %cond3A_635 = arith.constant 0 : i32
    %cond3A_636 = arith.cmpi ne, %convert_element_type3A_634, %cond3A_635 : i32
    scf.if %cond3A_636 {
      %dma_wait3A_653 = arith.constant 960 : i32
      %dma_wait3A_654 = tpu.memref_slice %arg7[%dma_wait3A_653] : memref<1024xi32, #tpu.memory_space<vmem>> -> memref<64xi32, #tpu.memory_space<vmem>>
      %dma_wait3A_655 = arith.constant 0 : i32
      %dma_wait3A_656 = arith.constant 0 : i32
      %dma_wait3A_657 = tpu.memref_slice %arg2[%dma_wait3A_655, %dma_wait3A_656] : memref<4160x512xf32, #tpu.memory_space<hbm>> -> memref<4160x512xf32, #tpu.memory_space<hbm>>
      tpu.wait_indirect_dma semaphore(%arg14 : memref<!tpu.dma_semaphore, #tpu.memory_space<semaphore_mem>>) src(%dma_wait3A_657 : memref<4160x512xf32, #tpu.memory_space<hbm>>) dst(%arg9 : memref<64x512xf32, #tpu.memory_space<vmem>>)
      %dma_start3A_658 = arith.constant 0 : i32
      %dma_start3A_659 = tpu.memref_slice %arg4[%mul3A_628, %dma_start3A_658] : memref<32768x512xf32, #tpu.memory_space<hbm>> -> memref<64x512xf32, #tpu.memory_space<hbm>>
      %dma_start3A_660 = arith.constant 0 : i32
      %dma_start3A_661 = tpu.memref_slice %arg4[%mul3A_628, %dma_start3A_660] : memref<32768x512xf32, #tpu.memory_space<hbm>> -> memref<64x512xf32, #tpu.memory_space<hbm>>
      tpu.enqueue_dma source(%arg9 : memref<64x512xf32, #tpu.memory_space<vmem>>) target(%dma_start3A_661 : memref<64x512xf32, #tpu.memory_space<hbm>>) target_semaphore(%arg12 : memref<!tpu.dma_semaphore, #tpu.memory_space<semaphore_mem>>)
    } else {
    }
    %add3A_637 = arith.constant 60 : i32
    %add3A_638 = arith.addi %shift_right_arithmetic3A_2, %add3A_637 : i32
    %mul3A_639 = arith.constant 64 : i32
    %mul3A_640 = arith.muli %add3A_638, %mul3A_639 : i32
    %lt3A_641 = arith.cmpi slt, %mul3A_640, %scan3A_17 : i32
    %not3A_642 = arith.constant true
    %not3A_643 = arith.xori %lt3A_641, %not3A_642 : i1
    %convert_element_type3A_644 = arith.extui %not3A_643 : i1 to i32
    %cond3A_645 = arith.constant 0 : i32
    %cond3A_646 = arith.cmpi ne, %convert_element_type3A_644, %cond3A_645 : i32
    scf.if %cond3A_646 {
      %dma_start3A_653 = arith.constant 0 : i32
      %dma_start3A_654 = tpu.memref_slice %arg4[%mul3A_628, %dma_start3A_653] : memref<32768x512xf32, #tpu.memory_space<hbm>> -> memref<32x512xf32, #tpu.memory_space<hbm>>
      %dma_start3A_655 = arith.constant 0 : i32
      %dma_start3A_656 = tpu.memref_slice %arg4[%mul3A_628, %dma_start3A_655] : memref<32768x512xf32, #tpu.memory_space<hbm>> -> memref<32x512xf32, #tpu.memory_space<hbm>>
      tpu.enqueue_dma source(%arg8 : memref<32x512xf32, #tpu.memory_space<vmem>>) target(%dma_start3A_656 : memref<32x512xf32, #tpu.memory_space<hbm>>) target_semaphore(%arg12 : memref<!tpu.dma_semaphore, #tpu.memory_space<semaphore_mem>>)
      %add3A_657 = arith.constant 32 : i32
      %add3A_658 = arith.addi %mul3A_628, %add3A_657 : i32
      %dma_start3A_659 = arith.constant 0 : i32
      %dma_start3A_660 = tpu.memref_slice %arg4[%add3A_658, %dma_start3A_659] : memref<32768x512xf32, #tpu.memory_space<hbm>> -> memref<32x512xf32, #tpu.memory_space<hbm>>
      %dma_start3A_661 = arith.constant 0 : i32
      %dma_start3A_662 = tpu.memref_slice %arg4[%add3A_658, %dma_start3A_661] : memref<32768x512xf32, #tpu.memory_space<hbm>> -> memref<32x512xf32, #tpu.memory_space<hbm>>
      tpu.enqueue_dma source(%arg8 : memref<32x512xf32, #tpu.memory_space<vmem>>) target(%dma_start3A_662 : memref<32x512xf32, #tpu.memory_space<hbm>>) target_semaphore(%arg12 : memref<!tpu.dma_semaphore, #tpu.memory_space<semaphore_mem>>)
    } else {
    }
    %dma_wait3A_647 = arith.constant 0 : i32
    %dma_wait3A_648 = arith.constant 0 : i32
    %dma_wait3A_649 = tpu.memref_slice %arg2[%dma_wait3A_647, %dma_wait3A_648] : memref<4160x512xf32, #tpu.memory_space<hbm>> -> memref<64x512xf32, #tpu.memory_space<hbm>>
    %dma_wait3A_650 = arith.constant 0 : i32
    %dma_wait3A_651 = arith.constant 0 : i32
    %dma_wait3A_652 = tpu.memref_slice %arg2[%dma_wait3A_650, %dma_wait3A_651] : memref<4160x512xf32, #tpu.memory_space<hbm>> -> memref<64x512xf32, #tpu.memory_space<hbm>>
    tpu.wait_dma2 semaphore(%arg12 : memref<!tpu.dma_semaphore, #tpu.memory_space<semaphore_mem>>) src(%dma_wait3A_652 : memref<64x512xf32, #tpu.memory_space<hbm>>) dst(%arg9 : memref<64x512xf32, #tpu.memory_space<vmem>>)
    return
  }
}

module attributes {stable_mosaic.version = 14 : i64} {
  func.func @_dp_body(%arg0: i32, %arg1: memref<1x512x512xf32, #tpu.memory_space<vmem>>, %arg2: memref<512x512xf32, #tpu.memory_space<vmem>>, %arg3: memref<1x512xf32, #tpu.memory_space<vmem>>, %arg4: memref<1x512xf32, #tpu.memory_space<vmem>>, %arg5: memref<1x1xf32, #tpu.memory_space<vmem>>, %arg6: memref<512x8xf32, #tpu.memory_space<vmem>>) attributes {dimension_semantics = [#tpu.dimension_semantics<arbitrary>], iteration_bounds = array<i64: 8>, scalar_prefetch = 0 : i64, scratch_operands = 0 : i64, tpu.core_type = #tpu.core_type<tc>, window_params = [{transform_indices = @transform_0, window_bounds = array<i64: 1, 512, 512>}, {pipeline_mode = #tpu.pipeline_mode<synchronous>, transform_indices = @transform_1, window_bounds = array<i64: 512, 512>}, {pipeline_mode = #tpu.pipeline_mode<synchronous>, transform_indices = @transform_2, window_bounds = array<i64: 1, 512>}, {pipeline_mode = #tpu.pipeline_mode<synchronous>, transform_indices = @transform_3, window_bounds = array<i64: 1, 512>}, {pipeline_mode = #tpu.pipeline_mode<synchronous>, transform_indices = @transform_4, window_bounds = array<i64: 1, 1>}, {transform_indices = @transform_5, window_bounds = array<i64: 512, 8>}]} {
    %get3A = arith.constant 0 : index
    %get3A_0 = arith.constant 0 : index
    %get3A_1 = arith.constant 0 : index
    %get3A_2 = vector.load %arg1[%get3A, %get3A_0, %get3A_1] : memref<1x512x512xf32, #tpu.memory_space<vmem>>, vector<1x512x512xf32>
    %get3A_3 = vector.shape_cast %get3A_2 : vector<1x512x512xf32> to vector<512x512xf32>
    %get3A_4 = arith.constant 0 : index
    %get3A_5 = arith.constant 0 : index
    %get3A_6 = vector.load %arg2[%get3A_4, %get3A_5] : memref<512x512xf32, #tpu.memory_space<vmem>>, vector<512x512xf32>
    %dot_general3A = arith.constant dense<0.000000e+00> : vector<512x512xf32>
    %dot_general3A_7 = tpu.matmul %get3A_3, %get3A_6, %dot_general3A {dimension_numbers = #tpu.dot_dimension_numbers<[1], [0], [0], [1], [0, 0, 1, 1], [], []>, transpose_lhs_hint = false} : vector<512x512xf32>, vector<512x512xf32>, vector<512x512xf32> -> vector<512x512xf32>
    %get3A_8 = arith.constant 0 : index
    %get3A_9 = arith.constant 0 : index
    %get3A_10 = vector.load %arg3[%get3A_8, %get3A_9] : memref<1x512xf32, #tpu.memory_space<vmem>>, vector<1x512xf32>
    %add3A = vector.broadcast %get3A_10 : vector<1x512xf32> to vector<512x512xf32>
    %add3A_11 = arith.addf %dot_general3A_7, %add3A : vector<512x512xf32>
    %max3A = arith.constant 0.000000e+00 : f32
    %max3A_12 = vector.broadcast %max3A : f32 to vector<512x512xf32>
    %max3A_13 = arith.maximumf %add3A_11, %max3A_12 : vector<512x512xf32>
    %get3A_14 = arith.constant 0 : index
    %get3A_15 = arith.constant 0 : index
    %get3A_16 = vector.load %arg4[%get3A_14, %get3A_15] : memref<1x512xf32, #tpu.memory_space<vmem>>, vector<1x512xf32>
    %mul3A = vector.broadcast %get3A_16 : vector<1x512xf32> to vector<512x512xf32>
    %mul3A_17 = arith.mulf %max3A_13, %mul3A : vector<512x512xf32>
    %reduce_sum3A = arith.constant dense<0.000000e+00> : vector<512xf32>
    %reduce_sum3A_18 = vector.multi_reduction <add>, %mul3A_17, %reduce_sum3A [1] : vector<512x512xf32> to vector<512xf32>
    %broadcast_in_dim3A = vector.shape_cast %reduce_sum3A_18 : vector<512xf32> to vector<512x1xf32>
    %get3A_19 = arith.constant 0 : index
    %get3A_20 = arith.constant 0 : index
    %get3A_21 = vector.load %arg5[%get3A_19, %get3A_20] : memref<1x1xf32, #tpu.memory_space<vmem>>, vector<1x1xf32>
    %get3A_22 = vector.extract %get3A_21[0, 0] : f32 from vector<1x1xf32>
    %add3A_23 = vector.broadcast %get3A_22 : f32 to vector<512x1xf32>
    %add3A_24 = arith.addf %broadcast_in_dim3A, %add3A_23 : vector<512x1xf32>
    %max3A_25 = arith.constant 0.000000e+00 : f32
    %max3A_26 = vector.broadcast %max3A_25 : f32 to vector<512x1xf32>
    %max3A_27 = arith.maximumf %add3A_24, %max3A_26 : vector<512x1xf32>
    %broadcast_in_dim3A_28 = vector.shape_cast %max3A_27 : vector<512x1xf32> to vector<512x1xf32>
    %broadcast_in_dim3A_29 = vector.broadcast %broadcast_in_dim3A_28 : vector<512x1xf32> to vector<512x8xf32>
    %swap3A = arith.constant 0 : index
    %swap3A_30 = arith.constant 0 : index
    %swap3A_31 = vector.load %arg6[%swap3A, %swap3A_30] : memref<512x8xf32, #tpu.memory_space<vmem>>, vector<512x8xf32>
    tpu.vector_store %arg6[%swap3A, %swap3A_30], %broadcast_in_dim3A_29 {strides = array<i32>} : memref<512x8xf32, #tpu.memory_space<vmem>>, vector<512x8xf32>,
    return
  }
  func.func @transform_0(%arg0: i32) -> (i32, i32, i32) {
    %c0_i32 = arith.constant 0 : i32
    %c0_i32_0 = arith.constant 0 : i32
    %c0_i32_1 = arith.constant 0 : i32
    return %arg0, %c0_i32, %c0_i32_0 : i32, i32, i32
  }
  func.func @transform_1(%arg0: i32) -> (i32, i32) {
    %c0_i32 = arith.constant 0 : i32
    %c0_i32_0 = arith.constant 0 : i32
    %c0_i32_1 = arith.constant 0 : i32
    return %c0_i32, %c0_i32_0 : i32, i32
  }
  func.func @transform_2(%arg0: i32) -> (i32, i32) {
    %c0_i32 = arith.constant 0 : i32
    %c0_i32_0 = arith.constant 0 : i32
    %c0_i32_1 = arith.constant 0 : i32
    return %c0_i32, %c0_i32_0 : i32, i32
  }
  func.func @transform_3(%arg0: i32) -> (i32, i32) {
    %c0_i32 = arith.constant 0 : i32
    %c0_i32_0 = arith.constant 0 : i32
    %c0_i32_1 = arith.constant 0 : i32
    return %c0_i32, %c0_i32_0 : i32, i32
  }
  func.func @transform_4(%arg0: i32) -> (i32, i32) {
    %c0_i32 = arith.constant 0 : i32
    %c0_i32_0 = arith.constant 0 : i32
    %c0_i32_1 = arith.constant 0 : i32
    return %c0_i32, %c0_i32_0 : i32, i32
  }
  func.func @transform_5(%arg0: i32) -> (i32, i32) {
    %c0_i32 = arith.constant 0 : i32
    %c0_i32_0 = arith.constant 0 : i32
    return %arg0, %c0_i32 : i32, i32
  }
}

</mosaic_0001>

<sc_bundles>
// kernel: kernel.4.cloned.1.call-start
scs
__scs_entry_jumppad:
0x0: {  	(pc) =	sbr.rel $0x88, $3  }
0x1: {  	(tag) =	ssettag $0x0;
	lr =	simm.s32 $0x1  }
0x2: {  	[smem:$0x3F9B] =	sst lr;
	_ =	strace $0xD0000000  }
0x3: {  	_ = 	snop  }
0x4: {  	_ = 	snop  }
0x5: {  	_ = 	snop  }
0x6: {  	_ = 	snop  }
0x7: {  	_ = 	snop  }
__scs_overlays_trampoline_lowered:
0x8: {  	[smem:$0x3FAA] =	sst s0  }
0x9: {  	[smem:$0x3FAB] =	sst s1  }
0xa: {  	[smem:$0x3FAC] =	sst s2  }
0xb: {  	[smem:$0x3FAD] =	sst s3  }
0xc: {  	[smem:$0x3FAE] =	sst s4  }
0xd: {  	[smem:$0x3FAF] =	sst s5  }
0xe: {  	[smem:$0x3FB0] =	sst s6  }
0xf: {  	[smem:$0x3FB1] =	sst s7  }
0x10: {  	[smem:$0x3FB2] =	sst s8  }
0x11: {  	[smem:$0x3FB3] =	sst s9;
	s0 =	simm.s32 @!p0 $0x0  }
0x12: {  	s1 =	sld [smem:$0x3F99];
	s0 =	simm.s32 @p0 $0x1  }
0x13: {  	[smem:$0x3FB4] =	sst s0;
	s0 =	simm.s32 @!p1 $0x0  }
0x14: {  	s2 =	sld [smem:$0x3F98];
	s0 =	simm.s32 @p1 $0x1  }
0x15: {  	[smem:$0x3FB5] =	sst s0;
	s0 =	simm.s32 @!p2 $0x0  }
0x16: {  	s3 =	sld [smem:$0x3FDB];
	s0 =	simm.s32 @p2 $0x1  }
0x17: {  	s4 =	simm.s32 $0x1BF5;
	[smem:$0x3FB7] =	sst s0  }
0x18: {  	s0 =	sld [smem:$0x3F9A];
	_ =	swait.ge [sflag:s4], $0x0  }
0x19: {  	s7 =	sld [smem:$0x3F9B]  }
0x1a: {  	s8 =	sadd.s32 $0xFFFFE003, lr  }
0x1b: {  	s9 =	sadd.s32 $0xFFFFFEF7, lr;
	s5 =	simm.s32 $0xFFFFFFFF;
	p2 =	slt.u32 s8, $0xFFFFF086  }
0x1c: {  	p1 =	slt.u32 s9, $0xF7A;
	s5 =	simm.s32 @!p2 $0x0  }
0x1d: {  	s5 =	simm.s32 @p1 $0x1;
	p0 =	seq.s32 s7, s2  }
0x1e: {  	s7 =	smul.u32 @!p0 $0xF7A, s2;
	p2 =	seq.s32 @!p0 s5, $0x0  }
0x1f: {  	s9 =	smul.u32 $0xF7A, s1;
	s8 =	simm.s32 @!p0 $0x1BF5;
	p2 =	por !p2, p0  }
0x20: {  	[sflag:s8] =	ssyncset.s32 @!p0 $0xFFFFF086;
	s6 =	sadd.s32 @!p0 s3, s7;
	s7 =	simm.s32 @!p0 $0x108  }
0x21: {  	s3 =	sadd.s32 s3, s9;
	s6 =	sadd.s32 @!p0 $0x88, s6;
	s7 =	simm.s32 @p2 $0x1082  }
0x22: {  	[simem:s7], [sflag:s8] =	dma.local @!p0 [hbm:s6], $0xF7A  }
0x23: {  	s9 =	sor.u32 $0xD0000000, s2;
	s6 =	simm.s32 $0x108;
	_ =	swait.ge @!p0 [sflag:s8], $0x0  }
0x24: {  	s3 =	sadd.s32 $0x88, s3;
	s6 =	simm.s32 @!p1 $0x1082;
	[sflag:s4] =	ssyncset.s32 $0xFFFFF086  }
0x25: {  	[simem:s6], [sflag:s4] =	dma.local [hbm:s3], $0xF7A  }
0x26: {  	[smem:$0x3F9B] =	sst s1;
	(tag) =	ssettag s2;
	_ =	strace s9  }
0x27: {  	s1 =	sld [smem:$0x3FAB]  }
0x28: {  	s2 =	sld [smem:$0x3FAC]  }
0x29: {  	s4 =	sld [smem:$0x3FAE]  }
0x2a: {  	p0 =	seq.s32 s5, $0x0;
	s5 =	sld [smem:$0x3FAF]  }
0x2b: {  	s6 =	sld [smem:$0x3FB0]  }
0x2c: {  	s7 =	sld [smem:$0x3FB1]  }
0x2d: {  	s3 =	simm.s32 $0x108;
	s8 =	sld [smem:$0x3FB2]  }
0x2e: {  	s3 =	simm.s32 @!p0 $0x1082;
	s9 =	sld [smem:$0x3FB3]  }
0x2f: {  	lr =	sadd.s32 s0, s3;
	s0 =	sld [smem:$0x3FAA]  }
0x30: {  	s3 =	sld [smem:$0x3FAD]  }
0x31: {  	[smem:$0x3FB6] =	sst s10  }
0x32: {  	s10 =	sld [smem:$0x3FB4];
	_ =	sdelay $0x3  }
0x33: {  	p0 =	seq.s32 s10, $0x1;
	s10 =	sld [smem:$0x3FB6];
	_ =	sdelay $0x3  }
0x34: {  	[smem:$0x3FB6] =	sst s10  }
0x35: {  	s10 =	sld [smem:$0x3FB5];
	_ =	sdelay $0x3  }
0x36: {  	p1 =	seq.s32 s10, $0x1;
	s10 =	sld [smem:$0x3FB6];
	_ =	sdelay $0x3  }
0x37: {  	[smem:$0x3FB6] =	sst s10  }
0x38: {  	s10 =	sld [smem:$0x3FB7]  }
0x39: {  	_ = 	snop;
	(pc) =	sbr.ind lr, $3  }
0x3a: {  	_ = 	snop  }
0x3b: {  	_ = 	snop  }
0x3c: {  	p2 =	seq.s32 s10, $0x1;
	s10 =	sld [smem:$0x3FB6]  }
0x3d: {  	_ =	shalt  }
0x3e: {  	_ =	shalt  }
0x3f: {  	_ =	shalt  }
0x40: {  	_ =	shalt  }
0x41: {  	_ =	shalt  }
0x42: {  	_ =	shalt  }
0x43: {  	_ =	shalt  }
0x44: {  	_ =	shalt  }
0x45: {  	_ =	shalt  }
0x46: {  	_ =	shalt  }
0x47: {  	_ =	shalt  }
0x48: {  	_ =	shalt  }
0x49: {  	_ =	shalt  }
0x4a: {  	_ =	shalt  }
0x4b: {  	_ =	shalt  }
0x4c: {  	_ =	shalt  }
0x4d: {  	_ =	shalt  }
0x4e: {  	_ =	shalt  }
0x4f: {  	_ =	shalt  }
0x50: {  	_ =	shalt  }
0x51: {  	_ =	shalt  }
0x52: {  	_ =	shalt  }
0x53: {  	_ =	shalt  }
0x54: {  	_ =	shalt  }
0x55: {  	_ =	shalt  }
0x56: {  	_ =	shalt  }
0x57: {  	_ =	shalt  }
0x58: {  	_ =	shalt  }
0x59: {  	_ =	shalt  }
0x5a: {  	_ =	shalt  }
0x5b: {  	_ =	shalt  }
0x5c: {  	_ =	shalt  }
0x5d: {  	_ =	shalt  }
0x5e: {  	_ =	shalt  }
0x5f: {  	_ =	shalt  }
0x60: {  	_ =	shalt  }
0x61: {  	_ =	shalt  }
0x62: {  	_ =	shalt  }
0x63: {  	_ =	shalt  }
0x64: {  	_ =	shalt  }
0x65: {  	_ =	shalt  }
0x66: {  	_ =	shalt  }
0x67: {  	_ =	shalt  }
0x68: {  	_ =	shalt  }
0x69: {  	_ =	shalt  }
0x6a: {  	_ =	shalt  }
0x6b: {  	_ =	shalt  }
0x6c: {  	_ =	shalt  }
0x6d: {  	_ =	shalt  }
0x6e: {  	_ =	shalt  }
0x6f: {  	_ =	shalt  }
0x70: {  	_ =	shalt  }
0x71: {  	_ =	shalt  }
0x72: {  	_ =	shalt  }
0x73: {  	_ =	shalt  }
0x74: {  	_ =	shalt  }
0x75: {  	_ =	shalt  }
0x76: {  	_ =	shalt  }
0x77: {  	_ =	shalt  }
0x78: {  	_ =	shalt  }
0x79: {  	_ =	shalt  }
0x7a: {  	_ =	shalt  }
0x7b: {  	_ =	shalt  }
0x7c: {  	_ =	shalt  }
0x7d: {  	_ =	shalt  }
0x7e: {  	_ =	shalt  }
0x7f: {  	_ =	shalt  }
0x80: {  	_ =	shalt  }
0x81: {  	_ =	shalt  }
0x82: {  	_ =	shalt  }
0x83: {  	_ =	shalt  }
0x84: {  	_ =	shalt  }
0x85: {  	_ =	shalt  }
0x86: {  	_ =	shalt  }
0x87: {  	_ =	shalt  }
.Lfunc_end0:
.L_simem_size_0:
called_computation_lowered:
.L_overlay_start_0:
0x88: {  	s2 =	sld [smem:$0x3FD9]  }
0x89: {  	s3 =	sld [smem:$0x3FFE];
	_ =	sdelay $0x1  }
0x8a: {  	s1 =	srdreg.scid  }
0x8b: {  	s0 =	sand.u32 $0x1, s1  }
0x8c: {  	s14 =	sshll.u32 s0, $0xA;
	s2 =	sadd.s32 s3, s2  }
0x8d: {  	s2 =	sadd.s32 s2, s14  }
0x8e: {  	[smem:$0x3FC2] =	sst s2  }
0x8f: {  	_ = 	snop  }
0x90: {  	s2 =	sld [smem:$0x3FD0];
	_ =	sdelay $0x2  }
0x91: {  	s4 =	simm.s32 $0xA;
	s5 =	simm.s32 $0x10;
	s15 =	sld [smem:$0x3FC8]  }
0x92: {  	[smem:s5], [sflag:s4] =	dma.local [hbm:s2], $0x1  }
0x93: {  	_ =	swait.eq [sflag:s4], $0x1  }
0x94: {  	[sflag:s4] =	ssyncset.done $0x0  }
0x95: {  	[sflag:s4] =	ssyncadd.s32 $0xFFFFFFFF  }
0x96: {  	s16 =	sld [smem:$0x10];
	(tm) =	ssettm $0x1  }
0x97: {  	s17 =	sld [smem:$0x3FFB];
	_ =	sdelay $0x3  }
0x98: {  	_ =	strace s17  }
0x99: {  	s4 =	sld [smem:$0x3FFC];
	_ =	sdelay $0x3  }
0x9a: {  	_ =	strace s4  }
0x9b: {  	s4 =	sld [smem:$0x3FFD];
	_ =	sdelay $0x3  }
0x9c: {  	_ =	strace s4  }
0x9d: {  	_ =	strace $0x8FFFFFFF  }
0x9e: {  	s18 =	sld [smem:$0x3FDB];
	_ =	sdelay $0x1  }
0x9f: {  	s19 =	simm.s32 $_scs_section_size  }
0xa0: {  	s6 =	simm.s32 $_size__tile_overlayer_lowered;
	s7 =	simm.s32 $_tile_overlayer_lowered  }
0xa1: {  	s22 =	simm.s32 $0x1BFF;
	s21 =	sshll.u32 s7, $0x1;
	s4 =	sadd.s32 s19, s18  }
0xa2: {  	s8 =	simm.s32 $0x0;
	s20 =	sshll.u32 s6, $0x1;
	s6 =	sadd.s32 s21, s4  }
0xa3: {  	[timem:s8], [sflag:s22] =	dma.local [hbm:s6], s20  }
0xa4: {  	_ =	swait.ge [sflag:s22], s20  }
0xa5: {  	s5 =	ssub.s32 $0x0, s20;
	[sflag:s22] =	ssyncset.done $0x0  }
0xa6: {  	[sflag:s22] =	ssyncadd.s32 s5;
	_ =	sdelay $0x1  }
0xa7: {  	s23 =	simm.s32 $0x1B8B  }
0xa8: {  	_ =	swait.ge [sflag:s23], $0x1  }
0xa9: {  	[sflag:s23] =	ssyncset.done $0x0  }
0xaa: {  	s25 =	simm.s32 $0x1B8E;
	s24 =	sld [smem:$0x3FFE];
	[sflag:s23] =	ssyncadd.s32 $0xFFFFFFFF  }
0xab: {  	s26 =	simm.s32 $execute0_lowered;
	[smem:$0x3FD2] =	sst s25  }
0xac: {  	s6 =	sshll.u32 s26, $0x1;
	_ =	strace $0x80000046;
	[dreg:$0x1] =	wrdreg $0xFFFFFFFF  }
0xad: {  	s28 =	simm.s32 $_size_execute0_lowered;
	s4 =	sadd.s32 s4, s6;
	[dreg:$0x0] =	wrdreg $0x0  }
0xae: {  	s6 =	sshll.u32 s28, $0x1;
	[dreg:$0x2] =	wrdreg s4  }
0xaf: {  	[dreg:$0x3] =	wrdreg s6  }
0xb0: {  	[dreg:$0x4] =	wrdreg $0xC0  }
0xb1: {  	_ =	task [dreg:s8], $0x5FFFF  }
0xb2: {  	[dreg:$0x1] =	wrdreg $0xFFFFFFFF  }
0xb3: {  	[dreg:$0x0] =	wrdreg $0x60  }
0xb4: {  	[dreg:$0x2] =	wrdreg s24  }
0xb5: {  	[dreg:$0x3] =	wrdreg s15  }
0xb6: {  	[dreg:$0x4] =	wrdreg s16  }
0xb7: {  	[dreg:$0x5] =	wrdreg $0x9  }
0xb8: {  	_ =	task.clear_ibuf [dreg:s8], $0x6FFFF;
	_ =	strace $0x90000046  }
0xb9: {  	s29 =	simm.s32 $0x9;
	_ =	strace $0x80000048  }
0xba: {  	_ =	swait.ge [sflag:s29], $0x1  }
0xbb: {  	[sflag:s29] =	ssyncadd.s32 $0xFFFFFFFF  }
0xbc: {  	_ =	strace $0x90000048  }
0xbd: {  	_ =	sfence  }
0xbe: {  	s30 =	sld [smem:$0x0];
	_ =	sdelay $0x2  }
0xbf: {  	s31 =	sshll.u32 s1, $0xD;
	s1 =	sshrl.u32 s1, $0x2  }
0xc0: {  	s3 =	sand.u32 $0x4000, s31;
	s1 =	sadd.s32 s1, s30  }
0xc1: {  	s0 =	sor.u32 s3, s0;
	s1 =	sshll.u32 s1, $0x11  }
0xc2: {  	s0 =	sor.u32 s1, s0  }
0xc3: {  	s0 =	sadd.s32 $0x8F2B, s0  }
0xc4: {  	[sflag:s0] =	ssyncadd.remote.s32 $0x1  }
0xc5: {  	_ =	sfence.sel $0xFFFF  }
0xc6: {  	[dreg:$0x0] =	wrdreg $0xFFFFFFFF;
	(pc) =	sbr.abs _section_cstart, $3  }
0xc7: {  	[dreg:$0x1] =	wrdreg $0xFFFFFFFF  }
0xc8: {  	_ =	task.clear_ibuf [dreg:s8], $0x2FFFF;
	_ =	strace $0x9FFFFFFF  }
0xc9: {  	(tm) =	ssettm $0x7FFFFFFF  }
tec
execute0_lowered:
.L_overlay_start_1:
0x0: {  	(tag) =	ssettag $0x1  }
0x1: {  	s0 =	rddreg [dreg:$0x0]  }
0x2: {  	s1 =	rddreg [dreg:$0x1]  }
0x3: {  	s4 =	rddreg [dreg:$0x2]  }
0x4: {  	s3 =	srdreg.scid;
	s2 =	simm.s32 $0x0;
	s9 =	stileid.u32  }
0x5: {  	s5 =	sand.u32 $0x1, s3;
	[smem:$0x7FF] =	sst s2;
	s29 =	sshll.u32 s9, $0x1  }
0x6: {  	s30 =	sshrl.u32 s9, $0x2;
	s6 =	ssub.s32 $0x2, s5;
	s8 =	sand.u32 $0x6, s29  }
0x7: {  	_ =	strace $0x80000047;
	s7 =	sshrl.u32 s6, $0x1;
	s5 =	sor.u32 s5, s8  }
0x8: {  	s8 =	sadd.s32 $0x40E00, s0;
	s10 =	ssub.s32 s6, s7;
	s9 =	sshll.u32 s5, $0x4  }
0x9: {  	[dreg:$0x4] =	wrdreg s8;
	s6 =	sshll.u32 s30, $0x6;
	s1 =	sadd.s32 s1, s9  }
0xa: {  	s13 =	sor.u32 $0x100, s6;
	[dreg:$0x5] =	wrdreg s1  }
0xb: {  	s14 =	sor.u32 $0x200, s6;
	[dreg:$0x6] =	wrdreg s13  }
0xc: {  	s16 =	sor.u32 $0x300, s6;
	[dreg:$0x7] =	wrdreg s14  }
0xd: {  	s19 =	sor.u32 $0x400, s6;
	[dreg:$0x9] =	wrdreg s16  }
0xe: {  	s22 =	sor.u32 $0x500, s6;
	[dreg:$0xb] =	wrdreg s19  }
0xf: {  	s25 =	sor.u32 $0x600, s6;
	[dreg:$0xd] =	wrdreg s22  }
0x10: {  	s29 =	smax.u32 s10, $0x1;
	[dreg:$0xf] =	wrdreg s25  }
0x11: {  	s12 =	sshll.u32 s30, $0xC;
	s30 =	sor.u32 $0x700, s6;
	[dreg:$0x11] =	wrdreg s29  }
0x12: {  	s11 =	sshll.u32 s5, $0x12;
	s8 =	sor.u32 $0x800, s6;
	[dreg:$0x12] =	wrdreg s30  }
0x13: {  	s1 =	sor.u32 s12, s11;
	[dreg:$0x14] =	wrdreg s8;
	s12 =	sor.u32 $0x900, s6  }
0x14: {  	s19 =	sor.u32 $0xC00, s6;
	s9 =	sadd.s32 s4, s1;
	[dreg:$0x16] =	wrdreg s12  }
0x15: {  	[dreg:$0x1c] =	wrdreg s19;
	s15 =	sadd.s32 $0x800, s9  }
0x16: {  	s17 =	sadd.s32 $0x4000, s9;
	[dreg:$0x8] =	wrdreg s15  }
0x17: {  	s18 =	sadd.s32 $0x4800, s9;
	[smem:$0x7F1] =	sst s17  }
0x18: {  	s20 =	sadd.s32 $0x8000, s9;
	[dreg:$0xa] =	wrdreg s18  }
0x19: {  	s21 =	sadd.s32 $0x8800, s9;
	[smem:$0x7F2] =	sst s20  }
0x1a: {  	s23 =	sadd.s32 $0xC000, s9;
	[dreg:$0xc] =	wrdreg s21  }
0x1b: {  	s24 =	sadd.s32 $0xC800, s9;
	[smem:$0x7F3] =	sst s23  }
0x1c: {  	s26 =	sadd.s32 $0x10000, s9;
	[dreg:$0xe] =	wrdreg s24  }
0x1d: {  	s28 =	sadd.s32 $0x10800, s9;
	[smem:$0x7F4] =	sst s26  }
0x1e: {  	s1 =	sadd.s32 $0x14000, s9;
	[dreg:$0x10] =	wrdreg s28  }
0x1f: {  	s4 =	sadd.s32 $0x14800, s9;
	[smem:$0x7F5] =	sst s1  }
0x20: {  	s10 =	sadd.s32 $0x18000, s9;
	[dreg:$0x13] =	wrdreg s4  }
0x21: {  	s11 =	sadd.s32 $0x18800, s9;
	[smem:$0x7F6] =	sst s10  }
0x22: {  	s13 =	sadd.s32 $0x1C000, s9;
	[dreg:$0x15] =	wrdreg s11  }
0x23: {  	s14 =	sadd.s32 $0x1C800, s9;
	[smem:$0x7F7] =	sst s13  }
0x24: {  	s3 =	sadd.s32 $0xE00, s0;
	s16 =	sadd.s32 $0x20800, s9;
	[dreg:$0x17] =	wrdreg s14  }
0x25: {  	s5 =	sshll.u32 s5, $0x9;
	s22 =	sadd.s32 $0x2C800, s9;
	[dreg:$0x19] =	wrdreg s16  }
0x26: {  	s7 =	sadd.s32 $0xF00, s0;
	s29 =	sadd.s32 $0x38800, s9;
	[dreg:$0x1f] =	wrdreg s22  }
0x27: {  	v0 =	vmov s5;
	s5 =	simm.s32 $0x1;
	s30 =	sadd.s32 $0x3C800, s9;
	[smem:$0x7FC] =	sst s29  }
0x28: {  	s8 =	sadd.s32 $0x20000, s9;
	s15 =	sor.u32 $0xA00, s6;
	[smem:$0x7FD] =	sst s30  }
0x29: {  	s12 =	sadd.s32 $0x24000, s9;
	s17 =	sor.u32 $0xB00, s6;
	[dreg:$0x18] =	wrdreg s15  }
0x2a: {  	s25 =	sadd.s32 $0x30000, s9;
	s18 =	sadd.s32 $0x24800, s9;
	[dreg:$0x1a] =	wrdreg s17  }
0x2b: {  	s31 =	sadd.s32 $0x34000, s9;
	s20 =	sadd.s32 $0x28800, s9;
	[dreg:$0x1b] =	wrdreg s18  }
0x2c: {  	s21 =	sor.u32 $0xD00, s6;
	s23 =	sor.u32 $0xE00, s6;
	[dreg:$0x1d] =	wrdreg s20  }
.Ltmp0:
0x2d: {  	v2 =	vimm.s32 $0xFF;
	s24 =	sadd.s32 $0x30800, s9;
	[dreg:$0x1e] =	wrdreg s21;
	(pc) =	sbr.rel .LBB2_1-.Ltmp0, $4  }
0x2e: {  	s26 =	sor.u32 $0xF00, s6;
	s28 =	sadd.s32 $0x34800, s9;
	[smem:$0x7F8] =	sst s23  }
0x2f: {  	v1 =	vlaneseq.u32;
	v3 =	vimm.s32 $0x100;
	s4 =	sadd.s32 $0x38000, s9;
	s10 =	sadd.s32 $0x3C000, s9;
	[smem:$0x7F9] =	sst s24  }
0x30: {  	v4 =	vimm.s32 $0x0;
	vm0 =	vmmov $0xffff;
	v6 =	vshrl.u32 v1, $0x3;
	s11 =	simm.s32 $0x0;
	s17 =	sadd.s32 $0x28000, s9;
	[smem:$0x7FA] =	sst s26  }
0x31: {  	v5 =	vand.u32 $0x7, v1;
	v7 =	vor.u32 $0x8, v1;
	v6 =	vmul.u32 $0x8, v6;
	s21 =	sadd.s32 $0x2C000, s9;
	[smem:$0x7FB] =	sst s28;
	s18 =	simm.s32 $0x200  }
.LBB2_39:
0x32: {  	s14 =	simm.s32 @p0 $0x0;
	s15 =	simm.s32 @p0 $0x800;
	s20 =	sld [smem:$0x7FB]  }
0x33: {  	[hbm4b:s31+s14] =	stream.linear.scatter @p0 [tilespmem:s15], [sflag:$0x1], $0x4000, $0x38;
	[tilespmem:$0x1C800] =	vst v63  }
0x34: {  	_ = 	snop  }
0x35: {  	[hbm4b:s20+s14] =	stream.linear.scatter @p0 [tilespmem:s15], [sflag:$0x1], $0x4000, $0x38;
	[tilespmem:$0x1C800] =	vst v63  }
0x36: {  	s14 =	simm.s32 @!p0 $0x4  }
0x37: {  	_ =	swait.ge @!p0 [sflag:s14], $0x8000  }
0x38: {  	[sflag:s14] =	ssyncset.done @!p0 $0x0  }
0x39: {  	s15 =	simm.s32 @!p0 $0xC800;
	[sflag:s14] =	ssyncadd.s32 @!p0 $0xFFFF8000;
	s14 =	simm.s32 @!p0 $0x0  }
0x3a: {  	[hbm4b:s31+s14] =	stream.linear.scatter @!p0 [tilespmem:s15], [sflag:$0x1], $0x8000, $0x38;
	[tilespmem:$0x1C800] =	vst v63  }
0x3b: {  	_ =	swait.ge [sflag:s5], $0x8000  }
0x3c: {  	s14 =	simm.s32 @p2 $0x0;
	[sflag:s5] =	ssyncset.done $0x0  }
0x3d: {  	s15 =	simm.s32 @p2 $0x800;
	s20 =	sld [smem:$0x7FC];
	[sflag:s5] =	ssyncadd.s32 $0xFFFF8000  }
0x3e: {  	[hbm4b:s4+s14] =	stream.linear.scatter @p2 [tilespmem:s15], [sflag:$0x1], $0x4000, $0x38;
	[tilespmem:$0x1C800] =	vst v63  }
0x3f: {  	_ = 	snop  }
0x40: {  	[hbm4b:s20+s14] =	stream.linear.scatter @p2 [tilespmem:s15], [sflag:$0x1], $0x4000, $0x38;
	[tilespmem:$0x1C800] =	vst v63  }
0x41: {  	s14 =	simm.s32 @!p2 $0x5  }
0x42: {  	_ =	swait.ge @!p2 [sflag:s14], $0x8000  }
0x43: {  	[sflag:s14] =	ssyncset.done @!p2 $0x0  }
0x44: {  	s15 =	simm.s32 @!p2 $0x14800;
	[sflag:s14] =	ssyncadd.s32 @!p2 $0xFFFF8000;
	s14 =	simm.s32 @!p2 $0x0  }
0x45: {  	[hbm4b:s4+s14] =	stream.linear.scatter @!p2 [tilespmem:s15], [sflag:$0x1], $0x8000, $0x38;
	[tilespmem:$0x1C800] =	vst v63  }
0x46: {  	_ =	swait.ge [sflag:s5], $0x8000  }
0x47: {  	s14 =	simm.s32 @p1 $0x0;
	[sflag:s5] =	ssyncset.done $0x0  }
0x48: {  	s15 =	simm.s32 @p1 $0x800;
	s20 =	sld [smem:$0x7FD];
	[sflag:s5] =	ssyncadd.s32 $0xFFFF8000  }
0x49: {  	[hbm4b:s10+s14] =	stream.linear.scatter @p1 [tilespmem:s15], [sflag:$0x1], $0x4000, $0x38;
	[tilespmem:$0x1C800] =	vst v63  }
0x4a: {  	_ = 	snop  }
0x4b: {  	[hbm4b:s20+s14] =	stream.linear.scatter @p1 [tilespmem:s15], [sflag:$0x1], $0x4000, $0x38;
	[tilespmem:$0x1C800] =	vst v63  }
0x4c: {  	s14 =	simm.s32 @!p1 $0x3  }
0x4d: {  	_ =	swait.ge @!p1 [sflag:s14], $0x8000  }
0x4e: {  	[sflag:s14] =	ssyncset.done @!p1 $0x0  }
0x4f: {  	s15 =	simm.s32 @!p1 $0x4800;
	[sflag:s14] =	ssyncadd.s32 @!p1 $0xFFFF8000;
	s14 =	simm.s32 @!p1 $0x0  }
0x50: {  	[hbm4b:s10+s14] =	stream.linear.scatter @!p1 [tilespmem:s15], [sflag:$0x1], $0x8000, $0x38;
	[tilespmem:$0x1C800] =	vst v63  }
0x51: {  	_ =	swait.ge [sflag:s5], $0x8000  }
0x52: {  	s11 =	sadd.s32 $0x1, s11;
	s30 =	rddreg [dreg:$0x11]  }
0x53: {  	p0 =	sne.s32 s11, s30  }
.Ltmp1:
0x54: {  	_ = 	snop;
	(pc) =	sbr.rel @!p0 .LBB2_40-.Ltmp1, $3  }
0x55: {  	_ =	sdelay $0x1  }
0x56: {  	[sflag:s5] =	ssyncset.done $0x0  }
0x57: {  	[sflag:s5] =	ssyncadd.s32 $0xFFFF8000  }
.LBB2_1:
0x58: {  	s14 =	rddreg [dreg:$0x4];
	s15 =	simm.s32 $0x800;
	s23 =	simm.s32 $0x80  }
0x59: {  	[tilespmem:s15], [sflag:$0x2] =	stream.linear.gather [hbm4b:s14+s2], $0x4000, $0x38;
	[tilespmem:$0x1C800] =	vst v63  }
0x5a: {  	s20 =	simm.s32 $0x400;
	s24 =	simm.s32 $0x6;
	s15 =	rddreg [dreg:$0x5]  }
0x5b: {  	[tilespmem:s2], [sflag:$0x6] =	stream.strided.gather [hbm4b:s15+s23], $0x200, s20, s23, $0x38;
	[tilespmem:$0x1C800] =	vst v63  }
0x5c: {  	_ =	swait.ge [sflag:s24], $0x200  }
0x5d: {  	[sflag:s24] =	ssyncset.done $0x0  }
0x5e: {  	s29 =	simm.s32 $0x2;
	[sflag:s24] =	ssyncadd.s32 $0xFFFFFE00  }
0x5f: {  	_ =	swait.ge [sflag:s29], $0x4000  }
0x60: {  	[sflag:s29] =	ssyncset.done $0x0  }
0x61: {  	s15 =	simm.s32 $0x0;
	[sflag:s29] =	ssyncadd.s32 $0xFFFFC000  }
0x62: {  	s14 =	simm.s32 $0x10;
	v8 =	vld [tilespmem:s15+$0x0]  }
0x63: {  	v9 =	vld [tilespmem:s14+$0x0];
	_ =	sdelay $0x3  }
0x64: {  	(xrf0) =	vadd.scan.msk.s32 $0xffff, v8  }
0x65: {  	(xrf0) =	vadd.scan.msk.s32 $0xffff, v9;
	_ =	sdelay $0x4  }
0x66: {  	s20 =	simm.s32 $0x20;
	v9, _, _ =	vpop (xrf0)  }
0x67: {  	v10 =	vld [tilespmem:s20+$0x0];
	(v2sf) =	vpush v9, $0xF;
	v8, _, _ =	vpop (xrf0)  }
0x68: {  	(v2sf) =	vpush v8, $0xF;
	_ =	sdelay $0x3  }
0x69: {  	s23 =	simm.s32 $0x30;
	(xrf0) =	vadd.scan.msk.s32 $0xffff, v10  }
0x6a: {  	v10 =	vld [tilespmem:s23+$0x0]  }
0x6b: {  	s1 =	simm.s32 $0x8800  }
0x6c: {  	s30 =	simm.s32 $0x8000;
	s26 =	simm.s32 $0x7800;
	s22 =	simm.s32 $0x7000  }
0x6d: {  	s19 =	simm.s32 $0x6800;
	s16 =	simm.s32 $0x6000;
	s13 =	simm.s32 $0x5800  }
0x6e: {  	s0 =	simm.s32 $0x5000;
	s28 =	simm.s32 $0x100;
	s24 =	simm.s32 $0x0  }
.LBB2_2:
0x6f: {  	s29 =	sshra.s32 s28, $0x2;
	p0 =	seq.s32 s28, $0x7C0;
	s28 =	sadd.s32 $0x40, s28;
	(xrf0) =	vadd.scan.msk.s32 $0xffff, v10;
	v11 =	vadd.s32 s24, v9;
	v9 =	vmov v8;
	v8, _, _ =	vpop (xrf0)  }
.Ltmp2:
0x70: {  	v10 =	vld [tilespmem:s29+$0x0];
	(v2sf) =	vpush v8, $0xF;
	[tilespmem:s15+$0x200] =	vst v11;
	s15 =	smov.u32 s14;
	s14 =	smov.u32 s20;
	(pc) =	sbr.rel @!p0 .LBB2_2-.Ltmp2, $3  }
0x71: {  	s20 =	smov.u32 s23;
	s23 =	smov.u32 s29;
	_ =	sdelay $0x1  }
0x72: {  	s29 =	spop (v2sf)  }
0x73: {  	s24 =	sadd.s32 s24, s29  }
0x74: {  	(xrf0) =	vadd.scan.msk.s32 $0xffff, v10;
	_ =	sdelay $0x4  }
0x75: {  	v10, _, _ =	vpop (xrf0)  }
0x76: {  	(v2sf) =	vpush v10, $0xF;
	v11, _, _ =	vpop (xrf0)  }
0x77: {  	(v2sf) =	vpush v11, $0xF;
	_ =	sdelay $0xb  }
0x78: {  	s28 =	spop (v2sf)  }
0x79: {  	v9 =	vadd.s32 s24, v9;
	s24 =	sadd.s32 s24, s28;
	s28 =	spop (v2sf)  }
0x7a: {  	[tilespmem:s15+$0x200] =	vst v9;
	v8 =	vadd.s32 s24, v8;
	s24 =	sadd.s32 s24, s28;
	s28 =	spop (v2sf)  }
0x7b: {  	[tilespmem:s14+$0x200] =	vst v8;
	v8 =	vadd.s32 s24, v10;
	s24 =	sadd.s32 s24, s28;
	s28 =	spop (v2sf)  }
0x7c: {  	[tilespmem:s20+$0x200] =	vst v8;
	v8 =	vadd.s32 s24, v11;
	s14 =	sadd.s32 s24, s28  }
0x7d: {  	s29 =	simm.s32 $0x4800;
	s15 =	simm.s32 $0x0;
	s20 =	simm.s32 $0x0;
	[tilespmem:s23+$0x200] =	vst v8;
	v8 =	vmov s14  }
.LBB2_4:
0x7e: {  	v9 =	vld.idx.msk [tilespmem:v2+s18+$0x0], $0xffff  }
0x7f: {  	s23 =	sand.u32 $0x100, s15  }
0x80: {  	s24 =	sand.u32 $0x20, s20;
	s23 =	sor.u32 s6, s23  }
0x81: {  	s28 =	sadd.s32 $0x10, s20;
	s24 =	sor.u32 s24, s23  }
0x82: {  	s28 =	sand.u32 $0x30, s28;
	v10 =	vor.u32 s24, v1  }
0x83: {  	s23 =	sor.u32 s23, s28;
	vm1 =	vgt.s32 v9, v10  }
0x84: {  	v11 =	vor.u32 s23, v1;
	v12 =	vsel vm1, $0x0, v3  }
0x85: {  	vm1 =	vgt.s32 v9, v11;
	v13 =	vor.u32 $0x7F, v12  }
0x86: {  	v9 =	vsel vm1, $0x0, v3  }
0x87: {  	v14 =	vor.u32 $0x7F, v9;
	_ =	sdelay $0x2  }
0x88: {  	v13 =	vld.idx.msk [tilespmem:v13+s18+$0x0], $0xffff;
	_ =	sdelay $0x1  }
0x89: {  	v14 =	vld.idx.msk [tilespmem:v14+s18+$0x0], $0xffff;
	_ =	sdelay $0x2  }
0x8a: {  	v29 =	vor.u32 $0x80, v12;
	vm1 =	vgt.s32 v13, v10  }
0x8b: {  	v12 =	vsel vm1, v12, v29  }
0x8c: {  	v30 =	vor.u32 $0x80, v9;
	vm1 =	vgt.s32 v14, v11;
	v31 =	vor.u32 $0x3F, v12  }
0x8d: {  	v9 =	vsel vm1, v9, v30  }
0x8e: {  	v32 =	vor.u32 $0x3F, v9;
	_ =	sdelay $0x2  }
0x8f: {  	v13 =	vld.idx.msk [tilespmem:v31+s18+$0x0], $0xffff;
	_ =	sdelay $0x1  }
0x90: {  	v14 =	vld.idx.msk [tilespmem:v32+s18+$0x0], $0xffff;
	_ =	sdelay $0x2  }
0x91: {  	v33 =	vor.u32 $0x40, v12;
	vm1 =	vgt.s32 v13, v10  }
0x92: {  	v12 =	vsel vm1, v12, v33  }
0x93: {  	v34 =	vor.u32 $0x40, v9;
	vm1 =	vgt.s32 v14, v11;
	v35 =	vor.u32 $0x1F, v12  }
0x94: {  	v9 =	vsel vm1, v9, v34  }
0x95: {  	v36 =	vor.u32 $0x1F, v9;
	_ =	sdelay $0x2  }
0x96: {  	v13 =	vld.idx.msk [tilespmem:v35+s18+$0x0], $0xffff;
	_ =	sdelay $0x1  }
0x97: {  	v14 =	vld.idx.msk [tilespmem:v36+s18+$0x0], $0xffff;
	_ =	sdelay $0x2  }
0x98: {  	v37 =	vor.u32 $0x20, v12;
	vm1 =	vgt.s32 v13, v10  }
0x99: {  	v12 =	vsel vm1, v12, v37  }
0x9a: {  	v38 =	vor.u32 $0x20, v9;
	vm1 =	vgt.s32 v14, v11;
	v39 =	vadd.s32 $0xF, v12  }
0x9b: {  	v9 =	vsel vm1, v9, v38  }
0x9c: {  	v40 =	vadd.s32 $0xF, v9;
	_ =	sdelay $0x2  }
0x9d: {  	v13 =	vld.idx.msk [tilespmem:v39+s18+$0x0], $0xffff;
	_ =	sdelay $0x1  }
0x9e: {  	v14 =	vld.idx.msk [tilespmem:v40+s18+$0x0], $0xffff;
	_ =	sdelay $0x2  }
0x9f: {  	v41 =	vadd.s32 $0x10, v12;
	vm1 =	vgt.s32 v13, v10  }
0xa0: {  	v12 =	vsel vm1, v12, v41  }
0xa1: {  	v42 =	vadd.s32 $0x10, v9;
	vm1 =	vgt.s32 v14, v11;
	v43 =	vadd.s32 $0x7, v12  }
0xa2: {  	v9 =	vsel vm1, v9, v42  }
0xa3: {  	v44 =	vadd.s32 $0x7, v9;
	_ =	sdelay $0x2  }
0xa4: {  	v13 =	vld.idx.msk [tilespmem:v43+s18+$0x0], $0xffff;
	_ =	sdelay $0x1  }
0xa5: {  	v14 =	vld.idx.msk [tilespmem:v44+s18+$0x0], $0xffff;
	_ =	sdelay $0x2  }
0xa6: {  	v45 =	vadd.s32 $0x8, v12;
	vm1 =	vgt.s32 v13, v10  }
0xa7: {  	v12 =	vsel vm1, v12, v45  }
0xa8: {  	v46 =	vadd.s32 $0x8, v9;
	vm1 =	vgt.s32 v14, v11;
	v47 =	vadd.s32 $0x3, v12  }
0xa9: {  	v9 =	vsel vm1, v9, v46  }
0xaa: {  	v48 =	vadd.s32 $0x3, v9;
	_ =	sdelay $0x2  }
0xab: {  	v13 =	vld.idx.msk [tilespmem:v47+s18+$0x0], $0xffff;
	_ =	sdelay $0x1  }
0xac: {  	v14 =	vld.idx.msk [tilespmem:v48+s18+$0x0], $0xffff;
	_ =	sdelay $0x2  }
0xad: {  	v49 =	vadd.s32 $0x4, v12;
	vm1 =	vgt.s32 v13, v10  }
0xae: {  	v12 =	vsel vm1, v12, v49  }
0xaf: {  	v50 =	vadd.s32 $0x4, v9;
	vm1 =	vgt.s32 v14, v11;
	v51 =	vadd.s32 $0x1, v12  }
0xb0: {  	v9 =	vsel vm1, v9, v50  }
0xb1: {  	v52 =	vadd.s32 $0x1, v9;
	_ =	sdelay $0x2  }
0xb2: {  	v13 =	vld.idx.msk [tilespmem:v51+s18+$0x0], $0xffff;
	_ =	sdelay $0x1  }
0xb3: {  	v14 =	vld.idx.msk [tilespmem:v52+s18+$0x0], $0xffff;
	_ =	sdelay $0x2  }
0xb4: {  	v53 =	vadd.s32 $0x2, v12;
	vm1 =	vgt.s32 v13, v10  }
0xb5: {  	v12 =	vsel vm1, v12, v53  }
0xb6: {  	v54 =	vadd.s32 $0x2, v9;
	vm1 =	vgt.s32 v14, v11  }
0xb7: {  	v9 =	vsel vm1, v9, v54;
	_ =	sdelay $0x2  }
0xb8: {  	v55 =	vld.idx.msk [tilespmem:v12+s18+$0x0], $0xffff;
	_ =	sdelay $0x1  }
0xb9: {  	v56 =	vld.idx.msk [tilespmem:v9+s18+$0x0], $0xffff;
	_ =	sdelay $0x2  }
0xba: {  	vm1 =	vle.s32 v55, v10  }
0xbb: {  	v13 =	vsel vm1, $0x1, v4  }
0xbc: {  	vm1 =	vle.s32 v56, v11;
	v12 =	vadd.s32 v13, v12  }
0xbd: {  	v57 =	vsel vm1, $0x1, v4  }
0xbe: {  	v9 =	vadd.s32 v57, v9;
	_ =	sdelay $0x2  }
0xbf: {  	v58 =	vld.idx.msk [tilespmem:v12+s18+$0x0], $0xffff;
	_ =	sdelay $0x1  }
0xc0: {  	v59 =	vld.idx.msk [tilespmem:v9+s18+$0x0], $0xffff;
	_ =	sdelay $0x2  }
0xc1: {  	vm1 =	vle.s32 v58, v10  }
0xc2: {  	v13 =	vsel vm1, $0x1, v4  }
0xc3: {  	v61 =	vand.u32 $0x2F, v10;
	vm1 =	vle.s32 v59, v11;
	v12 =	vadd.s32 v13, v12  }
0xc4: {  	p0 =	sne.s32 s20, $0x60;
	v62 =	vor.u32 $0x1000, v61;
	v60 =	vsel vm1, $0x1, v4;
	v12 =	vmin.u32 v12, $0x1FF  }
.Ltmp3:
0xc5: {  	vm1 =	vlt.s32 v10, v8;
	v9 =	vadd.s32 v60, v9;
	v10 =	vor.u32 v0, v12;
	(pc) =	sbr.rel @p0 .LBB2_4-.Ltmp3, $4  }
0xc6: {  	v63 =	vand.u32 $0x3F, v11;
	v9 =	vmin.u32 v9, $0x1FF;
	v10 =	vsel vm1, v10, v62  }
0xc7: {  	s28 =	sshra.s32 s15, $0x2;
	vm1 =	vlt.s32 v11, v8;
	v9 =	vor.u32 v0, v9;
	v11 =	vor.u32 $0x1000, v63  }
0xc8: {  	v9 =	vsel vm1, v9, v11;
	[tilespmem:s28+$0x400] =	vst v10  }
0xc9: {  	s20 =	sadd.s32 $0x20, s20;
	s15 =	sadd.s32 $0x80, s15;
	[tilespmem:s28+$0x410] =	vst v9  }
0xca: {  	p1 =	sge.s32 s6, s14  }
.Ltmp4:
0xcb: {  	_ = 	snop;
	(pc) =	sbr.rel @p1 .LBB2_7-.Ltmp4, $1  }
0xcc: {  	_ =	sdelay $0x3  }
0xcd: {  	v9 =	vld [tilespmem:$0x400];
	_ =	sdelay $0x4  }
0xce: {  	v10 =	vshll.u32 v9, $0x2  }
0xcf: {  	v9 =	vand.u32 $0x7, v9;
	v10 =	vand.u32 $0xFFFFFFE0, v10  }
0xd0: {  	v9 =	vor.u32 v9, v10  }
0xd1: {  	v10 =	vperm.xlane v9, v5;
	_ =	sdelay $0x1  }
0xd2: {  	v10 =	vadd.s32 v6, v10;
	_ =	sdelay $0x1  }
0xd3: {  	v9 =	vperm.xlane v9, v7;
	_ =	sdelay $0x1  }
0xd4: {  	v9 =	vadd.s32 v6, v9  }
0xd5: {  	[tilespmem:s29], [sflag:$0x3] =	stream.indirect_vreg.gather [hbm4b:s3+s2], $0x80, v10, vm0, $0xb8;
	[tilespmem:$0x1C800] =	vst v63  }
0xd6: {  	_ = 	snop  }
0xd7: {  	[tilespmem:s0], [sflag:$0x3] =	stream.indirect_vreg.gather [hbm4b:s7+s2], $0x80, v10, vm0, $0xb8;
	[tilespmem:$0x1C800] =	vst v63  }
0xd8: {  	_ = 	snop  }
0xd9: {  	[tilespmem:s13], [sflag:$0x3] =	stream.indirect_vreg.gather [hbm4b:s3+s2], $0x80, v9, vm0, $0xb8;
	[tilespmem:$0x1C800] =	vst v63  }
0xda: {  	_ = 	snop  }
0xdb: {  	[tilespmem:s16], [sflag:$0x3] =	stream.indirect_vreg.gather [hbm4b:s7+s2], $0x80, v9, vm0, $0xb8;
	[tilespmem:$0x1C800] =	vst v63  }
0xdc: {  	v9 =	vld [tilespmem:$0x410];
	_ =	sdelay $0x4  }
0xdd: {  	v10 =	vshll.u32 v9, $0x2  }
0xde: {  	v9 =	vand.u32 $0x7, v9;
	v10 =	vand.u32 $0xFFFFFFE0, v10  }
0xdf: {  	v9 =	vor.u32 v9, v10  }
0xe0: {  	v10 =	vperm.xlane v9, v5;
	_ =	sdelay $0x1  }
0xe1: {  	v10 =	vadd.s32 v6, v10;
	_ =	sdelay $0x1  }
0xe2: {  	v9 =	vperm.xlane v9, v7;
	_ =	sdelay $0x1  }
0xe3: {  	v9 =	vadd.s32 v6, v9  }
0xe4: {  	[tilespmem:s19], [sflag:$0x3] =	stream.indirect_vreg.gather [hbm4b:s3+s2], $0x80, v10, vm0, $0xb8;
	[tilespmem:$0x1C800] =	vst v63  }
0xe5: {  	_ = 	snop  }
0xe6: {  	[tilespmem:s22], [sflag:$0x3] =	stream.indirect_vreg.gather [hbm4b:s7+s2], $0x80, v10, vm0, $0xb8;
	[tilespmem:$0x1C800] =	vst v63  }
0xe7: {  	_ = 	snop  }
0xe8: {  	[tilespmem:s26], [sflag:$0x3] =	stream.indirect_vreg.gather [hbm4b:s3+s2], $0x80, v9, vm0, $0xb8;
	[tilespmem:$0x1C800] =	vst v63  }
0xe9: {  	_ = 	snop  }
0xea: {  	[tilespmem:s30], [sflag:$0x3] =	stream.indirect_vreg.gather [hbm4b:s7+s2], $0x80, v9, vm0, $0xb8;
	[tilespmem:$0x1C800] =	vst v63  }
0xeb: {  	v9 =	vld [tilespmem:$0x420];
	_ =	sdelay $0x4  }
0xec: {  	v10 =	vshll.u32 v9, $0x2  }
0xed: {  	v9 =	vand.u32 $0x7, v9;
	v10 =	vand.u32 $0xFFFFFFE0, v10  }
0xee: {  	v9 =	vor.u32 v9, v10  }
0xef: {  	v10 =	vperm.xlane v9, v5;
	_ =	sdelay $0x1  }
0xf0: {  	v10 =	vadd.s32 v6, v10;
	_ =	sdelay $0x1  }
0xf1: {  	v9 =	vperm.xlane v9, v7;
	_ =	sdelay $0x1  }
0xf2: {  	v9 =	vadd.s32 v6, v9  }
0xf3: {  	[tilespmem:s1], [sflag:$0x3] =	stream.indirect_vreg.gather [hbm4b:s3+s2], $0x80, v10, vm0, $0xb8;
	[tilespmem:$0x1C800] =	vst v63  }
0xf4: {  	s20 =	simm.s32 $0x9000  }
0xf5: {  	[tilespmem:s20], [sflag:$0x3] =	stream.indirect_vreg.gather [hbm4b:s7+s2], $0x80, v10, vm0, $0xb8;
	[tilespmem:$0x1C800] =	vst v63  }
0xf6: {  	s22 =	simm.s32 $0x9800  }
0xf7: {  	[tilespmem:s22], [sflag:$0x3] =	stream.indirect_vreg.gather [hbm4b:s3+s2], $0x80, v9, vm0, $0xb8;
	[tilespmem:$0x1C800] =	vst v63  }
0xf8: {  	s23 =	simm.s32 $0xA000  }
0xf9: {  	[tilespmem:s23], [sflag:$0x3] =	stream.indirect_vreg.gather [hbm4b:s7+s2], $0x80, v9, vm0, $0xb8;
	[tilespmem:$0x1C800] =	vst v63  }
0xfa: {  	v9 =	vld [tilespmem:$0x430];
	_ =	sdelay $0x4  }
0xfb: {  	v10 =	vshll.u32 v9, $0x2  }
0xfc: {  	v9 =	vand.u32 $0x7, v9;
	v10 =	vand.u32 $0xFFFFFFE0, v10  }
0xfd: {  	v9 =	vor.u32 v9, v10  }
0xfe: {  	v10 =	vperm.xlane v9, v5;
	_ =	sdelay $0x1  }
0xff: {  	v10 =	vadd.s32 v6, v10;
	_ =	sdelay $0x1  }
0x100: {  	v9 =	vperm.xlane v9, v7;
	_ =	sdelay $0x1  }
0x101: {  	s24 =	simm.s32 $0xA800;
	v9 =	vadd.s32 v6, v9  }
0x102: {  	[tilespmem:s24], [sflag:$0x3] =	stream.indirect_vreg.gather [hbm4b:s3+s2], $0x80, v10, vm0, $0xb8;
	[tilespmem:$0x1C800] =	vst v63  }
0x103: {  	s26 =	simm.s32 $0xB000  }
0x104: {  	[tilespmem:s26], [sflag:$0x3] =	stream.indirect_vreg.gather [hbm4b:s7+s2], $0x80, v10, vm0, $0xb8;
	[tilespmem:$0x1C800] =	vst v63  }
0x105: {  	s28 =	simm.s32 $0xB800  }
0x106: {  	[tilespmem:s28], [sflag:$0x3] =	stream.indirect_vreg.gather [hbm4b:s3+s2], $0x80, v9, vm0, $0xb8;
	[tilespmem:$0x1C800] =	vst v63  }
0x107: {  	s30 =	simm.s32 $0xC000  }
0x108: {  	[tilespmem:s30], [sflag:$0x3] =	stream.indirect_vreg.gather [hbm4b:s7+s2], $0x80, v9, vm0, $0xb8;
	[tilespmem:$0x1C800] =	vst v63  }
.LBB2_7:
0x109: {  	s15 =	rddreg [dreg:$0x6]  }
0x10a: {  	p0 =	sge.s32 s15, s14  }
.Ltmp5:
0x10b: {  	_ = 	snop;
	(pc) =	sbr.rel @p0 .LBB2_9-.Ltmp5, $1  }
0x10c: {  	_ =	sdelay $0x3  }
0x10d: {  	v9 =	vld [tilespmem:$0x440];
	_ =	sdelay $0x4  }
0x10e: {  	v10 =	vshll.u32 v9, $0x2  }
0x10f: {  	v9 =	vand.u32 $0x7, v9;
	v10 =	vand.u32 $0xFFFFFFE0, v10  }
0x110: {  	v9 =	vor.u32 v9, v10  }
0x111: {  	v10 =	vperm.xlane v9, v5;
	_ =	sdelay $0x1  }
0x112: {  	v10 =	vadd.s32 v6, v10;
	_ =	sdelay $0x1  }
0x113: {  	v9 =	vperm.xlane v9, v7;
	_ =	sdelay $0x1  }
0x114: {  	s0 =	simm.s32 $0xC800;
	v9 =	vadd.s32 v6, v9  }
0x115: {  	[tilespmem:s0], [sflag:$0x4] =	stream.indirect_vreg.gather [hbm4b:s3+s2], $0x80, v10, vm0, $0xb8;
	[tilespmem:$0x1C800] =	vst v63  }
0x116: {  	s26 =	simm.s32 $0xD000  }
0x117: {  	[tilespmem:s26], [sflag:$0x4] =	stream.indirect_vreg.gather [hbm4b:s7+s2], $0x80, v10, vm0, $0xb8;
	[tilespmem:$0x1C800] =	vst v63  }
0x118: {  	s28 =	simm.s32 $0xD800  }
0x119: {  	[tilespmem:s28], [sflag:$0x4] =	stream.indirect_vreg.gather [hbm4b:s3+s2], $0x80, v9, vm0, $0xb8;
	[tilespmem:$0x1C800] =	vst v63  }
0x11a: {  	s30 =	simm.s32 $0xE000  }
0x11b: {  	[tilespmem:s30], [sflag:$0x4] =	stream.indirect_vreg.gather [hbm4b:s7+s2], $0x80, v9, vm0, $0xb8;
	[tilespmem:$0x1C800] =	vst v63  }
0x11c: {  	v9 =	vld [tilespmem:$0x450];
	_ =	sdelay $0x4  }
0x11d: {  	v10 =	vshll.u32 v9, $0x2  }
0x11e: {  	v9 =	vand.u32 $0x7, v9;
	v10 =	vand.u32 $0xFFFFFFE0, v10  }
0x11f: {  	v9 =	vor.u32 v9, v10  }
0x120: {  	v10 =	vperm.xlane v9, v5;
	_ =	sdelay $0x1  }
0x121: {  	v10 =	vadd.s32 v6, v10;
	_ =	sdelay $0x1  }
0x122: {  	v9 =	vperm.xlane v9, v7;
	_ =	sdelay $0x1  }
0x123: {  	s1 =	simm.s32 $0xE800;
	v9 =	vadd.s32 v6, v9  }
0x124: {  	[tilespmem:s1], [sflag:$0x4] =	stream.indirect_vreg.gather [hbm4b:s3+s2], $0x80, v10, vm0, $0xb8;
	[tilespmem:$0x1C800] =	vst v63  }
0x125: {  	s13 =	simm.s32 $0xF000  }
0x126: {  	[tilespmem:s13], [sflag:$0x4] =	stream.indirect_vreg.gather [hbm4b:s7+s2], $0x80, v10, vm0, $0xb8;
	[tilespmem:$0x1C800] =	vst v63  }
0x127: {  	s15 =	simm.s32 $0xF800  }
0x128: {  	[tilespmem:s15], [sflag:$0x4] =	stream.indirect_vreg.gather [hbm4b:s3+s2], $0x80, v9, vm0, $0xb8;
	[tilespmem:$0x1C800] =	vst v63  }
0x129: {  	s16 =	simm.s32 $0x10000  }
0x12a: {  	[tilespmem:s16], [sflag:$0x4] =	stream.indirect_vreg.gather [hbm4b:s7+s2], $0x80, v9, vm0, $0xb8;
	[tilespmem:$0x1C800] =	vst v63  }
0x12b: {  	v9 =	vld [tilespmem:$0x460];
	_ =	sdelay $0x4  }
0x12c: {  	v10 =	vshll.u32 v9, $0x2  }
0x12d: {  	v9 =	vand.u32 $0x7, v9;
	v10 =	vand.u32 $0xFFFFFFE0, v10  }
0x12e: {  	v9 =	vor.u32 v9, v10  }
0x12f: {  	v10 =	vperm.xlane v9, v5;
	_ =	sdelay $0x1  }
0x130: {  	v10 =	vadd.s32 v6, v10;
	_ =	sdelay $0x1  }
0x131: {  	v9 =	vperm.xlane v9, v7;
	_ =	sdelay $0x1  }
0x132: {  	s19 =	simm.s32 $0x10800;
	v9 =	vadd.s32 v6, v9  }
0x133: {  	[tilespmem:s19], [sflag:$0x4] =	stream.indirect_vreg.gather [hbm4b:s3+s2], $0x80, v10, vm0, $0xb8;
	[tilespmem:$0x1C800] =	vst v63  }
0x134: {  	s20 =	simm.s32 $0x11000  }
0x135: {  	[tilespmem:s20], [sflag:$0x4] =	stream.indirect_vreg.gather [hbm4b:s7+s2], $0x80, v10, vm0, $0xb8;
	[tilespmem:$0x1C800] =	vst v63  }
0x136: {  	s22 =	simm.s32 $0x11800  }
0x137: {  	[tilespmem:s22], [sflag:$0x4] =	stream.indirect_vreg.gather [hbm4b:s3+s2], $0x80, v9, vm0, $0xb8;
	[tilespmem:$0x1C800] =	vst v63  }
0x138: {  	s23 =	simm.s32 $0x12000  }
0x139: {  	[tilespmem:s23], [sflag:$0x4] =	stream.indirect_vreg.gather [hbm4b:s7+s2], $0x80, v9, vm0, $0xb8;
	[tilespmem:$0x1C800] =	vst v63  }
0x13a: {  	v9 =	vld [tilespmem:$0x470];
	_ =	sdelay $0x4  }
0x13b: {  	v10 =	vshll.u32 v9, $0x2  }
0x13c: {  	v9 =	vand.u32 $0x7, v9;
	v10 =	vand.u32 $0xFFFFFFE0, v10  }
0x13d: {  	v9 =	vor.u32 v9, v10  }
0x13e: {  	v10 =	vperm.xlane v9, v5;
	_ =	sdelay $0x1  }
0x13f: {  	v10 =	vadd.s32 v6, v10;
	_ =	sdelay $0x1  }
0x140: {  	v9 =	vperm.xlane v9, v7;
	_ =	sdelay $0x1  }
0x141: {  	s24 =	simm.s32 $0x12800;
	v9 =	vadd.s32 v6, v9  }
0x142: {  	[tilespmem:s24], [sflag:$0x4] =	stream.indirect_vreg.gather [hbm4b:s3+s2], $0x80, v10, vm0, $0xb8;
	[tilespmem:$0x1C800] =	vst v63  }
0x143: {  	s26 =	simm.s32 $0x13000  }
0x144: {  	[tilespmem:s26], [sflag:$0x4] =	stream.indirect_vreg.gather [hbm4b:s7+s2], $0x80, v10, vm0, $0xb8;
	[tilespmem:$0x1C800] =	vst v63  }
0x145: {  	s28 =	simm.s32 $0x13800  }
0x146: {  	[tilespmem:s28], [sflag:$0x4] =	stream.indirect_vreg.gather [hbm4b:s3+s2], $0x80, v9, vm0, $0xb8;
	[tilespmem:$0x1C800] =	vst v63  }
0x147: {  	s30 =	simm.s32 $0x14000  }
0x148: {  	[tilespmem:s30], [sflag:$0x4] =	stream.indirect_vreg.gather [hbm4b:s7+s2], $0x80, v9, vm0, $0xb8;
	[tilespmem:$0x1C800] =	vst v63  }
.LBB2_9:
0x149: {  	s15 =	simm.s32 $0x90;
	s20 =	simm.s32 $0x0  }
0x14a: {  	s0 =	simm.s32 $0x5800;
	s16 =	simm.s32 $0x6800;
	s19 =	simm.s32 $0x7000  }
0x14b: {  	s22 =	simm.s32 $0x7800;
	s26 =	simm.s32 $0x8000;
	s30 =	simm.s32 $0x8800  }
.LBB2_10:
0x14c: {  	s23 =	sadd.s32 $0x200, s20;
	v9 =	vld.idx.msk [tilespmem:v2+s18+$0x0], $0xffff  }
0x14d: {  	s24 =	sadd.s32 $0xFFFFFFF0, s15;
	s23 =	sand.u32 $0xF00, s23  }
0x14e: {  	s24 =	sand.u32 $0x20, s24;
	s23 =	sor.u32 s6, s23  }
0x14f: {  	s24 =	sor.u32 s24, s23  }
0x150: {  	s28 =	sand.u32 $0x30, s15;
	v10 =	vor.u32 s24, v1  }
0x151: {  	s23 =	sor.u32 s23, s28;
	vm1 =	vgt.s32 v9, v10  }
0x152: {  	v11 =	vor.u32 s23, v1;
	v12 =	vsel vm1, $0x0, v3  }
0x153: {  	vm1 =	vgt.s32 v9, v11;
	v13 =	vor.u32 $0x7F, v12  }
0x154: {  	v9 =	vsel vm1, $0x0, v3  }
0x155: {  	v14 =	vor.u32 $0x7F, v9;
	_ =	sdelay $0x2  }
0x156: {  	v13 =	vld.idx.msk [tilespmem:v13+s18+$0x0], $0xffff;
	_ =	sdelay $0x1  }
0x157: {  	v14 =	vld.idx.msk [tilespmem:v14+s18+$0x0], $0xffff;
	_ =	sdelay $0x2  }
0x158: {  	v29 =	vor.u32 $0x80, v12;
	vm1 =	vgt.s32 v13, v10  }
0x159: {  	v12 =	vsel vm1, v12, v29  }
0x15a: {  	v30 =	vor.u32 $0x80, v9;
	vm1 =	vgt.s32 v14, v11;
	v31 =	vor.u32 $0x3F, v12  }
0x15b: {  	v9 =	vsel vm1, v9, v30  }
0x15c: {  	v32 =	vor.u32 $0x3F, v9;
	_ =	sdelay $0x2  }
0x15d: {  	v13 =	vld.idx.msk [tilespmem:v31+s18+$0x0], $0xffff;
	_ =	sdelay $0x1  }
0x15e: {  	v14 =	vld.idx.msk [tilespmem:v32+s18+$0x0], $0xffff;
	_ =	sdelay $0x2  }
0x15f: {  	v33 =	vor.u32 $0x40, v12;
	vm1 =	vgt.s32 v13, v10  }
0x160: {  	v12 =	vsel vm1, v12, v33  }
0x161: {  	v34 =	vor.u32 $0x40, v9;
	vm1 =	vgt.s32 v14, v11;
	v35 =	vor.u32 $0x1F, v12  }
0x162: {  	v9 =	vsel vm1, v9, v34  }
0x163: {  	v36 =	vor.u32 $0x1F, v9;
	_ =	sdelay $0x2  }
0x164: {  	v13 =	vld.idx.msk [tilespmem:v35+s18+$0x0], $0xffff;
	_ =	sdelay $0x1  }
0x165: {  	v14 =	vld.idx.msk [tilespmem:v36+s18+$0x0], $0xffff;
	_ =	sdelay $0x2  }
0x166: {  	v37 =	vor.u32 $0x20, v12;
	vm1 =	vgt.s32 v13, v10  }
0x167: {  	v12 =	vsel vm1, v12, v37  }
0x168: {  	v38 =	vor.u32 $0x20, v9;
	vm1 =	vgt.s32 v14, v11;
	v39 =	vadd.s32 $0xF, v12  }
0x169: {  	v9 =	vsel vm1, v9, v38  }
0x16a: {  	v40 =	vadd.s32 $0xF, v9;
	_ =	sdelay $0x2  }
0x16b: {  	v13 =	vld.idx.msk [tilespmem:v39+s18+$0x0], $0xffff;
	_ =	sdelay $0x1  }
0x16c: {  	v14 =	vld.idx.msk [tilespmem:v40+s18+$0x0], $0xffff;
	_ =	sdelay $0x2  }
0x16d: {  	v41 =	vadd.s32 $0x10, v12;
	vm1 =	vgt.s32 v13, v10  }
0x16e: {  	v12 =	vsel vm1, v12, v41  }
0x16f: {  	v42 =	vadd.s32 $0x10, v9;
	vm1 =	vgt.s32 v14, v11;
	v43 =	vadd.s32 $0x7, v12  }
0x170: {  	v9 =	vsel vm1, v9, v42  }
0x171: {  	v44 =	vadd.s32 $0x7, v9;
	_ =	sdelay $0x2  }
0x172: {  	v13 =	vld.idx.msk [tilespmem:v43+s18+$0x0], $0xffff;
	_ =	sdelay $0x1  }
0x173: {  	v14 =	vld.idx.msk [tilespmem:v44+s18+$0x0], $0xffff;
	_ =	sdelay $0x2  }
0x174: {  	v45 =	vadd.s32 $0x8, v12;
	vm1 =	vgt.s32 v13, v10  }
0x175: {  	v12 =	vsel vm1, v12, v45  }
0x176: {  	v46 =	vadd.s32 $0x8, v9;
	vm1 =	vgt.s32 v14, v11;
	v47 =	vadd.s32 $0x3, v12  }
0x177: {  	v9 =	vsel vm1, v9, v46  }
0x178: {  	v48 =	vadd.s32 $0x3, v9;
	_ =	sdelay $0x2  }
0x179: {  	v13 =	vld.idx.msk [tilespmem:v47+s18+$0x0], $0xffff;
	_ =	sdelay $0x1  }
0x17a: {  	v14 =	vld.idx.msk [tilespmem:v48+s18+$0x0], $0xffff;
	_ =	sdelay $0x2  }
0x17b: {  	v49 =	vadd.s32 $0x4, v12;
	vm1 =	vgt.s32 v13, v10  }
0x17c: {  	v12 =	vsel vm1, v12, v49  }
0x17d: {  	v50 =	vadd.s32 $0x4, v9;
	vm1 =	vgt.s32 v14, v11;
	v51 =	vadd.s32 $0x1, v12  }
0x17e: {  	v9 =	vsel vm1, v9, v50  }
0x17f: {  	v52 =	vadd.s32 $0x1, v9;
	_ =	sdelay $0x2  }
0x180: {  	v13 =	vld.idx.msk [tilespmem:v51+s18+$0x0], $0xffff;
	_ =	sdelay $0x1  }
0x181: {  	v14 =	vld.idx.msk [tilespmem:v52+s18+$0x0], $0xffff;
	_ =	sdelay $0x2  }
0x182: {  	v53 =	vadd.s32 $0x2, v12;
	vm1 =	vgt.s32 v13, v10  }
0x183: {  	v12 =	vsel vm1, v12, v53  }
0x184: {  	v54 =	vadd.s32 $0x2, v9;
	vm1 =	vgt.s32 v14, v11  }
0x185: {  	v9 =	vsel vm1, v9, v54;
	_ =	sdelay $0x2  }
0x186: {  	v55 =	vld.idx.msk [tilespmem:v12+s18+$0x0], $0xffff;
	_ =	sdelay $0x1  }
0x187: {  	v56 =	vld.idx.msk [tilespmem:v9+s18+$0x0], $0xffff;
	_ =	sdelay $0x2  }
0x188: {  	vm1 =	vle.s32 v55, v10  }
0x189: {  	v13 =	vsel vm1, $0x1, v4  }
0x18a: {  	vm1 =	vle.s32 v56, v11;
	v12 =	vadd.s32 v13, v12  }
0x18b: {  	v57 =	vsel vm1, $0x1, v4  }
0x18c: {  	v9 =	vadd.s32 v57, v9;
	_ =	sdelay $0x2  }
0x18d: {  	v58 =	vld.idx.msk [tilespmem:v12+s18+$0x0], $0xffff;
	_ =	sdelay $0x1  }
0x18e: {  	v59 =	vld.idx.msk [tilespmem:v9+s18+$0x0], $0xffff;
	_ =	sdelay $0x2  }
0x18f: {  	vm1 =	vle.s32 v58, v10  }
0x190: {  	v13 =	vsel vm1, $0x1, v4  }
0x191: {  	v61 =	vand.u32 $0x2F, v10;
	vm1 =	vle.s32 v59, v11;
	v12 =	vadd.s32 v13, v12  }
0x192: {  	p2 =	sne.s32 s15, $0x3F0;
	v62 =	vor.u32 $0x1000, v61;
	v60 =	vsel vm1, $0x1, v4;
	v12 =	vmin.u32 v12, $0x1FF  }
.Ltmp6:
0x193: {  	vm1 =	vlt.s32 v10, v8;
	v9 =	vadd.s32 v60, v9;
	v10 =	vor.u32 v0, v12;
	(pc) =	sbr.rel @p2 .LBB2_10-.Ltmp6, $4  }
0x194: {  	v63 =	vand.u32 $0x3F, v11;
	v9 =	vmin.u32 v9, $0x1FF;
	v10 =	vsel vm1, v10, v62  }
0x195: {  	s28 =	sshra.s32 s20, $0x2;
	vm1 =	vlt.s32 v11, v8;
	v9 =	vor.u32 v0, v9;
	v11 =	vor.u32 $0x1000, v63  }
0x196: {  	v9 =	vsel vm1, v9, v11;
	[tilespmem:s28+$0x480] =	vst v10  }
0x197: {  	s15 =	sadd.s32 $0x20, s15;
	s20 =	sadd.s32 $0x80, s20;
	[tilespmem:s28+$0x490] =	vst v9  }
0x198: {  	s15 =	rddreg [dreg:$0x7]  }
0x199: {  	p2 =	sge.s32 s15, s14  }
.Ltmp7:
0x19a: {  	_ = 	snop;
	(pc) =	sbr.rel @p2 .LBB2_13-.Ltmp7, $1  }
0x19b: {  	_ =	sdelay $0x3  }
0x19c: {  	v8 =	vld [tilespmem:$0x480];
	_ =	sdelay $0x4  }
0x19d: {  	v9 =	vshll.u32 v8, $0x2  }
0x19e: {  	v8 =	vand.u32 $0x7, v8;
	v9 =	vand.u32 $0xFFFFFFE0, v9  }
0x19f: {  	v8 =	vor.u32 v8, v9  }
0x1a0: {  	v9 =	vperm.xlane v8, v5;
	_ =	sdelay $0x1  }
0x1a1: {  	v9 =	vadd.s32 v6, v9;
	_ =	sdelay $0x1  }
0x1a2: {  	v8 =	vperm.xlane v8, v7;
	_ =	sdelay $0x1  }
0x1a3: {  	s1 =	simm.s32 $0x14800;
	v8 =	vadd.s32 v6, v8  }
0x1a4: {  	[tilespmem:s1], [sflag:$0x5] =	stream.indirect_vreg.gather [hbm4b:s3+s2], $0x80, v9, vm0, $0xb8;
	[tilespmem:$0x1C800] =	vst v63  }
0x1a5: {  	s23 =	simm.s32 $0x15000  }
0x1a6: {  	[tilespmem:s23], [sflag:$0x5] =	stream.indirect_vreg.gather [hbm4b:s7+s2], $0x80, v9, vm0, $0xb8;
	[tilespmem:$0x1C800] =	vst v63  }
0x1a7: {  	s24 =	simm.s32 $0x15800  }
0x1a8: {  	[tilespmem:s24], [sflag:$0x5] =	stream.indirect_vreg.gather [hbm4b:s3+s2], $0x80, v8, vm0, $0xb8;
	[tilespmem:$0x1C800] =	vst v63  }
0x1a9: {  	s28 =	simm.s32 $0x16000  }
0x1aa: {  	[tilespmem:s28], [sflag:$0x5] =	stream.indirect_vreg.gather [hbm4b:s7+s2], $0x80, v8, vm0, $0xb8;
	[tilespmem:$0x1C800] =	vst v63  }
0x1ab: {  	v8 =	vld [tilespmem:$0x490];
	_ =	sdelay $0x4  }
0x1ac: {  	v61 =	vshll.u32 v8, $0x2  }
0x1ad: {  	v8 =	vand.u32 $0x7, v8;
	v9 =	vand.u32 $0xFFFFFFE0, v61  }
0x1ae: {  	v8 =	vor.u32 v8, v9  }
0x1af: {  	v9 =	vperm.xlane v8, v5;
	_ =	sdelay $0x1  }
0x1b0: {  	v9 =	vadd.s32 v6, v9;
	_ =	sdelay $0x1  }
0x1b1: {  	v8 =	vperm.xlane v8, v7;
	_ =	sdelay $0x1  }
0x1b2: {  	s13 =	simm.s32 $0x16800;
	v8 =	vadd.s32 v6, v8  }
0x1b3: {  	[tilespmem:s13], [sflag:$0x5] =	stream.indirect_vreg.gather [hbm4b:s3+s2], $0x80, v9, vm0, $0xb8;
	[tilespmem:$0x1C800] =	vst v63  }
0x1b4: {  	s15 =	simm.s32 $0x17000  }
0x1b5: {  	[tilespmem:s15], [sflag:$0x5] =	stream.indirect_vreg.gather [hbm4b:s7+s2], $0x80, v9, vm0, $0xb8;
	[tilespmem:$0x1C800] =	vst v63  }
0x1b6: {  	s20 =	simm.s32 $0x17800  }
0x1b7: {  	[tilespmem:s20], [sflag:$0x5] =	stream.indirect_vreg.gather [hbm4b:s3+s2], $0x80, v8, vm0, $0xb8;
	[tilespmem:$0x1C800] =	vst v63  }
0x1b8: {  	s23 =	simm.s32 $0x18000  }
0x1b9: {  	[tilespmem:s23], [sflag:$0x5] =	stream.indirect_vreg.gather [hbm4b:s7+s2], $0x80, v8, vm0, $0xb8;
	[tilespmem:$0x1C800] =	vst v63  }
0x1ba: {  	v8 =	vld [tilespmem:$0x4A0];
	_ =	sdelay $0x4  }
0x1bb: {  	v62 =	vshll.u32 v8, $0x2  }
0x1bc: {  	v8 =	vand.u32 $0x7, v8;
	v9 =	vand.u32 $0xFFFFFFE0, v62  }
0x1bd: {  	v8 =	vor.u32 v8, v9  }
0x1be: {  	v9 =	vperm.xlane v8, v5;
	_ =	sdelay $0x1  }
0x1bf: {  	v9 =	vadd.s32 v6, v9;
	_ =	sdelay $0x1  }
0x1c0: {  	v8 =	vperm.xlane v8, v7;
	_ =	sdelay $0x1  }
0x1c1: {  	s24 =	simm.s32 $0x18800;
	v8 =	vadd.s32 v6, v8  }
0x1c2: {  	[tilespmem:s24], [sflag:$0x5] =	stream.indirect_vreg.gather [hbm4b:s3+s2], $0x80, v9, vm0, $0xb8;
	[tilespmem:$0x1C800] =	vst v63  }
0x1c3: {  	s28 =	simm.s32 $0x19000  }
0x1c4: {  	[tilespmem:s28], [sflag:$0x5] =	stream.indirect_vreg.gather [hbm4b:s7+s2], $0x80, v9, vm0, $0xb8;
	[tilespmem:$0x1C800] =	vst v63  }
0x1c5: {  	s13 =	simm.s32 $0x19800  }
0x1c6: {  	[tilespmem:s13], [sflag:$0x5] =	stream.indirect_vreg.gather [hbm4b:s3+s2], $0x80, v8, vm0, $0xb8;
	[tilespmem:$0x1C800] =	vst v63  }
0x1c7: {  	s15 =	simm.s32 $0x1A000  }
0x1c8: {  	[tilespmem:s15], [sflag:$0x5] =	stream.indirect_vreg.gather [hbm4b:s7+s2], $0x80, v8, vm0, $0xb8;
	[tilespmem:$0x1C800] =	vst v63  }
0x1c9: {  	v8 =	vld [tilespmem:$0x4B0];
	_ =	sdelay $0x4  }
0x1ca: {  	v63 =	vshll.u32 v8, $0x2  }
0x1cb: {  	v8 =	vand.u32 $0x7, v8;
	v9 =	vand.u32 $0xFFFFFFE0, v63  }
0x1cc: {  	v8 =	vor.u32 v8, v9  }
0x1cd: {  	v9 =	vperm.xlane v8, v5;
	_ =	sdelay $0x1  }
0x1ce: {  	v9 =	vadd.s32 v6, v9;
	_ =	sdelay $0x1  }
0x1cf: {  	v8 =	vperm.xlane v8, v7;
	_ =	sdelay $0x1  }
0x1d0: {  	s20 =	simm.s32 $0x1A800;
	v8 =	vadd.s32 v6, v8  }
0x1d1: {  	[tilespmem:s20], [sflag:$0x5] =	stream.indirect_vreg.gather [hbm4b:s3+s2], $0x80, v9, vm0, $0xb8;
	[tilespmem:$0x1C800] =	vst v63  }
0x1d2: {  	s23 =	simm.s32 $0x1B000  }
0x1d3: {  	[tilespmem:s23], [sflag:$0x5] =	stream.indirect_vreg.gather [hbm4b:s7+s2], $0x80, v9, vm0, $0xb8;
	[tilespmem:$0x1C800] =	vst v63  }
0x1d4: {  	s24 =	simm.s32 $0x1B800  }
0x1d5: {  	[tilespmem:s24], [sflag:$0x5] =	stream.indirect_vreg.gather [hbm4b:s3+s2], $0x80, v8, vm0, $0xb8;
	[tilespmem:$0x1C800] =	vst v63  }
0x1d6: {  	s28 =	simm.s32 $0x1C000  }
0x1d7: {  	[tilespmem:s28], [sflag:$0x5] =	stream.indirect_vreg.gather [hbm4b:s7+s2], $0x80, v8, vm0, $0xb8;
	[tilespmem:$0x1C800] =	vst v63  }
.LBB2_13:
0x1d8: {  	s15 =	simm.s32 @p1 $0x0;
	s20 =	simm.s32 @p1 $0x800  }
0x1d9: {  	[hbm4b:s9+s15] =	stream.linear.scatter @p1 [tilespmem:s20], [sflag:$0x1], $0x4000, $0x38;
	[tilespmem:$0x1C800] =	vst v63  }
0x1da: {  	s23 =	rddreg [dreg:$0x8]  }
0x1db: {  	[hbm4b:s23+s15] =	stream.linear.scatter @p1 [tilespmem:s20], [sflag:$0x1], $0x4000, $0x38;
	[tilespmem:$0x1C800] =	vst v63  }
0x1dc: {  	s15 =	simm.s32 @!p1 $0x3  }
0x1dd: {  	_ =	swait.ge @!p1 [sflag:s15], $0x8000  }
0x1de: {  	[sflag:s15] =	ssyncset.done @!p1 $0x0  }
0x1df: {  	s20 =	simm.s32 @!p1 $0x4800;
	[sflag:s15] =	ssyncadd.s32 @!p1 $0xFFFF8000;
	s15 =	simm.s32 @!p1 $0x0  }
0x1e0: {  	[hbm4b:s9+s15] =	stream.linear.scatter @!p1 [tilespmem:s20], [sflag:$0x1], $0x8000, $0x38;
	[tilespmem:$0x1C800] =	vst v63  }
0x1e1: {  	_ =	swait.ge [sflag:s5], $0x8000  }
0x1e2: {  	s24 =	rddreg [dreg:$0x9]  }
0x1e3: {  	p1 =	sge.s32 s24, s14  }
.Ltmp8:
0x1e4: {  	_ = 	snop;
	(pc) =	sbr.rel @p1 .LBB2_15-.Ltmp8, $3  }
0x1e5: {  	_ =	sdelay $0x1  }
0x1e6: {  	[sflag:s5] =	ssyncset.done $0x0  }
0x1e7: {  	s28 =	simm.s32 $0x6000;
	[sflag:s5] =	ssyncadd.s32 $0xFFFF8000;
	s24 =	simm.s32 $0x5000  }
0x1e8: {  	v8 =	vld [tilespmem:$0x4C0];
	_ =	sdelay $0x4  }
0x1e9: {  	v9 =	vshll.u32 v8, $0x2  }
0x1ea: {  	v8 =	vand.u32 $0x7, v8;
	v9 =	vand.u32 $0xFFFFFFE0, v9  }
0x1eb: {  	v8 =	vor.u32 v8, v9  }
0x1ec: {  	v9 =	vperm.xlane v8, v5;
	_ =	sdelay $0x1  }
0x1ed: {  	v9 =	vadd.s32 v6, v9;
	_ =	sdelay $0x1  }
0x1ee: {  	v8 =	vperm.xlane v8, v7;
	_ =	sdelay $0x1  }
0x1ef: {  	v8 =	vadd.s32 v6, v8  }
0x1f0: {  	[tilespmem:s29], [sflag:$0x3] =	stream.indirect_vreg.gather [hbm4b:s3+s2], $0x80, v9, vm0, $0xb8;
	[tilespmem:$0x1C800] =	vst v63  }
0x1f1: {  	_ = 	snop  }
0x1f2: {  	[tilespmem:s24], [sflag:$0x3] =	stream.indirect_vreg.gather [hbm4b:s7+s2], $0x80, v9, vm0, $0xb8;
	[tilespmem:$0x1C800] =	vst v63  }
0x1f3: {  	_ = 	snop  }
0x1f4: {  	[tilespmem:s0], [sflag:$0x3] =	stream.indirect_vreg.gather [hbm4b:s3+s2], $0x80, v8, vm0, $0xb8;
	[tilespmem:$0x1C800] =	vst v63  }
0x1f5: {  	_ = 	snop  }
0x1f6: {  	[tilespmem:s28], [sflag:$0x3] =	stream.indirect_vreg.gather [hbm4b:s7+s2], $0x80, v8, vm0, $0xb8;
	[tilespmem:$0x1C800] =	vst v63  }
0x1f7: {  	v8 =	vld [tilespmem:$0x4D0];
	_ =	sdelay $0x4  }
0x1f8: {  	v61 =	vshll.u32 v8, $0x2  }
0x1f9: {  	v8 =	vand.u32 $0x7, v8;
	v9 =	vand.u32 $0xFFFFFFE0, v61  }
0x1fa: {  	v8 =	vor.u32 v8, v9  }
0x1fb: {  	v9 =	vperm.xlane v8, v5;
	_ =	sdelay $0x1  }
0x1fc: {  	v9 =	vadd.s32 v6, v9;
	_ =	sdelay $0x1  }
0x1fd: {  	v8 =	vperm.xlane v8, v7;
	_ =	sdelay $0x1  }
0x1fe: {  	v8 =	vadd.s32 v6, v8  }
0x1ff: {  	[tilespmem:s16], [sflag:$0x3] =	stream.indirect_vreg.gather [hbm4b:s3+s2], $0x80, v9, vm0, $0xb8;
	[tilespmem:$0x1C800] =	vst v63  }
0x200: {  	_ = 	snop  }
0x201: {  	[tilespmem:s19], [sflag:$0x3] =	stream.indirect_vreg.gather [hbm4b:s7+s2], $0x80, v9, vm0, $0xb8;
	[tilespmem:$0x1C800] =	vst v63  }
0x202: {  	_ = 	snop  }
0x203: {  	[tilespmem:s22], [sflag:$0x3] =	stream.indirect_vreg.gather [hbm4b:s3+s2], $0x80, v8, vm0, $0xb8;
	[tilespmem:$0x1C800] =	vst v63  }
0x204: {  	_ = 	snop  }
0x205: {  	[tilespmem:s26], [sflag:$0x3] =	stream.indirect_vreg.gather [hbm4b:s7+s2], $0x80, v8, vm0, $0xb8;
	[tilespmem:$0x1C800] =	vst v63  }
0x206: {  	v8 =	vld [tilespmem:$0x4E0];
	_ =	sdelay $0x4  }
0x207: {  	v62 =	vshll.u32 v8, $0x2  }
0x208: {  	v8 =	vand.u32 $0x7, v8;
	v9 =	vand.u32 $0xFFFFFFE0, v62  }
0x209: {  	v8 =	vor.u32 v8, v9  }
0x20a: {  	v9 =	vperm.xlane v8, v5;
	_ =	sdelay $0x1  }
0x20b: {  	v9 =	vadd.s32 v6, v9;
	_ =	sdelay $0x1  }
0x20c: {  	v8 =	vperm.xlane v8, v7;
	_ =	sdelay $0x1  }
0x20d: {  	v8 =	vadd.s32 v6, v8  }
0x20e: {  	[tilespmem:s30], [sflag:$0x3] =	stream.indirect_vreg.gather [hbm4b:s3+s2], $0x80, v9, vm0, $0xb8;
	[tilespmem:$0x1C800] =	vst v63  }
0x20f: {  	s1 =	simm.s32 $0x9000  }
0x210: {  	[tilespmem:s1], [sflag:$0x3] =	stream.indirect_vreg.gather [hbm4b:s7+s2], $0x80, v9, vm0, $0xb8;
	[tilespmem:$0x1C800] =	vst v63  }
0x211: {  	s20 =	simm.s32 $0x9800  }
0x212: {  	[tilespmem:s20], [sflag:$0x3] =	stream.indirect_vreg.gather [hbm4b:s3+s2], $0x80, v8, vm0, $0xb8;
	[tilespmem:$0x1C800] =	vst v63  }
0x213: {  	s23 =	simm.s32 $0xA000  }
0x214: {  	[tilespmem:s23], [sflag:$0x3] =	stream.indirect_vreg.gather [hbm4b:s7+s2], $0x80, v8, vm0, $0xb8;
	[tilespmem:$0x1C800] =	vst v63  }
0x215: {  	v8 =	vld [tilespmem:$0x4F0];
	_ =	sdelay $0x4  }
0x216: {  	v63 =	vshll.u32 v8, $0x2  }
0x217: {  	v8 =	vand.u32 $0x7, v8;
	v9 =	vand.u32 $0xFFFFFFE0, v63  }
0x218: {  	v8 =	vor.u32 v8, v9  }
0x219: {  	v9 =	vperm.xlane v8, v5;
	_ =	sdelay $0x1  }
0x21a: {  	v9 =	vadd.s32 v6, v9;
	_ =	sdelay $0x1  }
0x21b: {  	v8 =	vperm.xlane v8, v7;
	_ =	sdelay $0x1  }
0x21c: {  	s13 =	simm.s32 $0xA800;
	v8 =	vadd.s32 v6, v8  }
0x21d: {  	[tilespmem:s13], [sflag:$0x3] =	stream.indirect_vreg.gather [hbm4b:s3+s2], $0x80, v9, vm0, $0xb8;
	[tilespmem:$0x1C800] =	vst v63  }
0x21e: {  	s15 =	simm.s32 $0xB000  }
0x21f: {  	[tilespmem:s15], [sflag:$0x3] =	stream.indirect_vreg.gather [hbm4b:s7+s2], $0x80, v9, vm0, $0xb8;
	[tilespmem:$0x1C800] =	vst v63  }
0x220: {  	s20 =	simm.s32 $0xB800  }
0x221: {  	[tilespmem:s20], [sflag:$0x3] =	stream.indirect_vreg.gather [hbm4b:s3+s2], $0x80, v8, vm0, $0xb8;
	[tilespmem:$0x1C800] =	vst v63  }
0x222: {  	s23 =	simm.s32 $0xC000  }
0x223: {  	[tilespmem:s23], [sflag:$0x3] =	stream.indirect_vreg.gather [hbm4b:s7+s2], $0x80, v8, vm0, $0xb8;
	[tilespmem:$0x1C800] =	vst v63  }
.LBB2_15:
0x224: {  	s13 =	sld [smem:$0x7F1];
	_ =	sdelay $0x1  }
0x225: {  	s15 =	simm.s32 @p0 $0x0;
	s20 =	simm.s32 @p0 $0x800  }
0x226: {  	[hbm4b:s13+s15] =	stream.linear.scatter @p0 [tilespmem:s20], [sflag:$0x1], $0x4000, $0x38;
	[tilespmem:$0x1C800] =	vst v63  }
0x227: {  	s23 =	rddreg [dreg:$0xa]  }
0x228: {  	[hbm4b:s23+s15] =	stream.linear.scatter @p0 [tilespmem:s20], [sflag:$0x1], $0x4000, $0x38;
	[tilespmem:$0x1C800] =	vst v63  }
0x229: {  	s15 =	simm.s32 @!p0 $0x4  }
0x22a: {  	_ =	swait.ge @!p0 [sflag:s15], $0x8000  }
0x22b: {  	[sflag:s15] =	ssyncset.done @!p0 $0x0  }
0x22c: {  	s20 =	simm.s32 @!p0 $0xC800;
	[sflag:s15] =	ssyncadd.s32 @!p0 $0xFFFF8000;
	s15 =	simm.s32 @!p0 $0x0  }
0x22d: {  	[hbm4b:s13+s15] =	stream.linear.scatter @!p0 [tilespmem:s20], [sflag:$0x1], $0x8000, $0x38;
	[tilespmem:$0x1C800] =	vst v63  }
0x22e: {  	_ =	swait.ge [sflag:s5], $0x8000  }
0x22f: {  	s23 =	rddreg [dreg:$0xb]  }
0x230: {  	p0 =	sge.s32 s23, s14  }
.Ltmp9:
0x231: {  	_ = 	snop;
	(pc) =	sbr.rel @p0 .LBB2_17-.Ltmp9, $3  }
0x232: {  	_ =	sdelay $0x1  }
0x233: {  	[sflag:s5] =	ssyncset.done $0x0  }
0x234: {  	[sflag:s5] =	ssyncadd.s32 $0xFFFF8000  }
0x235: {  	v8 =	vld [tilespmem:$0x500];
	_ =	sdelay $0x4  }
0x236: {  	v9 =	vshll.u32 v8, $0x2  }
0x237: {  	v8 =	vand.u32 $0x7, v8;
	v9 =	vand.u32 $0xFFFFFFE0, v9  }
0x238: {  	v8 =	vor.u32 v8, v9  }
0x239: {  	v9 =	vperm.xlane v8, v5;
	_ =	sdelay $0x1  }
0x23a: {  	v9 =	vadd.s32 v6, v9;
	_ =	sdelay $0x1  }
0x23b: {  	v8 =	vperm.xlane v8, v7;
	_ =	sdelay $0x1  }
0x23c: {  	s1 =	simm.s32 $0xC800;
	v8 =	vadd.s32 v6, v8  }
0x23d: {  	[tilespmem:s1], [sflag:$0x4] =	stream.indirect_vreg.gather [hbm4b:s3+s2], $0x80, v9, vm0, $0xb8;
	[tilespmem:$0x1C800] =	vst v63  }
0x23e: {  	s15 =	simm.s32 $0xD000  }
0x23f: {  	[tilespmem:s15], [sflag:$0x4] =	stream.indirect_vreg.gather [hbm4b:s7+s2], $0x80, v9, vm0, $0xb8;
	[tilespmem:$0x1C800] =	vst v63  }
0x240: {  	s20 =	simm.s32 $0xD800  }
0x241: {  	[tilespmem:s20], [sflag:$0x4] =	stream.indirect_vreg.gather [hbm4b:s3+s2], $0x80, v8, vm0, $0xb8;
	[tilespmem:$0x1C800] =	vst v63  }
0x242: {  	s23 =	simm.s32 $0xE000  }
0x243: {  	[tilespmem:s23], [sflag:$0x4] =	stream.indirect_vreg.gather [hbm4b:s7+s2], $0x80, v8, vm0, $0xb8;
	[tilespmem:$0x1C800] =	vst v63  }
0x244: {  	v8 =	vld [tilespmem:$0x510];
	_ =	sdelay $0x4  }
0x245: {  	v61 =	vshll.u32 v8, $0x2  }
0x246: {  	v8 =	vand.u32 $0x7, v8;
	v9 =	vand.u32 $0xFFFFFFE0, v61  }
0x247: {  	v8 =	vor.u32 v8, v9  }
0x248: {  	v9 =	vperm.xlane v8, v5;
	_ =	sdelay $0x1  }
0x249: {  	v9 =	vadd.s32 v6, v9;
	_ =	sdelay $0x1  }
0x24a: {  	v8 =	vperm.xlane v8, v7;
	_ =	sdelay $0x1  }
0x24b: {  	s13 =	simm.s32 $0xE800;
	v8 =	vadd.s32 v6, v8  }
0x24c: {  	[tilespmem:s13], [sflag:$0x4] =	stream.indirect_vreg.gather [hbm4b:s3+s2], $0x80, v9, vm0, $0xb8;
	[tilespmem:$0x1C800] =	vst v63  }
0x24d: {  	s15 =	simm.s32 $0xF000  }
0x24e: {  	[tilespmem:s15], [sflag:$0x4] =	stream.indirect_vreg.gather [hbm4b:s7+s2], $0x80, v9, vm0, $0xb8;
	[tilespmem:$0x1C800] =	vst v63  }
0x24f: {  	s20 =	simm.s32 $0xF800  }
0x250: {  	[tilespmem:s20], [sflag:$0x4] =	stream.indirect_vreg.gather [hbm4b:s3+s2], $0x80, v8, vm0, $0xb8;
	[tilespmem:$0x1C800] =	vst v63  }
0x251: {  	s23 =	simm.s32 $0x10000  }
0x252: {  	[tilespmem:s23], [sflag:$0x4] =	stream.indirect_vreg.gather [hbm4b:s7+s2], $0x80, v8, vm0, $0xb8;
	[tilespmem:$0x1C800] =	vst v63  }
0x253: {  	v8 =	vld [tilespmem:$0x520];
	_ =	sdelay $0x4  }
0x254: {  	v62 =	vshll.u32 v8, $0x2  }
0x255: {  	v8 =	vand.u32 $0x7, v8;
	v9 =	vand.u32 $0xFFFFFFE0, v62  }
0x256: {  	v8 =	vor.u32 v8, v9  }
0x257: {  	v9 =	vperm.xlane v8, v5;
	_ =	sdelay $0x1  }
0x258: {  	v9 =	vadd.s32 v6, v9;
	_ =	sdelay $0x1  }
0x259: {  	v8 =	vperm.xlane v8, v7;
	_ =	sdelay $0x1  }
0x25a: {  	s13 =	simm.s32 $0x10800;
	v8 =	vadd.s32 v6, v8  }
0x25b: {  	[tilespmem:s13], [sflag:$0x4] =	stream.indirect_vreg.gather [hbm4b:s3+s2], $0x80, v9, vm0, $0xb8;
	[tilespmem:$0x1C800] =	vst v63  }
0x25c: {  	s15 =	simm.s32 $0x11000  }
0x25d: {  	[tilespmem:s15], [sflag:$0x4] =	stream.indirect_vreg.gather [hbm4b:s7+s2], $0x80, v9, vm0, $0xb8;
	[tilespmem:$0x1C800] =	vst v63  }
0x25e: {  	s20 =	simm.s32 $0x11800  }
0x25f: {  	[tilespmem:s20], [sflag:$0x4] =	stream.indirect_vreg.gather [hbm4b:s3+s2], $0x80, v8, vm0, $0xb8;
	[tilespmem:$0x1C800] =	vst v63  }
0x260: {  	s23 =	simm.s32 $0x12000  }
0x261: {  	[tilespmem:s23], [sflag:$0x4] =	stream.indirect_vreg.gather [hbm4b:s7+s2], $0x80, v8, vm0, $0xb8;
	[tilespmem:$0x1C800] =	vst v63  }
0x262: {  	v8 =	vld [tilespmem:$0x530];
	_ =	sdelay $0x4  }
0x263: {  	v63 =	vshll.u32 v8, $0x2  }
0x264: {  	v8 =	vand.u32 $0x7, v8;
	v9 =	vand.u32 $0xFFFFFFE0, v63  }
0x265: {  	v8 =	vor.u32 v8, v9  }
0x266: {  	v9 =	vperm.xlane v8, v5;
	_ =	sdelay $0x1  }
0x267: {  	v9 =	vadd.s32 v6, v9;
	_ =	sdelay $0x1  }
0x268: {  	v8 =	vperm.xlane v8, v7;
	_ =	sdelay $0x1  }
0x269: {  	s13 =	simm.s32 $0x12800;
	v8 =	vadd.s32 v6, v8  }
0x26a: {  	[tilespmem:s13], [sflag:$0x4] =	stream.indirect_vreg.gather [hbm4b:s3+s2], $0x80, v9, vm0, $0xb8;
	[tilespmem:$0x1C800] =	vst v63  }
0x26b: {  	s15 =	simm.s32 $0x13000  }
0x26c: {  	[tilespmem:s15], [sflag:$0x4] =	stream.indirect_vreg.gather [hbm4b:s7+s2], $0x80, v9, vm0, $0xb8;
	[tilespmem:$0x1C800] =	vst v63  }
0x26d: {  	s20 =	simm.s32 $0x13800  }
0x26e: {  	[tilespmem:s20], [sflag:$0x4] =	stream.indirect_vreg.gather [hbm4b:s3+s2], $0x80, v8, vm0, $0xb8;
	[tilespmem:$0x1C800] =	vst v63  }
0x26f: {  	s23 =	simm.s32 $0x14000  }
0x270: {  	[tilespmem:s23], [sflag:$0x4] =	stream.indirect_vreg.gather [hbm4b:s7+s2], $0x80, v8, vm0, $0xb8;
	[tilespmem:$0x1C800] =	vst v63  }
.LBB2_17:
0x271: {  	s13 =	sld [smem:$0x7F2];
	_ =	sdelay $0x1  }
0x272: {  	s15 =	simm.s32 @p2 $0x0;
	s20 =	simm.s32 @p2 $0x800  }
0x273: {  	[hbm4b:s13+s15] =	stream.linear.scatter @p2 [tilespmem:s20], [sflag:$0x1], $0x4000, $0x38;
	[tilespmem:$0x1C800] =	vst v63  }
0x274: {  	s23 =	rddreg [dreg:$0xc]  }
0x275: {  	[hbm4b:s23+s15] =	stream.linear.scatter @p2 [tilespmem:s20], [sflag:$0x1], $0x4000, $0x38;
	[tilespmem:$0x1C800] =	vst v63  }
0x276: {  	s15 =	simm.s32 @!p2 $0x5  }
0x277: {  	_ =	swait.ge @!p2 [sflag:s15], $0x8000  }
0x278: {  	[sflag:s15] =	ssyncset.done @!p2 $0x0  }
0x279: {  	s20 =	simm.s32 @!p2 $0x14800;
	[sflag:s15] =	ssyncadd.s32 @!p2 $0xFFFF8000;
	s15 =	simm.s32 @!p2 $0x0  }
0x27a: {  	[hbm4b:s13+s15] =	stream.linear.scatter @!p2 [tilespmem:s20], [sflag:$0x1], $0x8000, $0x38;
	[tilespmem:$0x1C800] =	vst v63  }
0x27b: {  	_ =	swait.ge [sflag:s5], $0x8000  }
0x27c: {  	s23 =	rddreg [dreg:$0xd]  }
0x27d: {  	p2 =	sge.s32 s23, s14  }
.Ltmp10:
0x27e: {  	_ = 	snop;
	(pc) =	sbr.rel @p2 .LBB2_19-.Ltmp10, $3  }
0x27f: {  	_ =	sdelay $0x1  }
0x280: {  	[sflag:s5] =	ssyncset.done $0x0  }
0x281: {  	[sflag:s5] =	ssyncadd.s32 $0xFFFF8000  }
0x282: {  	v8 =	vld [tilespmem:$0x540];
	_ =	sdelay $0x4  }
0x283: {  	v9 =	vshll.u32 v8, $0x2  }
0x284: {  	v8 =	vand.u32 $0x7, v8;
	v9 =	vand.u32 $0xFFFFFFE0, v9  }
0x285: {  	v8 =	vor.u32 v8, v9  }
0x286: {  	v9 =	vperm.xlane v8, v5;
	_ =	sdelay $0x1  }
0x287: {  	v9 =	vadd.s32 v6, v9;
	_ =	sdelay $0x1  }
0x288: {  	v8 =	vperm.xlane v8, v7;
	_ =	sdelay $0x1  }
0x289: {  	s1 =	simm.s32 $0x14800;
	v8 =	vadd.s32 v6, v8  }
0x28a: {  	[tilespmem:s1], [sflag:$0x5] =	stream.indirect_vreg.gather [hbm4b:s3+s2], $0x80, v9, vm0, $0xb8;
	[tilespmem:$0x1C800] =	vst v63  }
0x28b: {  	s15 =	simm.s32 $0x15000  }
0x28c: {  	[tilespmem:s15], [sflag:$0x5] =	stream.indirect_vreg.gather [hbm4b:s7+s2], $0x80, v9, vm0, $0xb8;
	[tilespmem:$0x1C800] =	vst v63  }
0x28d: {  	s20 =	simm.s32 $0x15800  }
0x28e: {  	[tilespmem:s20], [sflag:$0x5] =	stream.indirect_vreg.gather [hbm4b:s3+s2], $0x80, v8, vm0, $0xb8;
	[tilespmem:$0x1C800] =	vst v63  }
0x28f: {  	s23 =	simm.s32 $0x16000  }
0x290: {  	[tilespmem:s23], [sflag:$0x5] =	stream.indirect_vreg.gather [hbm4b:s7+s2], $0x80, v8, vm0, $0xb8;
	[tilespmem:$0x1C800] =	vst v63  }
0x291: {  	v8 =	vld [tilespmem:$0x550];
	_ =	sdelay $0x4  }
0x292: {  	v61 =	vshll.u32 v8, $0x2  }
0x293: {  	v8 =	vand.u32 $0x7, v8;
	v9 =	vand.u32 $0xFFFFFFE0, v61  }
0x294: {  	v8 =	vor.u32 v8, v9  }
0x295: {  	v9 =	vperm.xlane v8, v5;
	_ =	sdelay $0x1  }
0x296: {  	v9 =	vadd.s32 v6, v9;
	_ =	sdelay $0x1  }
0x297: {  	v8 =	vperm.xlane v8, v7;
	_ =	sdelay $0x1  }
0x298: {  	s13 =	simm.s32 $0x16800;
	v8 =	vadd.s32 v6, v8  }
0x299: {  	[tilespmem:s13], [sflag:$0x5] =	stream.indirect_vreg.gather [hbm4b:s3+s2], $0x80, v9, vm0, $0xb8;
	[tilespmem:$0x1C800] =	vst v63  }
0x29a: {  	s15 =	simm.s32 $0x17000  }
0x29b: {  	[tilespmem:s15], [sflag:$0x5] =	stream.indirect_vreg.gather [hbm4b:s7+s2], $0x80, v9, vm0, $0xb8;
	[tilespmem:$0x1C800] =	vst v63  }
0x29c: {  	s20 =	simm.s32 $0x17800  }
0x29d: {  	[tilespmem:s20], [sflag:$0x5] =	stream.indirect_vreg.gather [hbm4b:s3+s2], $0x80, v8, vm0, $0xb8;
	[tilespmem:$0x1C800] =	vst v63  }
0x29e: {  	s23 =	simm.s32 $0x18000  }
0x29f: {  	[tilespmem:s23], [sflag:$0x5] =	stream.indirect_vreg.gather [hbm4b:s7+s2], $0x80, v8, vm0, $0xb8;
	[tilespmem:$0x1C800] =	vst v63  }
0x2a0: {  	v8 =	vld [tilespmem:$0x560];
	_ =	sdelay $0x4  }
0x2a1: {  	v62 =	vshll.u32 v8, $0x2  }
0x2a2: {  	v8 =	vand.u32 $0x7, v8;
	v9 =	vand.u32 $0xFFFFFFE0, v62  }
0x2a3: {  	v8 =	vor.u32 v8, v9  }
0x2a4: {  	v9 =	vperm.xlane v8, v5;
	_ =	sdelay $0x1  }
0x2a5: {  	v9 =	vadd.s32 v6, v9;
	_ =	sdelay $0x1  }
0x2a6: {  	v8 =	vperm.xlane v8, v7;
	_ =	sdelay $0x1  }
0x2a7: {  	s13 =	simm.s32 $0x18800;
	v8 =	vadd.s32 v6, v8  }
0x2a8: {  	[tilespmem:s13], [sflag:$0x5] =	stream.indirect_vreg.gather [hbm4b:s3+s2], $0x80, v9, vm0, $0xb8;
	[tilespmem:$0x1C800] =	vst v63  }
0x2a9: {  	s15 =	simm.s32 $0x19000  }
0x2aa: {  	[tilespmem:s15], [sflag:$0x5] =	stream.indirect_vreg.gather [hbm4b:s7+s2], $0x80, v9, vm0, $0xb8;
	[tilespmem:$0x1C800] =	vst v63  }
0x2ab: {  	s20 =	simm.s32 $0x19800  }
0x2ac: {  	[tilespmem:s20], [sflag:$0x5] =	stream.indirect_vreg.gather [hbm4b:s3+s2], $0x80, v8, vm0, $0xb8;
	[tilespmem:$0x1C800] =	vst v63  }
0x2ad: {  	s23 =	simm.s32 $0x1A000  }
0x2ae: {  	[tilespmem:s23], [sflag:$0x5] =	stream.indirect_vreg.gather [hbm4b:s7+s2], $0x80, v8, vm0, $0xb8;
	[tilespmem:$0x1C800] =	vst v63  }
0x2af: {  	v8 =	vld [tilespmem:$0x570];
	_ =	sdelay $0x4  }
0x2b0: {  	v63 =	vshll.u32 v8, $0x2  }
0x2b1: {  	v8 =	vand.u32 $0x7, v8;
	v9 =	vand.u32 $0xFFFFFFE0, v63  }
0x2b2: {  	v8 =	vor.u32 v8, v9  }
0x2b3: {  	v9 =	vperm.xlane v8, v5;
	_ =	sdelay $0x1  }
0x2b4: {  	v9 =	vadd.s32 v6, v9;
	_ =	sdelay $0x1  }
0x2b5: {  	v8 =	vperm.xlane v8, v7;
	_ =	sdelay $0x1  }
0x2b6: {  	s13 =	simm.s32 $0x1A800;
	v8 =	vadd.s32 v6, v8  }
0x2b7: {  	[tilespmem:s13], [sflag:$0x5] =	stream.indirect_vreg.gather [hbm4b:s3+s2], $0x80, v9, vm0, $0xb8;
	[tilespmem:$0x1C800] =	vst v63  }
0x2b8: {  	s15 =	simm.s32 $0x1B000  }
0x2b9: {  	[tilespmem:s15], [sflag:$0x5] =	stream.indirect_vreg.gather [hbm4b:s7+s2], $0x80, v9, vm0, $0xb8;
	[tilespmem:$0x1C800] =	vst v63  }
0x2ba: {  	s20 =	simm.s32 $0x1B800  }
0x2bb: {  	[tilespmem:s20], [sflag:$0x5] =	stream.indirect_vreg.gather [hbm4b:s3+s2], $0x80, v8, vm0, $0xb8;
	[tilespmem:$0x1C800] =	vst v63  }
0x2bc: {  	s23 =	simm.s32 $0x1C000  }
0x2bd: {  	[tilespmem:s23], [sflag:$0x5] =	stream.indirect_vreg.gather [hbm4b:s7+s2], $0x80, v8, vm0, $0xb8;
	[tilespmem:$0x1C800] =	vst v63  }
.LBB2_19:
0x2be: {  	s13 =	sld [smem:$0x7F3];
	_ =	sdelay $0x1  }
0x2bf: {  	s15 =	simm.s32 @p1 $0x0;
	s20 =	simm.s32 @p1 $0x800  }
0x2c0: {  	[hbm4b:s13+s15] =	stream.linear.scatter @p1 [tilespmem:s20], [sflag:$0x1], $0x4000, $0x38;
	[tilespmem:$0x1C800] =	vst v63  }
0x2c1: {  	s23 =	rddreg [dreg:$0xe]  }
0x2c2: {  	[hbm4b:s23+s15] =	stream.linear.scatter @p1 [tilespmem:s20], [sflag:$0x1], $0x4000, $0x38;
	[tilespmem:$0x1C800] =	vst v63  }
0x2c3: {  	s15 =	simm.s32 @!p1 $0x3  }
0x2c4: {  	_ =	swait.ge @!p1 [sflag:s15], $0x8000  }
0x2c5: {  	[sflag:s15] =	ssyncset.done @!p1 $0x0  }
0x2c6: {  	s20 =	simm.s32 @!p1 $0x4800;
	[sflag:s15] =	ssyncadd.s32 @!p1 $0xFFFF8000;
	s15 =	simm.s32 @!p1 $0x0  }
0x2c7: {  	[hbm4b:s13+s15] =	stream.linear.scatter @!p1 [tilespmem:s20], [sflag:$0x1], $0x8000, $0x38;
	[tilespmem:$0x1C800] =	vst v63  }
0x2c8: {  	_ =	swait.ge [sflag:s5], $0x8000  }
0x2c9: {  	s23 =	rddreg [dreg:$0xf]  }
0x2ca: {  	p1 =	sge.s32 s23, s14  }
.Ltmp11:
0x2cb: {  	_ = 	snop;
	(pc) =	sbr.rel @p1 .LBB2_21-.Ltmp11, $3  }
0x2cc: {  	_ =	sdelay $0x1  }
0x2cd: {  	[sflag:s5] =	ssyncset.done $0x0  }
0x2ce: {  	[sflag:s5] =	ssyncadd.s32 $0xFFFF8000  }
0x2cf: {  	v8 =	vld [tilespmem:$0x580];
	_ =	sdelay $0x4  }
0x2d0: {  	v9 =	vshll.u32 v8, $0x2  }
0x2d1: {  	v8 =	vand.u32 $0x7, v8;
	v9 =	vand.u32 $0xFFFFFFE0, v9  }
0x2d2: {  	v8 =	vor.u32 v8, v9  }
0x2d3: {  	v9 =	vperm.xlane v8, v5;
	_ =	sdelay $0x1  }
0x2d4: {  	v9 =	vadd.s32 v6, v9;
	_ =	sdelay $0x1  }
0x2d5: {  	v8 =	vperm.xlane v8, v7;
	_ =	sdelay $0x1  }
0x2d6: {  	v8 =	vadd.s32 v6, v8  }
0x2d7: {  	[tilespmem:s29], [sflag:$0x3] =	stream.indirect_vreg.gather [hbm4b:s3+s2], $0x80, v9, vm0, $0xb8;
	[tilespmem:$0x1C800] =	vst v63  }
0x2d8: {  	_ = 	snop  }
0x2d9: {  	[tilespmem:s24], [sflag:$0x3] =	stream.indirect_vreg.gather [hbm4b:s7+s2], $0x80, v9, vm0, $0xb8;
	[tilespmem:$0x1C800] =	vst v63  }
0x2da: {  	_ = 	snop  }
0x2db: {  	[tilespmem:s0], [sflag:$0x3] =	stream.indirect_vreg.gather [hbm4b:s3+s2], $0x80, v8, vm0, $0xb8;
	[tilespmem:$0x1C800] =	vst v63  }
0x2dc: {  	_ = 	snop  }
0x2dd: {  	[tilespmem:s28], [sflag:$0x3] =	stream.indirect_vreg.gather [hbm4b:s7+s2], $0x80, v8, vm0, $0xb8;
	[tilespmem:$0x1C800] =	vst v63  }
0x2de: {  	v8 =	vld [tilespmem:$0x590];
	_ =	sdelay $0x4  }
0x2df: {  	v61 =	vshll.u32 v8, $0x2  }
0x2e0: {  	v8 =	vand.u32 $0x7, v8;
	v9 =	vand.u32 $0xFFFFFFE0, v61  }
0x2e1: {  	v8 =	vor.u32 v8, v9  }
0x2e2: {  	v9 =	vperm.xlane v8, v5;
	_ =	sdelay $0x1  }
0x2e3: {  	v9 =	vadd.s32 v6, v9;
	_ =	sdelay $0x1  }
0x2e4: {  	v8 =	vperm.xlane v8, v7;
	_ =	sdelay $0x1  }
0x2e5: {  	v8 =	vadd.s32 v6, v8  }
0x2e6: {  	[tilespmem:s16], [sflag:$0x3] =	stream.indirect_vreg.gather [hbm4b:s3+s2], $0x80, v9, vm0, $0xb8;
	[tilespmem:$0x1C800] =	vst v63  }
0x2e7: {  	_ = 	snop  }
0x2e8: {  	[tilespmem:s19], [sflag:$0x3] =	stream.indirect_vreg.gather [hbm4b:s7+s2], $0x80, v9, vm0, $0xb8;
	[tilespmem:$0x1C800] =	vst v63  }
0x2e9: {  	_ = 	snop  }
0x2ea: {  	[tilespmem:s22], [sflag:$0x3] =	stream.indirect_vreg.gather [hbm4b:s3+s2], $0x80, v8, vm0, $0xb8;
	[tilespmem:$0x1C800] =	vst v63  }
0x2eb: {  	_ = 	snop  }
0x2ec: {  	[tilespmem:s26], [sflag:$0x3] =	stream.indirect_vreg.gather [hbm4b:s7+s2], $0x80, v8, vm0, $0xb8;
	[tilespmem:$0x1C800] =	vst v63  }
0x2ed: {  	v8 =	vld [tilespmem:$0x5A0];
	_ =	sdelay $0x4  }
0x2ee: {  	v62 =	vshll.u32 v8, $0x2  }
0x2ef: {  	v8 =	vand.u32 $0x7, v8;
	v9 =	vand.u32 $0xFFFFFFE0, v62  }
0x2f0: {  	v8 =	vor.u32 v8, v9  }
0x2f1: {  	v9 =	vperm.xlane v8, v5;
	_ =	sdelay $0x1  }
0x2f2: {  	v9 =	vadd.s32 v6, v9;
	_ =	sdelay $0x1  }
0x2f3: {  	v8 =	vperm.xlane v8, v7;
	_ =	sdelay $0x1  }
0x2f4: {  	v8 =	vadd.s32 v6, v8  }
0x2f5: {  	[tilespmem:s30], [sflag:$0x3] =	stream.indirect_vreg.gather [hbm4b:s3+s2], $0x80, v9, vm0, $0xb8;
	[tilespmem:$0x1C800] =	vst v63  }
0x2f6: {  	s1 =	simm.s32 $0x9000  }
0x2f7: {  	[tilespmem:s1], [sflag:$0x3] =	stream.indirect_vreg.gather [hbm4b:s7+s2], $0x80, v9, vm0, $0xb8;
	[tilespmem:$0x1C800] =	vst v63  }
0x2f8: {  	s20 =	simm.s32 $0x9800  }
0x2f9: {  	[tilespmem:s20], [sflag:$0x3] =	stream.indirect_vreg.gather [hbm4b:s3+s2], $0x80, v8, vm0, $0xb8;
	[tilespmem:$0x1C800] =	vst v63  }
0x2fa: {  	s23 =	simm.s32 $0xA000  }
0x2fb: {  	[tilespmem:s23], [sflag:$0x3] =	stream.indirect_vreg.gather [hbm4b:s7+s2], $0x80, v8, vm0, $0xb8;
	[tilespmem:$0x1C800] =	vst v63  }
0x2fc: {  	v8 =	vld [tilespmem:$0x5B0];
	_ =	sdelay $0x4  }
0x2fd: {  	v63 =	vshll.u32 v8, $0x2  }
0x2fe: {  	v8 =	vand.u32 $0x7, v8;
	v9 =	vand.u32 $0xFFFFFFE0, v63  }
0x2ff: {  	v8 =	vor.u32 v8, v9  }
0x300: {  	v9 =	vperm.xlane v8, v5;
	_ =	sdelay $0x1  }
0x301: {  	v9 =	vadd.s32 v6, v9;
	_ =	sdelay $0x1  }
0x302: {  	v8 =	vperm.xlane v8, v7;
	_ =	sdelay $0x1  }
0x303: {  	s13 =	simm.s32 $0xA800;
	v8 =	vadd.s32 v6, v8  }
0x304: {  	[tilespmem:s13], [sflag:$0x3] =	stream.indirect_vreg.gather [hbm4b:s3+s2], $0x80, v9, vm0, $0xb8;
	[tilespmem:$0x1C800] =	vst v63  }
0x305: {  	s15 =	simm.s32 $0xB000  }
0x306: {  	[tilespmem:s15], [sflag:$0x3] =	stream.indirect_vreg.gather [hbm4b:s7+s2], $0x80, v9, vm0, $0xb8;
	[tilespmem:$0x1C800] =	vst v63  }
0x307: {  	s20 =	simm.s32 $0xB800  }
0x308: {  	[tilespmem:s20], [sflag:$0x3] =	stream.indirect_vreg.gather [hbm4b:s3+s2], $0x80, v8, vm0, $0xb8;
	[tilespmem:$0x1C800] =	vst v63  }
0x309: {  	s23 =	simm.s32 $0xC000  }
0x30a: {  	[tilespmem:s23], [sflag:$0x3] =	stream.indirect_vreg.gather [hbm4b:s7+s2], $0x80, v8, vm0, $0xb8;
	[tilespmem:$0x1C800] =	vst v63  }
.LBB2_21:
0x30b: {  	s13 =	sld [smem:$0x7F4];
	_ =	sdelay $0x1  }
0x30c: {  	s15 =	simm.s32 @p0 $0x0;
	s20 =	simm.s32 @p0 $0x800  }
0x30d: {  	[hbm4b:s13+s15] =	stream.linear.scatter @p0 [tilespmem:s20], [sflag:$0x1], $0x4000, $0x38;
	[tilespmem:$0x1C800] =	vst v63  }
0x30e: {  	s23 =	rddreg [dreg:$0x10]  }
0x30f: {  	[hbm4b:s23+s15] =	stream.linear.scatter @p0 [tilespmem:s20], [sflag:$0x1], $0x4000, $0x38;
	[tilespmem:$0x1C800] =	vst v63  }
0x310: {  	s15 =	simm.s32 @!p0 $0x4  }
0x311: {  	_ =	swait.ge @!p0 [sflag:s15], $0x8000  }
0x312: {  	[sflag:s15] =	ssyncset.done @!p0 $0x0  }
0x313: {  	s20 =	simm.s32 @!p0 $0xC800;
	[sflag:s15] =	ssyncadd.s32 @!p0 $0xFFFF8000;
	s15 =	simm.s32 @!p0 $0x0  }
0x314: {  	[hbm4b:s13+s15] =	stream.linear.scatter @!p0 [tilespmem:s20], [sflag:$0x1], $0x8000, $0x38;
	[tilespmem:$0x1C800] =	vst v63  }
0x315: {  	_ =	swait.ge [sflag:s5], $0x8000  }
0x316: {  	s23 =	rddreg [dreg:$0x12]  }
0x317: {  	p0 =	sge.s32 s23, s14  }
.Ltmp12:
0x318: {  	_ = 	snop;
	(pc) =	sbr.rel @p0 .LBB2_23-.Ltmp12, $3  }
0x319: {  	_ =	sdelay $0x1  }
0x31a: {  	[sflag:s5] =	ssyncset.done $0x0  }
0x31b: {  	[sflag:s5] =	ssyncadd.s32 $0xFFFF8000  }
0x31c: {  	v8 =	vld [tilespmem:$0x5C0];
	_ =	sdelay $0x4  }
0x31d: {  	v9 =	vshll.u32 v8, $0x2  }
0x31e: {  	v8 =	vand.u32 $0x7, v8;
	v9 =	vand.u32 $0xFFFFFFE0, v9  }
0x31f: {  	v8 =	vor.u32 v8, v9  }
0x320: {  	v9 =	vperm.xlane v8, v5;
	_ =	sdelay $0x1  }
0x321: {  	v9 =	vadd.s32 v6, v9;
	_ =	sdelay $0x1  }
0x322: {  	v8 =	vperm.xlane v8, v7;
	_ =	sdelay $0x1  }
0x323: {  	s1 =	simm.s32 $0xC800;
	v8 =	vadd.s32 v6, v8  }
0x324: {  	[tilespmem:s1], [sflag:$0x4] =	stream.indirect_vreg.gather [hbm4b:s3+s2], $0x80, v9, vm0, $0xb8;
	[tilespmem:$0x1C800] =	vst v63  }
0x325: {  	s15 =	simm.s32 $0xD000  }
0x326: {  	[tilespmem:s15], [sflag:$0x4] =	stream.indirect_vreg.gather [hbm4b:s7+s2], $0x80, v9, vm0, $0xb8;
	[tilespmem:$0x1C800] =	vst v63  }
0x327: {  	s20 =	simm.s32 $0xD800  }
0x328: {  	[tilespmem:s20], [sflag:$0x4] =	stream.indirect_vreg.gather [hbm4b:s3+s2], $0x80, v8, vm0, $0xb8;
	[tilespmem:$0x1C800] =	vst v63  }
0x329: {  	s23 =	simm.s32 $0xE000  }
0x32a: {  	[tilespmem:s23], [sflag:$0x4] =	stream.indirect_vreg.gather [hbm4b:s7+s2], $0x80, v8, vm0, $0xb8;
	[tilespmem:$0x1C800] =	vst v63  }
0x32b: {  	v8 =	vld [tilespmem:$0x5D0];
	_ =	sdelay $0x4  }
0x32c: {  	v61 =	vshll.u32 v8, $0x2  }
0x32d: {  	v8 =	vand.u32 $0x7, v8;
	v9 =	vand.u32 $0xFFFFFFE0, v61  }
0x32e: {  	v8 =	vor.u32 v8, v9  }
0x32f: {  	v9 =	vperm.xlane v8, v5;
	_ =	sdelay $0x1  }
0x330: {  	v9 =	vadd.s32 v6, v9;
	_ =	sdelay $0x1  }
0x331: {  	v8 =	vperm.xlane v8, v7;
	_ =	sdelay $0x1  }
0x332: {  	s13 =	simm.s32 $0xE800;
	v8 =	vadd.s32 v6, v8  }
0x333: {  	[tilespmem:s13], [sflag:$0x4] =	stream.indirect_vreg.gather [hbm4b:s3+s2], $0x80, v9, vm0, $0xb8;
	[tilespmem:$0x1C800] =	vst v63  }
0x334: {  	s15 =	simm.s32 $0xF000  }
0x335: {  	[tilespmem:s15], [sflag:$0x4] =	stream.indirect_vreg.gather [hbm4b:s7+s2], $0x80, v9, vm0, $0xb8;
	[tilespmem:$0x1C800] =	vst v63  }
0x336: {  	s20 =	simm.s32 $0xF800  }
0x337: {  	[tilespmem:s20], [sflag:$0x4] =	stream.indirect_vreg.gather [hbm4b:s3+s2], $0x80, v8, vm0, $0xb8;
	[tilespmem:$0x1C800] =	vst v63  }
0x338: {  	s23 =	simm.s32 $0x10000  }
0x339: {  	[tilespmem:s23], [sflag:$0x4] =	stream.indirect_vreg.gather [hbm4b:s7+s2], $0x80, v8, vm0, $0xb8;
	[tilespmem:$0x1C800] =	vst v63  }
0x33a: {  	v8 =	vld [tilespmem:$0x5E0];
	_ =	sdelay $0x4  }
0x33b: {  	v62 =	vshll.u32 v8, $0x2  }
0x33c: {  	v8 =	vand.u32 $0x7, v8;
	v9 =	vand.u32 $0xFFFFFFE0, v62  }
0x33d: {  	v8 =	vor.u32 v8, v9  }
0x33e: {  	v9 =	vperm.xlane v8, v5;
	_ =	sdelay $0x1  }
0x33f: {  	v9 =	vadd.s32 v6, v9;
	_ =	sdelay $0x1  }
0x340: {  	v8 =	vperm.xlane v8, v7;
	_ =	sdelay $0x1  }
0x341: {  	s13 =	simm.s32 $0x10800;
	v8 =	vadd.s32 v6, v8  }
0x342: {  	[tilespmem:s13], [sflag:$0x4] =	stream.indirect_vreg.gather [hbm4b:s3+s2], $0x80, v9, vm0, $0xb8;
	[tilespmem:$0x1C800] =	vst v63  }
0x343: {  	s15 =	simm.s32 $0x11000  }
0x344: {  	[tilespmem:s15], [sflag:$0x4] =	stream.indirect_vreg.gather [hbm4b:s7+s2], $0x80, v9, vm0, $0xb8;
	[tilespmem:$0x1C800] =	vst v63  }
0x345: {  	s20 =	simm.s32 $0x11800  }
0x346: {  	[tilespmem:s20], [sflag:$0x4] =	stream.indirect_vreg.gather [hbm4b:s3+s2], $0x80, v8, vm0, $0xb8;
	[tilespmem:$0x1C800] =	vst v63  }
0x347: {  	s23 =	simm.s32 $0x12000  }
0x348: {  	[tilespmem:s23], [sflag:$0x4] =	stream.indirect_vreg.gather [hbm4b:s7+s2], $0x80, v8, vm0, $0xb8;
	[tilespmem:$0x1C800] =	vst v63  }
0x349: {  	v8 =	vld [tilespmem:$0x5F0];
	_ =	sdelay $0x4  }
0x34a: {  	v63 =	vshll.u32 v8, $0x2  }
0x34b: {  	v8 =	vand.u32 $0x7, v8;
	v9 =	vand.u32 $0xFFFFFFE0, v63  }
0x34c: {  	v8 =	vor.u32 v8, v9  }
0x34d: {  	v9 =	vperm.xlane v8, v5;
	_ =	sdelay $0x1  }
0x34e: {  	v9 =	vadd.s32 v6, v9;
	_ =	sdelay $0x1  }
0x34f: {  	v8 =	vperm.xlane v8, v7;
	_ =	sdelay $0x1  }
0x350: {  	s13 =	simm.s32 $0x12800;
	v8 =	vadd.s32 v6, v8  }
0x351: {  	[tilespmem:s13], [sflag:$0x4] =	stream.indirect_vreg.gather [hbm4b:s3+s2], $0x80, v9, vm0, $0xb8;
	[tilespmem:$0x1C800] =	vst v63  }
0x352: {  	s15 =	simm.s32 $0x13000  }
0x353: {  	[tilespmem:s15], [sflag:$0x4] =	stream.indirect_vreg.gather [hbm4b:s7+s2], $0x80, v9, vm0, $0xb8;
	[tilespmem:$0x1C800] =	vst v63  }
0x354: {  	s20 =	simm.s32 $0x13800  }
0x355: {  	[tilespmem:s20], [sflag:$0x4] =	stream.indirect_vreg.gather [hbm4b:s3+s2], $0x80, v8, vm0, $0xb8;
	[tilespmem:$0x1C800] =	vst v63  }
0x356: {  	s23 =	simm.s32 $0x14000  }
0x357: {  	[tilespmem:s23], [sflag:$0x4] =	stream.indirect_vreg.gather [hbm4b:s7+s2], $0x80, v8, vm0, $0xb8;
	[tilespmem:$0x1C800] =	vst v63  }
.LBB2_23:
0x358: {  	s13 =	sld [smem:$0x7F5];
	_ =	sdelay $0x1  }
0x359: {  	s15 =	simm.s32 @p2 $0x0;
	s20 =	simm.s32 @p2 $0x800  }
0x35a: {  	[hbm4b:s13+s15] =	stream.linear.scatter @p2 [tilespmem:s20], [sflag:$0x1], $0x4000, $0x38;
	[tilespmem:$0x1C800] =	vst v63  }
0x35b: {  	s23 =	rddreg [dreg:$0x13]  }
0x35c: {  	[hbm4b:s23+s15] =	stream.linear.scatter @p2 [tilespmem:s20], [sflag:$0x1], $0x4000, $0x38;
	[tilespmem:$0x1C800] =	vst v63  }
0x35d: {  	s15 =	simm.s32 @!p2 $0x5  }
0x35e: {  	_ =	swait.ge @!p2 [sflag:s15], $0x8000  }
0x35f: {  	[sflag:s15] =	ssyncset.done @!p2 $0x0  }
0x360: {  	s20 =	simm.s32 @!p2 $0x14800;
	[sflag:s15] =	ssyncadd.s32 @!p2 $0xFFFF8000;
	s15 =	simm.s32 @!p2 $0x0  }
0x361: {  	[hbm4b:s13+s15] =	stream.linear.scatter @!p2 [tilespmem:s20], [sflag:$0x1], $0x8000, $0x38;
	[tilespmem:$0x1C800] =	vst v63  }
0x362: {  	_ =	swait.ge [sflag:s5], $0x8000  }
0x363: {  	s23 =	rddreg [dreg:$0x14]  }
0x364: {  	p2 =	sge.s32 s23, s14  }
.Ltmp13:
0x365: {  	_ = 	snop;
	(pc) =	sbr.rel @p2 .LBB2_25-.Ltmp13, $3  }
0x366: {  	_ =	sdelay $0x1  }
0x367: {  	[sflag:s5] =	ssyncset.done $0x0  }
0x368: {  	[sflag:s5] =	ssyncadd.s32 $0xFFFF8000  }
0x369: {  	v8 =	vld [tilespmem:$0x600];
	_ =	sdelay $0x4  }
0x36a: {  	v9 =	vshll.u32 v8, $0x2  }
0x36b: {  	v8 =	vand.u32 $0x7, v8;
	v9 =	vand.u32 $0xFFFFFFE0, v9  }
0x36c: {  	v8 =	vor.u32 v8, v9  }
0x36d: {  	v9 =	vperm.xlane v8, v5;
	_ =	sdelay $0x1  }
0x36e: {  	v9 =	vadd.s32 v6, v9;
	_ =	sdelay $0x1  }
0x36f: {  	v8 =	vperm.xlane v8, v7;
	_ =	sdelay $0x1  }
0x370: {  	s1 =	simm.s32 $0x14800;
	v8 =	vadd.s32 v6, v8  }
0x371: {  	[tilespmem:s1], [sflag:$0x5] =	stream.indirect_vreg.gather [hbm4b:s3+s2], $0x80, v9, vm0, $0xb8;
	[tilespmem:$0x1C800] =	vst v63  }
0x372: {  	s15 =	simm.s32 $0x15000  }
0x373: {  	[tilespmem:s15], [sflag:$0x5] =	stream.indirect_vreg.gather [hbm4b:s7+s2], $0x80, v9, vm0, $0xb8;
	[tilespmem:$0x1C800] =	vst v63  }
0x374: {  	s20 =	simm.s32 $0x15800  }
0x375: {  	[tilespmem:s20], [sflag:$0x5] =	stream.indirect_vreg.gather [hbm4b:s3+s2], $0x80, v8, vm0, $0xb8;
	[tilespmem:$0x1C800] =	vst v63  }
0x376: {  	s23 =	simm.s32 $0x16000  }
0x377: {  	[tilespmem:s23], [sflag:$0x5] =	stream.indirect_vreg.gather [hbm4b:s7+s2], $0x80, v8, vm0, $0xb8;
	[tilespmem:$0x1C800] =	vst v63  }
0x378: {  	v8 =	vld [tilespmem:$0x610];
	_ =	sdelay $0x4  }
0x379: {  	v61 =	vshll.u32 v8, $0x2  }
0x37a: {  	v8 =	vand.u32 $0x7, v8;
	v9 =	vand.u32 $0xFFFFFFE0, v61  }
0x37b: {  	v8 =	vor.u32 v8, v9  }
0x37c: {  	v9 =	vperm.xlane v8, v5;
	_ =	sdelay $0x1  }
0x37d: {  	v9 =	vadd.s32 v6, v9;
	_ =	sdelay $0x1  }
0x37e: {  	v8 =	vperm.xlane v8, v7;
	_ =	sdelay $0x1  }
0x37f: {  	s13 =	simm.s32 $0x16800;
	v8 =	vadd.s32 v6, v8  }
0x380: {  	[tilespmem:s13], [sflag:$0x5] =	stream.indirect_vreg.gather [hbm4b:s3+s2], $0x80, v9, vm0, $0xb8;
	[tilespmem:$0x1C800] =	vst v63  }
0x381: {  	s15 =	simm.s32 $0x17000  }
0x382: {  	[tilespmem:s15], [sflag:$0x5] =	stream.indirect_vreg.gather [hbm4b:s7+s2], $0x80, v9, vm0, $0xb8;
	[tilespmem:$0x1C800] =	vst v63  }
0x383: {  	s20 =	simm.s32 $0x17800  }
0x384: {  	[tilespmem:s20], [sflag:$0x5] =	stream.indirect_vreg.gather [hbm4b:s3+s2], $0x80, v8, vm0, $0xb8;
	[tilespmem:$0x1C800] =	vst v63  }
0x385: {  	s23 =	simm.s32 $0x18000  }
0x386: {  	[tilespmem:s23], [sflag:$0x5] =	stream.indirect_vreg.gather [hbm4b:s7+s2], $0x80, v8, vm0, $0xb8;
	[tilespmem:$0x1C800] =	vst v63  }
0x387: {  	v8 =	vld [tilespmem:$0x620];
	_ =	sdelay $0x4  }
0x388: {  	v62 =	vshll.u32 v8, $0x2  }
0x389: {  	v8 =	vand.u32 $0x7, v8;
	v9 =	vand.u32 $0xFFFFFFE0, v62  }
0x38a: {  	v8 =	vor.u32 v8, v9  }
0x38b: {  	v9 =	vperm.xlane v8, v5;
	_ =	sdelay $0x1  }
0x38c: {  	v9 =	vadd.s32 v6, v9;
	_ =	sdelay $0x1  }
0x38d: {  	v8 =	vperm.xlane v8, v7;
	_ =	sdelay $0x1  }
0x38e: {  	s13 =	simm.s32 $0x18800;
	v8 =	vadd.s32 v6, v8  }
0x38f: {  	[tilespmem:s13], [sflag:$0x5] =	stream.indirect_vreg.gather [hbm4b:s3+s2], $0x80, v9, vm0, $0xb8;
	[tilespmem:$0x1C800] =	vst v63  }
0x390: {  	s15 =	simm.s32 $0x19000  }
0x391: {  	[tilespmem:s15], [sflag:$0x5] =	stream.indirect_vreg.gather [hbm4b:s7+s2], $0x80, v9, vm0, $0xb8;
	[tilespmem:$0x1C800] =	vst v63  }
0x392: {  	s20 =	simm.s32 $0x19800  }
0x393: {  	[tilespmem:s20], [sflag:$0x5] =	stream.indirect_vreg.gather [hbm4b:s3+s2], $0x80, v8, vm0, $0xb8;
	[tilespmem:$0x1C800] =	vst v63  }
0x394: {  	s23 =	simm.s32 $0x1A000  }
0x395: {  	[tilespmem:s23], [sflag:$0x5] =	stream.indirect_vreg.gather [hbm4b:s7+s2], $0x80, v8, vm0, $0xb8;
	[tilespmem:$0x1C800] =	vst v63  }
0x396: {  	v8 =	vld [tilespmem:$0x630];
	_ =	sdelay $0x4  }
0x397: {  	v63 =	vshll.u32 v8, $0x2  }
0x398: {  	v8 =	vand.u32 $0x7, v8;
	v9 =	vand.u32 $0xFFFFFFE0, v63  }
0x399: {  	v8 =	vor.u32 v8, v9  }
0x39a: {  	v9 =	vperm.xlane v8, v5;
	_ =	sdelay $0x1  }
0x39b: {  	v9 =	vadd.s32 v6, v9;
	_ =	sdelay $0x1  }
0x39c: {  	v8 =	vperm.xlane v8, v7;
	_ =	sdelay $0x1  }
0x39d: {  	s13 =	simm.s32 $0x1A800;
	v8 =	vadd.s32 v6, v8  }
0x39e: {  	[tilespmem:s13], [sflag:$0x5] =	stream.indirect_vreg.gather [hbm4b:s3+s2], $0x80, v9, vm0, $0xb8;
	[tilespmem:$0x1C800] =	vst v63  }
0x39f: {  	s15 =	simm.s32 $0x1B000  }
0x3a0: {  	[tilespmem:s15], [sflag:$0x5] =	stream.indirect_vreg.gather [hbm4b:s7+s2], $0x80, v9, vm0, $0xb8;
	[tilespmem:$0x1C800] =	vst v63  }
0x3a1: {  	s20 =	simm.s32 $0x1B800  }
0x3a2: {  	[tilespmem:s20], [sflag:$0x5] =	stream.indirect_vreg.gather [hbm4b:s3+s2], $0x80, v8, vm0, $0xb8;
	[tilespmem:$0x1C800] =	vst v63  }
0x3a3: {  	s23 =	simm.s32 $0x1C000  }
0x3a4: {  	[tilespmem:s23], [sflag:$0x5] =	stream.indirect_vreg.gather [hbm4b:s7+s2], $0x80, v8, vm0, $0xb8;
	[tilespmem:$0x1C800] =	vst v63  }
.LBB2_25:
0x3a5: {  	s13 =	sld [smem:$0x7F6];
	_ =	sdelay $0x1  }
0x3a6: {  	s15 =	simm.s32 @p1 $0x0;
	s20 =	simm.s32 @p1 $0x800  }
0x3a7: {  	[hbm4b:s13+s15] =	stream.linear.scatter @p1 [tilespmem:s20], [sflag:$0x1], $0x4000, $0x38;
	[tilespmem:$0x1C800] =	vst v63  }
0x3a8: {  	s23 =	rddreg [dreg:$0x15]  }
0x3a9: {  	[hbm4b:s23+s15] =	stream.linear.scatter @p1 [tilespmem:s20], [sflag:$0x1], $0x4000, $0x38;
	[tilespmem:$0x1C800] =	vst v63  }
0x3aa: {  	s15 =	simm.s32 @!p1 $0x3  }
0x3ab: {  	_ =	swait.ge @!p1 [sflag:s15], $0x8000  }
0x3ac: {  	[sflag:s15] =	ssyncset.done @!p1 $0x0  }
0x3ad: {  	s20 =	simm.s32 @!p1 $0x4800;
	[sflag:s15] =	ssyncadd.s32 @!p1 $0xFFFF8000;
	s15 =	simm.s32 @!p1 $0x0  }
0x3ae: {  	[hbm4b:s13+s15] =	stream.linear.scatter @!p1 [tilespmem:s20], [sflag:$0x1], $0x8000, $0x38;
	[tilespmem:$0x1C800] =	vst v63  }
0x3af: {  	_ =	swait.ge [sflag:s5], $0x8000  }
0x3b0: {  	s23 =	rddreg [dreg:$0x16]  }
0x3b1: {  	p1 =	sge.s32 s23, s14  }
.Ltmp14:
0x3b2: {  	_ = 	snop;
	(pc) =	sbr.rel @p1 .LBB2_27-.Ltmp14, $3  }
0x3b3: {  	_ =	sdelay $0x1  }
0x3b4: {  	[sflag:s5] =	ssyncset.done $0x0  }
0x3b5: {  	[sflag:s5] =	ssyncadd.s32 $0xFFFF8000  }
0x3b6: {  	v8 =	vld [tilespmem:$0x640];
	_ =	sdelay $0x4  }
0x3b7: {  	v9 =	vshll.u32 v8, $0x2  }
0x3b8: {  	v8 =	vand.u32 $0x7, v8;
	v9 =	vand.u32 $0xFFFFFFE0, v9  }
0x3b9: {  	v8 =	vor.u32 v8, v9  }
0x3ba: {  	v9 =	vperm.xlane v8, v5;
	_ =	sdelay $0x1  }
0x3bb: {  	v9 =	vadd.s32 v6, v9;
	_ =	sdelay $0x1  }
0x3bc: {  	v8 =	vperm.xlane v8, v7;
	_ =	sdelay $0x1  }
0x3bd: {  	v8 =	vadd.s32 v6, v8  }
0x3be: {  	[tilespmem:s29], [sflag:$0x3] =	stream.indirect_vreg.gather [hbm4b:s3+s2], $0x80, v9, vm0, $0xb8;
	[tilespmem:$0x1C800] =	vst v63  }
0x3bf: {  	_ = 	snop  }
0x3c0: {  	[tilespmem:s24], [sflag:$0x3] =	stream.indirect_vreg.gather [hbm4b:s7+s2], $0x80, v9, vm0, $0xb8;
	[tilespmem:$0x1C800] =	vst v63  }
0x3c1: {  	_ = 	snop  }
0x3c2: {  	[tilespmem:s0], [sflag:$0x3] =	stream.indirect_vreg.gather [hbm4b:s3+s2], $0x80, v8, vm0, $0xb8;
	[tilespmem:$0x1C800] =	vst v63  }
0x3c3: {  	_ = 	snop  }
0x3c4: {  	[tilespmem:s28], [sflag:$0x3] =	stream.indirect_vreg.gather [hbm4b:s7+s2], $0x80, v8, vm0, $0xb8;
	[tilespmem:$0x1C800] =	vst v63  }
0x3c5: {  	v8 =	vld [tilespmem:$0x650];
	_ =	sdelay $0x4  }
0x3c6: {  	v61 =	vshll.u32 v8, $0x2  }
0x3c7: {  	v8 =	vand.u32 $0x7, v8;
	v9 =	vand.u32 $0xFFFFFFE0, v61  }
0x3c8: {  	v8 =	vor.u32 v8, v9  }
0x3c9: {  	v9 =	vperm.xlane v8, v5;
	_ =	sdelay $0x1  }
0x3ca: {  	v9 =	vadd.s32 v6, v9;
	_ =	sdelay $0x1  }
0x3cb: {  	v8 =	vperm.xlane v8, v7;
	_ =	sdelay $0x1  }
0x3cc: {  	v8 =	vadd.s32 v6, v8  }
0x3cd: {  	[tilespmem:s16], [sflag:$0x3] =	stream.indirect_vreg.gather [hbm4b:s3+s2], $0x80, v9, vm0, $0xb8;
	[tilespmem:$0x1C800] =	vst v63  }
0x3ce: {  	_ = 	snop  }
0x3cf: {  	[tilespmem:s19], [sflag:$0x3] =	stream.indirect_vreg.gather [hbm4b:s7+s2], $0x80, v9, vm0, $0xb8;
	[tilespmem:$0x1C800] =	vst v63  }
0x3d0: {  	_ = 	snop  }
0x3d1: {  	[tilespmem:s22], [sflag:$0x3] =	stream.indirect_vreg.gather [hbm4b:s3+s2], $0x80, v8, vm0, $0xb8;
	[tilespmem:$0x1C800] =	vst v63  }
0x3d2: {  	_ = 	snop  }
0x3d3: {  	[tilespmem:s26], [sflag:$0x3] =	stream.indirect_vreg.gather [hbm4b:s7+s2], $0x80, v8, vm0, $0xb8;
	[tilespmem:$0x1C800] =	vst v63  }
0x3d4: {  	v8 =	vld [tilespmem:$0x660];
	_ =	sdelay $0x4  }
0x3d5: {  	v62 =	vshll.u32 v8, $0x2  }
0x3d6: {  	v8 =	vand.u32 $0x7, v8;
	v9 =	vand.u32 $0xFFFFFFE0, v62  }
0x3d7: {  	v8 =	vor.u32 v8, v9  }
0x3d8: {  	v9 =	vperm.xlane v8, v5;
	_ =	sdelay $0x1  }
0x3d9: {  	v9 =	vadd.s32 v6, v9;
	_ =	sdelay $0x1  }
0x3da: {  	v8 =	vperm.xlane v8, v7;
	_ =	sdelay $0x1  }
0x3db: {  	v8 =	vadd.s32 v6, v8  }
0x3dc: {  	[tilespmem:s30], [sflag:$0x3] =	stream.indirect_vreg.gather [hbm4b:s3+s2], $0x80, v9, vm0, $0xb8;
	[tilespmem:$0x1C800] =	vst v63  }
0x3dd: {  	s1 =	simm.s32 $0x9000  }
0x3de: {  	[tilespmem:s1], [sflag:$0x3] =	stream.indirect_vreg.gather [hbm4b:s7+s2], $0x80, v9, vm0, $0xb8;
	[tilespmem:$0x1C800] =	vst v63  }
0x3df: {  	s20 =	simm.s32 $0x9800  }
0x3e0: {  	[tilespmem:s20], [sflag:$0x3] =	stream.indirect_vreg.gather [hbm4b:s3+s2], $0x80, v8, vm0, $0xb8;
	[tilespmem:$0x1C800] =	vst v63  }
0x3e1: {  	s23 =	simm.s32 $0xA000  }
0x3e2: {  	[tilespmem:s23], [sflag:$0x3] =	stream.indirect_vreg.gather [hbm4b:s7+s2], $0x80, v8, vm0, $0xb8;
	[tilespmem:$0x1C800] =	vst v63  }
0x3e3: {  	v8 =	vld [tilespmem:$0x670];
	_ =	sdelay $0x4  }
0x3e4: {  	v63 =	vshll.u32 v8, $0x2  }
0x3e5: {  	v8 =	vand.u32 $0x7, v8;
	v9 =	vand.u32 $0xFFFFFFE0, v63  }
0x3e6: {  	v8 =	vor.u32 v8, v9  }
0x3e7: {  	v9 =	vperm.xlane v8, v5;
	_ =	sdelay $0x1  }
0x3e8: {  	v9 =	vadd.s32 v6, v9;
	_ =	sdelay $0x1  }
0x3e9: {  	v8 =	vperm.xlane v8, v7;
	_ =	sdelay $0x1  }
0x3ea: {  	s13 =	simm.s32 $0xA800;
	v8 =	vadd.s32 v6, v8  }
0x3eb: {  	[tilespmem:s13], [sflag:$0x3] =	stream.indirect_vreg.gather [hbm4b:s3+s2], $0x80, v9, vm0, $0xb8;
	[tilespmem:$0x1C800] =	vst v63  }
0x3ec: {  	s15 =	simm.s32 $0xB000  }
0x3ed: {  	[tilespmem:s15], [sflag:$0x3] =	stream.indirect_vreg.gather [hbm4b:s7+s2], $0x80, v9, vm0, $0xb8;
	[tilespmem:$0x1C800] =	vst v63  }
0x3ee: {  	s20 =	simm.s32 $0xB800  }
0x3ef: {  	[tilespmem:s20], [sflag:$0x3] =	stream.indirect_vreg.gather [hbm4b:s3+s2], $0x80, v8, vm0, $0xb8;
	[tilespmem:$0x1C800] =	vst v63  }
0x3f0: {  	s23 =	simm.s32 $0xC000  }
0x3f1: {  	[tilespmem:s23], [sflag:$0x3] =	stream.indirect_vreg.gather [hbm4b:s7+s2], $0x80, v8, vm0, $0xb8;
	[tilespmem:$0x1C800] =	vst v63  }
.LBB2_27:
0x3f2: {  	s1 =	sld [smem:$0x7F7];
	_ =	sdelay $0x1  }
0x3f3: {  	s15 =	simm.s32 @p0 $0x0;
	s20 =	simm.s32 @p0 $0x800  }
0x3f4: {  	[hbm4b:s1+s15] =	stream.linear.scatter @p0 [tilespmem:s20], [sflag:$0x1], $0x4000, $0x38;
	[tilespmem:$0x1C800] =	vst v63  }
0x3f5: {  	s23 =	rddreg [dreg:$0x17]  }
0x3f6: {  	[hbm4b:s23+s15] =	stream.linear.scatter @p0 [tilespmem:s20], [sflag:$0x1], $0x4000, $0x38;
	[tilespmem:$0x1C800] =	vst v63  }
0x3f7: {  	s15 =	simm.s32 @!p0 $0x4  }
0x3f8: {  	_ =	swait.ge @!p0 [sflag:s15], $0x8000  }
0x3f9: {  	[sflag:s15] =	ssyncset.done @!p0 $0x0  }
0x3fa: {  	s20 =	simm.s32 @!p0 $0xC800;
	[sflag:s15] =	ssyncadd.s32 @!p0 $0xFFFF8000;
	s15 =	simm.s32 @!p0 $0x0  }
0x3fb: {  	[hbm4b:s1+s15] =	stream.linear.scatter @!p0 [tilespmem:s20], [sflag:$0x1], $0x8000, $0x38;
	[tilespmem:$0x1C800] =	vst v63  }
0x3fc: {  	_ =	swait.ge [sflag:s5], $0x8000  }
0x3fd: {  	s23 =	rddreg [dreg:$0x18]  }
0x3fe: {  	p0 =	sge.s32 s23, s14  }
.Ltmp15:
0x3ff: {  	_ = 	snop;
	(pc) =	sbr.rel @p0 .LBB2_29-.Ltmp15, $3  }
0x400: {  	_ =	sdelay $0x1  }
0x401: {  	[sflag:s5] =	ssyncset.done $0x0  }
0x402: {  	[sflag:s5] =	ssyncadd.s32 $0xFFFF8000  }
0x403: {  	v8 =	vld [tilespmem:$0x680];
	_ =	sdelay $0x4  }
0x404: {  	v9 =	vshll.u32 v8, $0x2  }
0x405: {  	v8 =	vand.u32 $0x7, v8;
	v9 =	vand.u32 $0xFFFFFFE0, v9  }
0x406: {  	v8 =	vor.u32 v8, v9  }
0x407: {  	v9 =	vperm.xlane v8, v5;
	_ =	sdelay $0x1  }
0x408: {  	v9 =	vadd.s32 v6, v9;
	_ =	sdelay $0x1  }
0x409: {  	v8 =	vperm.xlane v8, v7;
	_ =	sdelay $0x1  }
0x40a: {  	s1 =	simm.s32 $0xC800;
	v8 =	vadd.s32 v6, v8  }
0x40b: {  	[tilespmem:s1], [sflag:$0x4] =	stream.indirect_vreg.gather [hbm4b:s3+s2], $0x80, v9, vm0, $0xb8;
	[tilespmem:$0x1C800] =	vst v63  }
0x40c: {  	s15 =	simm.s32 $0xD000  }
0x40d: {  	[tilespmem:s15], [sflag:$0x4] =	stream.indirect_vreg.gather [hbm4b:s7+s2], $0x80, v9, vm0, $0xb8;
	[tilespmem:$0x1C800] =	vst v63  }
0x40e: {  	s20 =	simm.s32 $0xD800  }
0x40f: {  	[tilespmem:s20], [sflag:$0x4] =	stream.indirect_vreg.gather [hbm4b:s3+s2], $0x80, v8, vm0, $0xb8;
	[tilespmem:$0x1C800] =	vst v63  }
0x410: {  	s23 =	simm.s32 $0xE000  }
0x411: {  	[tilespmem:s23], [sflag:$0x4] =	stream.indirect_vreg.gather [hbm4b:s7+s2], $0x80, v8, vm0, $0xb8;
	[tilespmem:$0x1C800] =	vst v63  }
0x412: {  	v8 =	vld [tilespmem:$0x690];
	_ =	sdelay $0x4  }
0x413: {  	v61 =	vshll.u32 v8, $0x2  }
0x414: {  	v8 =	vand.u32 $0x7, v8;
	v9 =	vand.u32 $0xFFFFFFE0, v61  }
0x415: {  	v8 =	vor.u32 v8, v9  }
0x416: {  	v9 =	vperm.xlane v8, v5;
	_ =	sdelay $0x1  }
0x417: {  	v9 =	vadd.s32 v6, v9;
	_ =	sdelay $0x1  }
0x418: {  	v8 =	vperm.xlane v8, v7;
	_ =	sdelay $0x1  }
0x419: {  	s13 =	simm.s32 $0xE800;
	v8 =	vadd.s32 v6, v8  }
0x41a: {  	[tilespmem:s13], [sflag:$0x4] =	stream.indirect_vreg.gather [hbm4b:s3+s2], $0x80, v9, vm0, $0xb8;
	[tilespmem:$0x1C800] =	vst v63  }
0x41b: {  	s15 =	simm.s32 $0xF000  }
0x41c: {  	[tilespmem:s15], [sflag:$0x4] =	stream.indirect_vreg.gather [hbm4b:s7+s2], $0x80, v9, vm0, $0xb8;
	[tilespmem:$0x1C800] =	vst v63  }
0x41d: {  	s20 =	simm.s32 $0xF800  }
0x41e: {  	[tilespmem:s20], [sflag:$0x4] =	stream.indirect_vreg.gather [hbm4b:s3+s2], $0x80, v8, vm0, $0xb8;
	[tilespmem:$0x1C800] =	vst v63  }
0x41f: {  	s23 =	simm.s32 $0x10000  }
0x420: {  	[tilespmem:s23], [sflag:$0x4] =	stream.indirect_vreg.gather [hbm4b:s7+s2], $0x80, v8, vm0, $0xb8;
	[tilespmem:$0x1C800] =	vst v63  }
0x421: {  	v8 =	vld [tilespmem:$0x6A0];
	_ =	sdelay $0x4  }
0x422: {  	v62 =	vshll.u32 v8, $0x2  }
0x423: {  	v8 =	vand.u32 $0x7, v8;
	v9 =	vand.u32 $0xFFFFFFE0, v62  }
0x424: {  	v8 =	vor.u32 v8, v9  }
0x425: {  	v9 =	vperm.xlane v8, v5;
	_ =	sdelay $0x1  }
0x426: {  	v9 =	vadd.s32 v6, v9;
	_ =	sdelay $0x1  }
0x427: {  	v8 =	vperm.xlane v8, v7;
	_ =	sdelay $0x1  }
0x428: {  	s13 =	simm.s32 $0x10800;
	v8 =	vadd.s32 v6, v8  }
0x429: {  	[tilespmem:s13], [sflag:$0x4] =	stream.indirect_vreg.gather [hbm4b:s3+s2], $0x80, v9, vm0, $0xb8;
	[tilespmem:$0x1C800] =	vst v63  }
0x42a: {  	s15 =	simm.s32 $0x11000  }
0x42b: {  	[tilespmem:s15], [sflag:$0x4] =	stream.indirect_vreg.gather [hbm4b:s7+s2], $0x80, v9, vm0, $0xb8;
	[tilespmem:$0x1C800] =	vst v63  }
0x42c: {  	s20 =	simm.s32 $0x11800  }
0x42d: {  	[tilespmem:s20], [sflag:$0x4] =	stream.indirect_vreg.gather [hbm4b:s3+s2], $0x80, v8, vm0, $0xb8;
	[tilespmem:$0x1C800] =	vst v63  }
0x42e: {  	s23 =	simm.s32 $0x12000  }
0x42f: {  	[tilespmem:s23], [sflag:$0x4] =	stream.indirect_vreg.gather [hbm4b:s7+s2], $0x80, v8, vm0, $0xb8;
	[tilespmem:$0x1C800] =	vst v63  }
0x430: {  	v8 =	vld [tilespmem:$0x6B0];
	_ =	sdelay $0x4  }
0x431: {  	v63 =	vshll.u32 v8, $0x2  }
0x432: {  	v8 =	vand.u32 $0x7, v8;
	v9 =	vand.u32 $0xFFFFFFE0, v63  }
0x433: {  	v8 =	vor.u32 v8, v9  }
0x434: {  	v9 =	vperm.xlane v8, v5;
	_ =	sdelay $0x1  }
0x435: {  	v9 =	vadd.s32 v6, v9;
	_ =	sdelay $0x1  }
0x436: {  	v8 =	vperm.xlane v8, v7;
	_ =	sdelay $0x1  }
0x437: {  	s13 =	simm.s32 $0x12800;
	v8 =	vadd.s32 v6, v8  }
0x438: {  	[tilespmem:s13], [sflag:$0x4] =	stream.indirect_vreg.gather [hbm4b:s3+s2], $0x80, v9, vm0, $0xb8;
	[tilespmem:$0x1C800] =	vst v63  }
0x439: {  	s15 =	simm.s32 $0x13000  }
0x43a: {  	[tilespmem:s15], [sflag:$0x4] =	stream.indirect_vreg.gather [hbm4b:s7+s2], $0x80, v9, vm0, $0xb8;
	[tilespmem:$0x1C800] =	vst v63  }
0x43b: {  	s20 =	simm.s32 $0x13800  }
0x43c: {  	[tilespmem:s20], [sflag:$0x4] =	stream.indirect_vreg.gather [hbm4b:s3+s2], $0x80, v8, vm0, $0xb8;
	[tilespmem:$0x1C800] =	vst v63  }
0x43d: {  	s23 =	simm.s32 $0x14000  }
0x43e: {  	[tilespmem:s23], [sflag:$0x4] =	stream.indirect_vreg.gather [hbm4b:s7+s2], $0x80, v8, vm0, $0xb8;
	[tilespmem:$0x1C800] =	vst v63  }
.LBB2_29:
0x43f: {  	s15 =	simm.s32 @p2 $0x0;
	s20 =	simm.s32 @p2 $0x800  }
0x440: {  	[hbm4b:s8+s15] =	stream.linear.scatter @p2 [tilespmem:s20], [sflag:$0x1], $0x4000, $0x38;
	[tilespmem:$0x1C800] =	vst v63  }
0x441: {  	s23 =	rddreg [dreg:$0x19]  }
0x442: {  	[hbm4b:s23+s15] =	stream.linear.scatter @p2 [tilespmem:s20], [sflag:$0x1], $0x4000, $0x38;
	[tilespmem:$0x1C800] =	vst v63  }
0x443: {  	s15 =	simm.s32 @!p2 $0x5  }
0x444: {  	_ =	swait.ge @!p2 [sflag:s15], $0x8000  }
0x445: {  	[sflag:s15] =	ssyncset.done @!p2 $0x0  }
0x446: {  	s20 =	simm.s32 @!p2 $0x14800;
	[sflag:s15] =	ssyncadd.s32 @!p2 $0xFFFF8000;
	s15 =	simm.s32 @!p2 $0x0  }
0x447: {  	[hbm4b:s8+s15] =	stream.linear.scatter @!p2 [tilespmem:s20], [sflag:$0x1], $0x8000, $0x38;
	[tilespmem:$0x1C800] =	vst v63  }
0x448: {  	_ =	swait.ge [sflag:s5], $0x8000  }
0x449: {  	s23 =	rddreg [dreg:$0x1a]  }
0x44a: {  	p2 =	sge.s32 s23, s14  }
.Ltmp16:
0x44b: {  	_ = 	snop;
	(pc) =	sbr.rel @p2 .LBB2_31-.Ltmp16, $3  }
0x44c: {  	_ =	sdelay $0x1  }
0x44d: {  	[sflag:s5] =	ssyncset.done $0x0  }
0x44e: {  	[sflag:s5] =	ssyncadd.s32 $0xFFFF8000  }
0x44f: {  	v8 =	vld [tilespmem:$0x6C0];
	_ =	sdelay $0x4  }
0x450: {  	v9 =	vshll.u32 v8, $0x2  }
0x451: {  	v8 =	vand.u32 $0x7, v8;
	v9 =	vand.u32 $0xFFFFFFE0, v9  }
0x452: {  	v8 =	vor.u32 v8, v9  }
0x453: {  	v9 =	vperm.xlane v8, v5;
	_ =	sdelay $0x1  }
0x454: {  	v9 =	vadd.s32 v6, v9;
	_ =	sdelay $0x1  }
0x455: {  	v8 =	vperm.xlane v8, v7;
	_ =	sdelay $0x1  }
0x456: {  	s1 =	simm.s32 $0x14800;
	v8 =	vadd.s32 v6, v8  }
0x457: {  	[tilespmem:s1], [sflag:$0x5] =	stream.indirect_vreg.gather [hbm4b:s3+s2], $0x80, v9, vm0, $0xb8;
	[tilespmem:$0x1C800] =	vst v63  }
0x458: {  	s15 =	simm.s32 $0x15000  }
0x459: {  	[tilespmem:s15], [sflag:$0x5] =	stream.indirect_vreg.gather [hbm4b:s7+s2], $0x80, v9, vm0, $0xb8;
	[tilespmem:$0x1C800] =	vst v63  }
0x45a: {  	s20 =	simm.s32 $0x15800  }
0x45b: {  	[tilespmem:s20], [sflag:$0x5] =	stream.indirect_vreg.gather [hbm4b:s3+s2], $0x80, v8, vm0, $0xb8;
	[tilespmem:$0x1C800] =	vst v63  }
0x45c: {  	s23 =	simm.s32 $0x16000  }
0x45d: {  	[tilespmem:s23], [sflag:$0x5] =	stream.indirect_vreg.gather [hbm4b:s7+s2], $0x80, v8, vm0, $0xb8;
	[tilespmem:$0x1C800] =	vst v63  }
0x45e: {  	v8 =	vld [tilespmem:$0x6D0];
	_ =	sdelay $0x4  }
0x45f: {  	v61 =	vshll.u32 v8, $0x2  }
0x460: {  	v8 =	vand.u32 $0x7, v8;
	v9 =	vand.u32 $0xFFFFFFE0, v61  }
0x461: {  	v8 =	vor.u32 v8, v9  }
0x462: {  	v9 =	vperm.xlane v8, v5;
	_ =	sdelay $0x1  }
0x463: {  	v9 =	vadd.s32 v6, v9;
	_ =	sdelay $0x1  }
0x464: {  	v8 =	vperm.xlane v8, v7;
	_ =	sdelay $0x1  }
0x465: {  	s13 =	simm.s32 $0x16800;
	v8 =	vadd.s32 v6, v8  }
0x466: {  	[tilespmem:s13], [sflag:$0x5] =	stream.indirect_vreg.gather [hbm4b:s3+s2], $0x80, v9, vm0, $0xb8;
	[tilespmem:$0x1C800] =	vst v63  }
0x467: {  	s15 =	simm.s32 $0x17000  }
0x468: {  	[tilespmem:s15], [sflag:$0x5] =	stream.indirect_vreg.gather [hbm4b:s7+s2], $0x80, v9, vm0, $0xb8;
	[tilespmem:$0x1C800] =	vst v63  }
0x469: {  	s20 =	simm.s32 $0x17800  }
0x46a: {  	[tilespmem:s20], [sflag:$0x5] =	stream.indirect_vreg.gather [hbm4b:s3+s2], $0x80, v8, vm0, $0xb8;
	[tilespmem:$0x1C800] =	vst v63  }
0x46b: {  	s23 =	simm.s32 $0x18000  }
0x46c: {  	[tilespmem:s23], [sflag:$0x5] =	stream.indirect_vreg.gather [hbm4b:s7+s2], $0x80, v8, vm0, $0xb8;
	[tilespmem:$0x1C800] =	vst v63  }
0x46d: {  	v8 =	vld [tilespmem:$0x6E0];
	_ =	sdelay $0x4  }
0x46e: {  	v62 =	vshll.u32 v8, $0x2  }
0x46f: {  	v8 =	vand.u32 $0x7, v8;
	v9 =	vand.u32 $0xFFFFFFE0, v62  }
0x470: {  	v8 =	vor.u32 v8, v9  }
0x471: {  	v9 =	vperm.xlane v8, v5;
	_ =	sdelay $0x1  }
0x472: {  	v9 =	vadd.s32 v6, v9;
	_ =	sdelay $0x1  }
0x473: {  	v8 =	vperm.xlane v8, v7;
	_ =	sdelay $0x1  }
0x474: {  	s13 =	simm.s32 $0x18800;
	v8 =	vadd.s32 v6, v8  }
0x475: {  	[tilespmem:s13], [sflag:$0x5] =	stream.indirect_vreg.gather [hbm4b:s3+s2], $0x80, v9, vm0, $0xb8;
	[tilespmem:$0x1C800] =	vst v63  }
0x476: {  	s15 =	simm.s32 $0x19000  }
0x477: {  	[tilespmem:s15], [sflag:$0x5] =	stream.indirect_vreg.gather [hbm4b:s7+s2], $0x80, v9, vm0, $0xb8;
	[tilespmem:$0x1C800] =	vst v63  }
0x478: {  	s20 =	simm.s32 $0x19800  }
0x479: {  	[tilespmem:s20], [sflag:$0x5] =	stream.indirect_vreg.gather [hbm4b:s3+s2], $0x80, v8, vm0, $0xb8;
	[tilespmem:$0x1C800] =	vst v63  }
0x47a: {  	s23 =	simm.s32 $0x1A000  }
0x47b: {  	[tilespmem:s23], [sflag:$0x5] =	stream.indirect_vreg.gather [hbm4b:s7+s2], $0x80, v8, vm0, $0xb8;
	[tilespmem:$0x1C800] =	vst v63  }
0x47c: {  	v8 =	vld [tilespmem:$0x6F0];
	_ =	sdelay $0x4  }
0x47d: {  	v63 =	vshll.u32 v8, $0x2  }
0x47e: {  	v8 =	vand.u32 $0x7, v8;
	v9 =	vand.u32 $0xFFFFFFE0, v63  }
0x47f: {  	v8 =	vor.u32 v8, v9  }
0x480: {  	v9 =	vperm.xlane v8, v5;
	_ =	sdelay $0x1  }
0x481: {  	v9 =	vadd.s32 v6, v9;
	_ =	sdelay $0x1  }
0x482: {  	v8 =	vperm.xlane v8, v7;
	_ =	sdelay $0x1  }
0x483: {  	s13 =	simm.s32 $0x1A800;
	v8 =	vadd.s32 v6, v8  }
0x484: {  	[tilespmem:s13], [sflag:$0x5] =	stream.indirect_vreg.gather [hbm4b:s3+s2], $0x80, v9, vm0, $0xb8;
	[tilespmem:$0x1C800] =	vst v63  }
0x485: {  	s15 =	simm.s32 $0x1B000  }
0x486: {  	[tilespmem:s15], [sflag:$0x5] =	stream.indirect_vreg.gather [hbm4b:s7+s2], $0x80, v9, vm0, $0xb8;
	[tilespmem:$0x1C800] =	vst v63  }
0x487: {  	s20 =	simm.s32 $0x1B800  }
0x488: {  	[tilespmem:s20], [sflag:$0x5] =	stream.indirect_vreg.gather [hbm4b:s3+s2], $0x80, v8, vm0, $0xb8;
	[tilespmem:$0x1C800] =	vst v63  }
0x489: {  	s23 =	simm.s32 $0x1C000  }
0x48a: {  	[tilespmem:s23], [sflag:$0x5] =	stream.indirect_vreg.gather [hbm4b:s7+s2], $0x80, v8, vm0, $0xb8;
	[tilespmem:$0x1C800] =	vst v63  }
.LBB2_31:
0x48b: {  	s15 =	simm.s32 @p1 $0x0;
	s20 =	simm.s32 @p1 $0x800  }
0x48c: {  	[hbm4b:s12+s15] =	stream.linear.scatter @p1 [tilespmem:s20], [sflag:$0x1], $0x4000, $0x38;
	[tilespmem:$0x1C800] =	vst v63  }
0x48d: {  	s23 =	rddreg [dreg:$0x1b]  }
0x48e: {  	[hbm4b:s23+s15] =	stream.linear.scatter @p1 [tilespmem:s20], [sflag:$0x1], $0x4000, $0x38;
	[tilespmem:$0x1C800] =	vst v63  }
0x48f: {  	s15 =	simm.s32 @!p1 $0x3  }
0x490: {  	_ =	swait.ge @!p1 [sflag:s15], $0x8000  }
0x491: {  	[sflag:s15] =	ssyncset.done @!p1 $0x0  }
0x492: {  	s20 =	simm.s32 @!p1 $0x4800;
	[sflag:s15] =	ssyncadd.s32 @!p1 $0xFFFF8000;
	s15 =	simm.s32 @!p1 $0x0  }
0x493: {  	[hbm4b:s12+s15] =	stream.linear.scatter @!p1 [tilespmem:s20], [sflag:$0x1], $0x8000, $0x38;
	[tilespmem:$0x1C800] =	vst v63  }
0x494: {  	_ =	swait.ge [sflag:s5], $0x8000  }
0x495: {  	s23 =	rddreg [dreg:$0x1c]  }
0x496: {  	p1 =	sge.s32 s23, s14  }
.Ltmp17:
0x497: {  	_ = 	snop;
	(pc) =	sbr.rel @p1 .LBB2_33-.Ltmp17, $3  }
0x498: {  	_ =	sdelay $0x1  }
0x499: {  	[sflag:s5] =	ssyncset.done $0x0  }
0x49a: {  	[sflag:s5] =	ssyncadd.s32 $0xFFFF8000  }
0x49b: {  	v8 =	vld [tilespmem:$0x700];
	_ =	sdelay $0x4  }
0x49c: {  	v9 =	vshll.u32 v8, $0x2  }
0x49d: {  	v8 =	vand.u32 $0x7, v8;
	v9 =	vand.u32 $0xFFFFFFE0, v9  }
0x49e: {  	v8 =	vor.u32 v8, v9  }
0x49f: {  	v9 =	vperm.xlane v8, v5;
	_ =	sdelay $0x1  }
0x4a0: {  	v9 =	vadd.s32 v6, v9;
	_ =	sdelay $0x1  }
0x4a1: {  	v8 =	vperm.xlane v8, v7;
	_ =	sdelay $0x1  }
0x4a2: {  	v8 =	vadd.s32 v6, v8  }
0x4a3: {  	[tilespmem:s29], [sflag:$0x3] =	stream.indirect_vreg.gather [hbm4b:s3+s2], $0x80, v9, vm0, $0xb8;
	[tilespmem:$0x1C800] =	vst v63  }
0x4a4: {  	_ = 	snop  }
0x4a5: {  	[tilespmem:s24], [sflag:$0x3] =	stream.indirect_vreg.gather [hbm4b:s7+s2], $0x80, v9, vm0, $0xb8;
	[tilespmem:$0x1C800] =	vst v63  }
0x4a6: {  	_ = 	snop  }
0x4a7: {  	[tilespmem:s0], [sflag:$0x3] =	stream.indirect_vreg.gather [hbm4b:s3+s2], $0x80, v8, vm0, $0xb8;
	[tilespmem:$0x1C800] =	vst v63  }
0x4a8: {  	_ = 	snop  }
0x4a9: {  	[tilespmem:s28], [sflag:$0x3] =	stream.indirect_vreg.gather [hbm4b:s7+s2], $0x80, v8, vm0, $0xb8;
	[tilespmem:$0x1C800] =	vst v63  }
0x4aa: {  	v8 =	vld [tilespmem:$0x710];
	_ =	sdelay $0x4  }
0x4ab: {  	v61 =	vshll.u32 v8, $0x2  }
0x4ac: {  	v8 =	vand.u32 $0x7, v8;
	v9 =	vand.u32 $0xFFFFFFE0, v61  }
0x4ad: {  	v8 =	vor.u32 v8, v9  }
0x4ae: {  	v9 =	vperm.xlane v8, v5;
	_ =	sdelay $0x1  }
0x4af: {  	v9 =	vadd.s32 v6, v9;
	_ =	sdelay $0x1  }
0x4b0: {  	v8 =	vperm.xlane v8, v7;
	_ =	sdelay $0x1  }
0x4b1: {  	v8 =	vadd.s32 v6, v8  }
0x4b2: {  	[tilespmem:s16], [sflag:$0x3] =	stream.indirect_vreg.gather [hbm4b:s3+s2], $0x80, v9, vm0, $0xb8;
	[tilespmem:$0x1C800] =	vst v63  }
0x4b3: {  	_ = 	snop  }
0x4b4: {  	[tilespmem:s19], [sflag:$0x3] =	stream.indirect_vreg.gather [hbm4b:s7+s2], $0x80, v9, vm0, $0xb8;
	[tilespmem:$0x1C800] =	vst v63  }
0x4b5: {  	_ = 	snop  }
0x4b6: {  	[tilespmem:s22], [sflag:$0x3] =	stream.indirect_vreg.gather [hbm4b:s3+s2], $0x80, v8, vm0, $0xb8;
	[tilespmem:$0x1C800] =	vst v63  }
0x4b7: {  	_ = 	snop  }
0x4b8: {  	[tilespmem:s26], [sflag:$0x3] =	stream.indirect_vreg.gather [hbm4b:s7+s2], $0x80, v8, vm0, $0xb8;
	[tilespmem:$0x1C800] =	vst v63  }
0x4b9: {  	v8 =	vld [tilespmem:$0x720];
	_ =	sdelay $0x4  }
0x4ba: {  	v62 =	vshll.u32 v8, $0x2  }
0x4bb: {  	v8 =	vand.u32 $0x7, v8;
	v9 =	vand.u32 $0xFFFFFFE0, v62  }
0x4bc: {  	v8 =	vor.u32 v8, v9  }
0x4bd: {  	v9 =	vperm.xlane v8, v5;
	_ =	sdelay $0x1  }
0x4be: {  	v9 =	vadd.s32 v6, v9;
	_ =	sdelay $0x1  }
0x4bf: {  	v8 =	vperm.xlane v8, v7;
	_ =	sdelay $0x1  }
0x4c0: {  	v8 =	vadd.s32 v6, v8  }
0x4c1: {  	[tilespmem:s30], [sflag:$0x3] =	stream.indirect_vreg.gather [hbm4b:s3+s2], $0x80, v9, vm0, $0xb8;
	[tilespmem:$0x1C800] =	vst v63  }
0x4c2: {  	s1 =	simm.s32 $0x9000  }
0x4c3: {  	[tilespmem:s1], [sflag:$0x3] =	stream.indirect_vreg.gather [hbm4b:s7+s2], $0x80, v9, vm0, $0xb8;
	[tilespmem:$0x1C800] =	vst v63  }
0x4c4: {  	s20 =	simm.s32 $0x9800  }
0x4c5: {  	[tilespmem:s20], [sflag:$0x3] =	stream.indirect_vreg.gather [hbm4b:s3+s2], $0x80, v8, vm0, $0xb8;
	[tilespmem:$0x1C800] =	vst v63  }
0x4c6: {  	s23 =	simm.s32 $0xA000  }
0x4c7: {  	[tilespmem:s23], [sflag:$0x3] =	stream.indirect_vreg.gather [hbm4b:s7+s2], $0x80, v8, vm0, $0xb8;
	[tilespmem:$0x1C800] =	vst v63  }
0x4c8: {  	v8 =	vld [tilespmem:$0x730];
	_ =	sdelay $0x4  }
0x4c9: {  	v63 =	vshll.u32 v8, $0x2  }
0x4ca: {  	v8 =	vand.u32 $0x7, v8;
	v9 =	vand.u32 $0xFFFFFFE0, v63  }
0x4cb: {  	v8 =	vor.u32 v8, v9  }
0x4cc: {  	v9 =	vperm.xlane v8, v5;
	_ =	sdelay $0x1  }
0x4cd: {  	v9 =	vadd.s32 v6, v9;
	_ =	sdelay $0x1  }
0x4ce: {  	v8 =	vperm.xlane v8, v7;
	_ =	sdelay $0x1  }
0x4cf: {  	s13 =	simm.s32 $0xA800;
	v8 =	vadd.s32 v6, v8  }
0x4d0: {  	[tilespmem:s13], [sflag:$0x3] =	stream.indirect_vreg.gather [hbm4b:s3+s2], $0x80, v9, vm0, $0xb8;
	[tilespmem:$0x1C800] =	vst v63  }
0x4d1: {  	s15 =	simm.s32 $0xB000  }
0x4d2: {  	[tilespmem:s15], [sflag:$0x3] =	stream.indirect_vreg.gather [hbm4b:s7+s2], $0x80, v9, vm0, $0xb8;
	[tilespmem:$0x1C800] =	vst v63  }
0x4d3: {  	s20 =	simm.s32 $0xB800  }
0x4d4: {  	[tilespmem:s20], [sflag:$0x3] =	stream.indirect_vreg.gather [hbm4b:s3+s2], $0x80, v8, vm0, $0xb8;
	[tilespmem:$0x1C800] =	vst v63  }
0x4d5: {  	s23 =	simm.s32 $0xC000  }
0x4d6: {  	[tilespmem:s23], [sflag:$0x3] =	stream.indirect_vreg.gather [hbm4b:s7+s2], $0x80, v8, vm0, $0xb8;
	[tilespmem:$0x1C800] =	vst v63  }
.LBB2_33:
0x4d7: {  	s15 =	simm.s32 @p0 $0x0;
	s20 =	simm.s32 @p0 $0x800  }
0x4d8: {  	[hbm4b:s17+s15] =	stream.linear.scatter @p0 [tilespmem:s20], [sflag:$0x1], $0x4000, $0x38;
	[tilespmem:$0x1C800] =	vst v63  }
0x4d9: {  	s23 =	rddreg [dreg:$0x1d]  }
0x4da: {  	[hbm4b:s23+s15] =	stream.linear.scatter @p0 [tilespmem:s20], [sflag:$0x1], $0x4000, $0x38;
	[tilespmem:$0x1C800] =	vst v63  }
0x4db: {  	s15 =	simm.s32 @!p0 $0x4  }
0x4dc: {  	_ =	swait.ge @!p0 [sflag:s15], $0x8000  }
0x4dd: {  	[sflag:s15] =	ssyncset.done @!p0 $0x0  }
0x4de: {  	s20 =	simm.s32 @!p0 $0xC800;
	[sflag:s15] =	ssyncadd.s32 @!p0 $0xFFFF8000;
	s15 =	simm.s32 @!p0 $0x0  }
0x4df: {  	[hbm4b:s17+s15] =	stream.linear.scatter @!p0 [tilespmem:s20], [sflag:$0x1], $0x8000, $0x38;
	[tilespmem:$0x1C800] =	vst v63  }
0x4e0: {  	_ =	swait.ge [sflag:s5], $0x8000  }
0x4e1: {  	s23 =	rddreg [dreg:$0x1e]  }
0x4e2: {  	p0 =	sge.s32 s23, s14  }
.Ltmp18:
0x4e3: {  	_ = 	snop;
	(pc) =	sbr.rel @p0 .LBB2_35-.Ltmp18, $3  }
0x4e4: {  	_ =	sdelay $0x1  }
0x4e5: {  	[sflag:s5] =	ssyncset.done $0x0  }
0x4e6: {  	[sflag:s5] =	ssyncadd.s32 $0xFFFF8000  }
0x4e7: {  	v8 =	vld [tilespmem:$0x740];
	_ =	sdelay $0x4  }
0x4e8: {  	v9 =	vshll.u32 v8, $0x2  }
0x4e9: {  	v8 =	vand.u32 $0x7, v8;
	v9 =	vand.u32 $0xFFFFFFE0, v9  }
0x4ea: {  	v8 =	vor.u32 v8, v9  }
0x4eb: {  	v9 =	vperm.xlane v8, v5;
	_ =	sdelay $0x1  }
0x4ec: {  	v9 =	vadd.s32 v6, v9;
	_ =	sdelay $0x1  }
0x4ed: {  	v8 =	vperm.xlane v8, v7;
	_ =	sdelay $0x1  }
0x4ee: {  	s1 =	simm.s32 $0xC800;
	v8 =	vadd.s32 v6, v8  }
0x4ef: {  	[tilespmem:s1], [sflag:$0x4] =	stream.indirect_vreg.gather [hbm4b:s3+s2], $0x80, v9, vm0, $0xb8;
	[tilespmem:$0x1C800] =	vst v63  }
0x4f0: {  	s15 =	simm.s32 $0xD000  }
0x4f1: {  	[tilespmem:s15], [sflag:$0x4] =	stream.indirect_vreg.gather [hbm4b:s7+s2], $0x80, v9, vm0, $0xb8;
	[tilespmem:$0x1C800] =	vst v63  }
0x4f2: {  	s20 =	simm.s32 $0xD800  }
0x4f3: {  	[tilespmem:s20], [sflag:$0x4] =	stream.indirect_vreg.gather [hbm4b:s3+s2], $0x80, v8, vm0, $0xb8;
	[tilespmem:$0x1C800] =	vst v63  }
0x4f4: {  	s23 =	simm.s32 $0xE000  }
0x4f5: {  	[tilespmem:s23], [sflag:$0x4] =	stream.indirect_vreg.gather [hbm4b:s7+s2], $0x80, v8, vm0, $0xb8;
	[tilespmem:$0x1C800] =	vst v63  }
0x4f6: {  	v8 =	vld [tilespmem:$0x750];
	_ =	sdelay $0x4  }
0x4f7: {  	v61 =	vshll.u32 v8, $0x2  }
0x4f8: {  	v8 =	vand.u32 $0x7, v8;
	v9 =	vand.u32 $0xFFFFFFE0, v61  }
0x4f9: {  	v8 =	vor.u32 v8, v9  }
0x4fa: {  	v9 =	vperm.xlane v8, v5;
	_ =	sdelay $0x1  }
0x4fb: {  	v9 =	vadd.s32 v6, v9;
	_ =	sdelay $0x1  }
0x4fc: {  	v8 =	vperm.xlane v8, v7;
	_ =	sdelay $0x1  }
0x4fd: {  	s13 =	simm.s32 $0xE800;
	v8 =	vadd.s32 v6, v8  }
0x4fe: {  	[tilespmem:s13], [sflag:$0x4] =	stream.indirect_vreg.gather [hbm4b:s3+s2], $0x80, v9, vm0, $0xb8;
	[tilespmem:$0x1C800] =	vst v63  }
0x4ff: {  	s15 =	simm.s32 $0xF000  }
0x500: {  	[tilespmem:s15], [sflag:$0x4] =	stream.indirect_vreg.gather [hbm4b:s7+s2], $0x80, v9, vm0, $0xb8;
	[tilespmem:$0x1C800] =	vst v63  }
0x501: {  	s20 =	simm.s32 $0xF800  }
0x502: {  	[tilespmem:s20], [sflag:$0x4] =	stream.indirect_vreg.gather [hbm4b:s3+s2], $0x80, v8, vm0, $0xb8;
	[tilespmem:$0x1C800] =	vst v63  }
0x503: {  	s23 =	simm.s32 $0x10000  }
0x504: {  	[tilespmem:s23], [sflag:$0x4] =	stream.indirect_vreg.gather [hbm4b:s7+s2], $0x80, v8, vm0, $0xb8;
	[tilespmem:$0x1C800] =	vst v63  }
0x505: {  	v8 =	vld [tilespmem:$0x760];
	_ =	sdelay $0x4  }
0x506: {  	v62 =	vshll.u32 v8, $0x2  }
0x507: {  	v8 =	vand.u32 $0x7, v8;
	v9 =	vand.u32 $0xFFFFFFE0, v62  }
0x508: {  	v8 =	vor.u32 v8, v9  }
0x509: {  	v9 =	vperm.xlane v8, v5;
	_ =	sdelay $0x1  }
0x50a: {  	v9 =	vadd.s32 v6, v9;
	_ =	sdelay $0x1  }
0x50b: {  	v8 =	vperm.xlane v8, v7;
	_ =	sdelay $0x1  }
0x50c: {  	s13 =	simm.s32 $0x10800;
	v8 =	vadd.s32 v6, v8  }
0x50d: {  	[tilespmem:s13], [sflag:$0x4] =	stream.indirect_vreg.gather [hbm4b:s3+s2], $0x80, v9, vm0, $0xb8;
	[tilespmem:$0x1C800] =	vst v63  }
0x50e: {  	s15 =	simm.s32 $0x11000  }
0x50f: {  	[tilespmem:s15], [sflag:$0x4] =	stream.indirect_vreg.gather [hbm4b:s7+s2], $0x80, v9, vm0, $0xb8;
	[tilespmem:$0x1C800] =	vst v63  }
0x510: {  	s20 =	simm.s32 $0x11800  }
0x511: {  	[tilespmem:s20], [sflag:$0x4] =	stream.indirect_vreg.gather [hbm4b:s3+s2], $0x80, v8, vm0, $0xb8;
	[tilespmem:$0x1C800] =	vst v63  }
0x512: {  	s23 =	simm.s32 $0x12000  }
0x513: {  	[tilespmem:s23], [sflag:$0x4] =	stream.indirect_vreg.gather [hbm4b:s7+s2], $0x80, v8, vm0, $0xb8;
	[tilespmem:$0x1C800] =	vst v63  }
0x514: {  	v8 =	vld [tilespmem:$0x770];
	_ =	sdelay $0x4  }
0x515: {  	v63 =	vshll.u32 v8, $0x2  }
0x516: {  	v8 =	vand.u32 $0x7, v8;
	v9 =	vand.u32 $0xFFFFFFE0, v63  }
0x517: {  	v8 =	vor.u32 v8, v9  }
0x518: {  	v9 =	vperm.xlane v8, v5;
	_ =	sdelay $0x1  }
0x519: {  	v9 =	vadd.s32 v6, v9;
	_ =	sdelay $0x1  }
0x51a: {  	v8 =	vperm.xlane v8, v7;
	_ =	sdelay $0x1  }
0x51b: {  	s13 =	simm.s32 $0x12800;
	v8 =	vadd.s32 v6, v8  }
0x51c: {  	[tilespmem:s13], [sflag:$0x4] =	stream.indirect_vreg.gather [hbm4b:s3+s2], $0x80, v9, vm0, $0xb8;
	[tilespmem:$0x1C800] =	vst v63  }
0x51d: {  	s15 =	simm.s32 $0x13000  }
0x51e: {  	[tilespmem:s15], [sflag:$0x4] =	stream.indirect_vreg.gather [hbm4b:s7+s2], $0x80, v9, vm0, $0xb8;
	[tilespmem:$0x1C800] =	vst v63  }
0x51f: {  	s20 =	simm.s32 $0x13800  }
0x520: {  	[tilespmem:s20], [sflag:$0x4] =	stream.indirect_vreg.gather [hbm4b:s3+s2], $0x80, v8, vm0, $0xb8;
	[tilespmem:$0x1C800] =	vst v63  }
0x521: {  	s23 =	simm.s32 $0x14000  }
0x522: {  	[tilespmem:s23], [sflag:$0x4] =	stream.indirect_vreg.gather [hbm4b:s7+s2], $0x80, v8, vm0, $0xb8;
	[tilespmem:$0x1C800] =	vst v63  }
.LBB2_35:
0x523: {  	s15 =	simm.s32 @p2 $0x0;
	s20 =	simm.s32 @p2 $0x800  }
0x524: {  	[hbm4b:s21+s15] =	stream.linear.scatter @p2 [tilespmem:s20], [sflag:$0x1], $0x4000, $0x38;
	[tilespmem:$0x1C800] =	vst v63  }
0x525: {  	s23 =	rddreg [dreg:$0x1f]  }
0x526: {  	[hbm4b:s23+s15] =	stream.linear.scatter @p2 [tilespmem:s20], [sflag:$0x1], $0x4000, $0x38;
	[tilespmem:$0x1C800] =	vst v63  }
0x527: {  	s15 =	simm.s32 @!p2 $0x5  }
0x528: {  	_ =	swait.ge @!p2 [sflag:s15], $0x8000  }
0x529: {  	[sflag:s15] =	ssyncset.done @!p2 $0x0  }
0x52a: {  	s20 =	simm.s32 @!p2 $0x14800;
	[sflag:s15] =	ssyncadd.s32 @!p2 $0xFFFF8000;
	s15 =	simm.s32 @!p2 $0x0  }
0x52b: {  	[hbm4b:s21+s15] =	stream.linear.scatter @!p2 [tilespmem:s20], [sflag:$0x1], $0x8000, $0x38;
	[tilespmem:$0x1C800] =	vst v63  }
0x52c: {  	_ =	swait.ge [sflag:s5], $0x8000  }
0x52d: {  	s23 =	sld [smem:$0x7F8];
	_ =	sdelay $0x2  }
0x52e: {  	p2 =	sge.s32 s23, s14  }
.Ltmp19:
0x52f: {  	_ = 	snop;
	(pc) =	sbr.rel @p2 .LBB2_37-.Ltmp19, $3  }
0x530: {  	_ =	sdelay $0x1  }
0x531: {  	[sflag:s5] =	ssyncset.done $0x0  }
0x532: {  	[sflag:s5] =	ssyncadd.s32 $0xFFFF8000  }
0x533: {  	v8 =	vld [tilespmem:$0x780];
	_ =	sdelay $0x4  }
0x534: {  	v9 =	vshll.u32 v8, $0x2  }
0x535: {  	v8 =	vand.u32 $0x7, v8;
	v9 =	vand.u32 $0xFFFFFFE0, v9  }
0x536: {  	v8 =	vor.u32 v8, v9  }
0x537: {  	v9 =	vperm.xlane v8, v5;
	_ =	sdelay $0x1  }
0x538: {  	v9 =	vadd.s32 v6, v9;
	_ =	sdelay $0x1  }
0x539: {  	v8 =	vperm.xlane v8, v7;
	_ =	sdelay $0x1  }
0x53a: {  	s1 =	simm.s32 $0x14800;
	v8 =	vadd.s32 v6, v8  }
0x53b: {  	[tilespmem:s1], [sflag:$0x5] =	stream.indirect_vreg.gather [hbm4b:s3+s2], $0x80, v9, vm0, $0xb8;
	[tilespmem:$0x1C800] =	vst v63  }
0x53c: {  	s15 =	simm.s32 $0x15000  }
0x53d: {  	[tilespmem:s15], [sflag:$0x5] =	stream.indirect_vreg.gather [hbm4b:s7+s2], $0x80, v9, vm0, $0xb8;
	[tilespmem:$0x1C800] =	vst v63  }
0x53e: {  	s20 =	simm.s32 $0x15800  }
0x53f: {  	[tilespmem:s20], [sflag:$0x5] =	stream.indirect_vreg.gather [hbm4b:s3+s2], $0x80, v8, vm0, $0xb8;
	[tilespmem:$0x1C800] =	vst v63  }
0x540: {  	s23 =	simm.s32 $0x16000  }
0x541: {  	[tilespmem:s23], [sflag:$0x5] =	stream.indirect_vreg.gather [hbm4b:s7+s2], $0x80, v8, vm0, $0xb8;
	[tilespmem:$0x1C800] =	vst v63  }
0x542: {  	v8 =	vld [tilespmem:$0x790];
	_ =	sdelay $0x4  }
0x543: {  	v61 =	vshll.u32 v8, $0x2  }
0x544: {  	v8 =	vand.u32 $0x7, v8;
	v9 =	vand.u32 $0xFFFFFFE0, v61  }
0x545: {  	v8 =	vor.u32 v8, v9  }
0x546: {  	v9 =	vperm.xlane v8, v5;
	_ =	sdelay $0x1  }
0x547: {  	v9 =	vadd.s32 v6, v9;
	_ =	sdelay $0x1  }
0x548: {  	v8 =	vperm.xlane v8, v7;
	_ =	sdelay $0x1  }
0x549: {  	s13 =	simm.s32 $0x16800;
	v8 =	vadd.s32 v6, v8  }
0x54a: {  	[tilespmem:s13], [sflag:$0x5] =	stream.indirect_vreg.gather [hbm4b:s3+s2], $0x80, v9, vm0, $0xb8;
	[tilespmem:$0x1C800] =	vst v63  }
0x54b: {  	s15 =	simm.s32 $0x17000  }
0x54c: {  	[tilespmem:s15], [sflag:$0x5] =	stream.indirect_vreg.gather [hbm4b:s7+s2], $0x80, v9, vm0, $0xb8;
	[tilespmem:$0x1C800] =	vst v63  }
0x54d: {  	s20 =	simm.s32 $0x17800  }
0x54e: {  	[tilespmem:s20], [sflag:$0x5] =	stream.indirect_vreg.gather [hbm4b:s3+s2], $0x80, v8, vm0, $0xb8;
	[tilespmem:$0x1C800] =	vst v63  }
0x54f: {  	s23 =	simm.s32 $0x18000  }
0x550: {  	[tilespmem:s23], [sflag:$0x5] =	stream.indirect_vreg.gather [hbm4b:s7+s2], $0x80, v8, vm0, $0xb8;
	[tilespmem:$0x1C800] =	vst v63  }
0x551: {  	v8 =	vld [tilespmem:$0x7A0];
	_ =	sdelay $0x4  }
0x552: {  	v62 =	vshll.u32 v8, $0x2  }
0x553: {  	v8 =	vand.u32 $0x7, v8;
	v9 =	vand.u32 $0xFFFFFFE0, v62  }
0x554: {  	v8 =	vor.u32 v8, v9  }
0x555: {  	v9 =	vperm.xlane v8, v5;
	_ =	sdelay $0x1  }
0x556: {  	v9 =	vadd.s32 v6, v9;
	_ =	sdelay $0x1  }
0x557: {  	v8 =	vperm.xlane v8, v7;
	_ =	sdelay $0x1  }
0x558: {  	s13 =	simm.s32 $0x18800;
	v8 =	vadd.s32 v6, v8  }
0x559: {  	[tilespmem:s13], [sflag:$0x5] =	stream.indirect_vreg.gather [hbm4b:s3+s2], $0x80, v9, vm0, $0xb8;
	[tilespmem:$0x1C800] =	vst v63  }
0x55a: {  	s15 =	simm.s32 $0x19000  }
0x55b: {  	[tilespmem:s15], [sflag:$0x5] =	stream.indirect_vreg.gather [hbm4b:s7+s2], $0x80, v9, vm0, $0xb8;
	[tilespmem:$0x1C800] =	vst v63  }
0x55c: {  	s20 =	simm.s32 $0x19800  }
0x55d: {  	[tilespmem:s20], [sflag:$0x5] =	stream.indirect_vreg.gather [hbm4b:s3+s2], $0x80, v8, vm0, $0xb8;
	[tilespmem:$0x1C800] =	vst v63  }
0x55e: {  	s23 =	simm.s32 $0x1A000  }
0x55f: {  	[tilespmem:s23], [sflag:$0x5] =	stream.indirect_vreg.gather [hbm4b:s7+s2], $0x80, v8, vm0, $0xb8;
	[tilespmem:$0x1C800] =	vst v63  }
0x560: {  	v8 =	vld [tilespmem:$0x7B0];
	_ =	sdelay $0x4  }
0x561: {  	v63 =	vshll.u32 v8, $0x2  }
0x562: {  	v8 =	vand.u32 $0x7, v8;
	v9 =	vand.u32 $0xFFFFFFE0, v63  }
0x563: {  	v8 =	vor.u32 v8, v9  }
0x564: {  	v9 =	vperm.xlane v8, v5;
	_ =	sdelay $0x1  }
0x565: {  	v9 =	vadd.s32 v6, v9;
	_ =	sdelay $0x1  }
0x566: {  	v8 =	vperm.xlane v8, v7;
	_ =	sdelay $0x1  }
0x567: {  	s13 =	simm.s32 $0x1A800;
	v8 =	vadd.s32 v6, v8  }
0x568: {  	[tilespmem:s13], [sflag:$0x5] =	stream.indirect_vreg.gather [hbm4b:s3+s2], $0x80, v9, vm0, $0xb8;
	[tilespmem:$0x1C800] =	vst v63  }
0x569: {  	s15 =	simm.s32 $0x1B000  }
0x56a: {  	[tilespmem:s15], [sflag:$0x5] =	stream.indirect_vreg.gather [hbm4b:s7+s2], $0x80, v9, vm0, $0xb8;
	[tilespmem:$0x1C800] =	vst v63  }
0x56b: {  	s20 =	simm.s32 $0x1B800  }
0x56c: {  	[tilespmem:s20], [sflag:$0x5] =	stream.indirect_vreg.gather [hbm4b:s3+s2], $0x80, v8, vm0, $0xb8;
	[tilespmem:$0x1C800] =	vst v63  }
0x56d: {  	s23 =	simm.s32 $0x1C000  }
0x56e: {  	[tilespmem:s23], [sflag:$0x5] =	stream.indirect_vreg.gather [hbm4b:s7+s2], $0x80, v8, vm0, $0xb8;
	[tilespmem:$0x1C800] =	vst v63  }
.LBB2_37:
0x56f: {  	s15 =	simm.s32 @p1 $0x0;
	s20 =	simm.s32 @p1 $0x800;
	s23 =	sld [smem:$0x7F9]  }
0x570: {  	[hbm4b:s25+s15] =	stream.linear.scatter @p1 [tilespmem:s20], [sflag:$0x1], $0x4000, $0x38;
	[tilespmem:$0x1C800] =	vst v63  }
0x571: {  	_ = 	snop  }
0x572: {  	[hbm4b:s23+s15] =	stream.linear.scatter @p1 [tilespmem:s20], [sflag:$0x1], $0x4000, $0x38;
	[tilespmem:$0x1C800] =	vst v63  }
0x573: {  	s15 =	simm.s32 @!p1 $0x3  }
0x574: {  	_ =	swait.ge @!p1 [sflag:s15], $0x8000  }
0x575: {  	[sflag:s15] =	ssyncset.done @!p1 $0x0  }
0x576: {  	s20 =	simm.s32 @!p1 $0x4800;
	[sflag:s15] =	ssyncadd.s32 @!p1 $0xFFFF8000;
	s15 =	simm.s32 @!p1 $0x0  }
0x577: {  	[hbm4b:s25+s15] =	stream.linear.scatter @!p1 [tilespmem:s20], [sflag:$0x1], $0x8000, $0x38;
	[tilespmem:$0x1C800] =	vst v63  }
0x578: {  	_ =	swait.ge [sflag:s5], $0x8000  }
0x579: {  	s23 =	sld [smem:$0x7FA];
	_ =	sdelay $0x2  }
0x57a: {  	p1 =	sge.s32 s23, s14  }
.Ltmp20:
0x57b: {  	_ = 	snop;
	(pc) =	sbr.rel @p1 .LBB2_39-.Ltmp20, $3  }
0x57c: {  	_ =	sdelay $0x1  }
0x57d: {  	[sflag:s5] =	ssyncset.done $0x0  }
0x57e: {  	[sflag:s5] =	ssyncadd.s32 $0xFFFF8000  }
0x57f: {  	v8 =	vld [tilespmem:$0x7C0];
	_ =	sdelay $0x4  }
0x580: {  	v9 =	vshll.u32 v8, $0x2  }
0x581: {  	v8 =	vand.u32 $0x7, v8;
	v9 =	vand.u32 $0xFFFFFFE0, v9  }
0x582: {  	v8 =	vor.u32 v8, v9  }
0x583: {  	v9 =	vperm.xlane v8, v5;
	_ =	sdelay $0x1  }
0x584: {  	v9 =	vadd.s32 v6, v9;
	_ =	sdelay $0x1  }
0x585: {  	v8 =	vperm.xlane v8, v7;
	_ =	sdelay $0x1  }
0x586: {  	v8 =	vadd.s32 v6, v8  }
0x587: {  	[tilespmem:s29], [sflag:$0x3] =	stream.indirect_vreg.gather [hbm4b:s3+s2], $0x80, v9, vm0, $0xb8;
	[tilespmem:$0x1C800] =	vst v63  }
0x588: {  	_ = 	snop  }
0x589: {  	[tilespmem:s24], [sflag:$0x3] =	stream.indirect_vreg.gather [hbm4b:s7+s2], $0x80, v9, vm0, $0xb8;
	[tilespmem:$0x1C800] =	vst v63  }
0x58a: {  	_ = 	snop  }
0x58b: {  	[tilespmem:s0], [sflag:$0x3] =	stream.indirect_vreg.gather [hbm4b:s3+s2], $0x80, v8, vm0, $0xb8;
	[tilespmem:$0x1C800] =	vst v63  }
0x58c: {  	_ = 	snop  }
0x58d: {  	[tilespmem:s28], [sflag:$0x3] =	stream.indirect_vreg.gather [hbm4b:s7+s2], $0x80, v8, vm0, $0xb8;
	[tilespmem:$0x1C800] =	vst v63  }
0x58e: {  	v8 =	vld [tilespmem:$0x7D0];
	_ =	sdelay $0x4  }
0x58f: {  	v61 =	vshll.u32 v8, $0x2  }
0x590: {  	v8 =	vand.u32 $0x7, v8;
	v9 =	vand.u32 $0xFFFFFFE0, v61  }
0x591: {  	v8 =	vor.u32 v8, v9  }
0x592: {  	v9 =	vperm.xlane v8, v5;
	_ =	sdelay $0x1  }
0x593: {  	v9 =	vadd.s32 v6, v9;
	_ =	sdelay $0x1  }
0x594: {  	v8 =	vperm.xlane v8, v7;
	_ =	sdelay $0x1  }
0x595: {  	v8 =	vadd.s32 v6, v8  }
0x596: {  	[tilespmem:s16], [sflag:$0x3] =	stream.indirect_vreg.gather [hbm4b:s3+s2], $0x80, v9, vm0, $0xb8;
	[tilespmem:$0x1C800] =	vst v63  }
0x597: {  	_ = 	snop  }
0x598: {  	[tilespmem:s19], [sflag:$0x3] =	stream.indirect_vreg.gather [hbm4b:s7+s2], $0x80, v9, vm0, $0xb8;
	[tilespmem:$0x1C800] =	vst v63  }
0x599: {  	_ = 	snop  }
0x59a: {  	[tilespmem:s22], [sflag:$0x3] =	stream.indirect_vreg.gather [hbm4b:s3+s2], $0x80, v8, vm0, $0xb8;
	[tilespmem:$0x1C800] =	vst v63  }
0x59b: {  	_ = 	snop  }
0x59c: {  	[tilespmem:s26], [sflag:$0x3] =	stream.indirect_vreg.gather [hbm4b:s7+s2], $0x80, v8, vm0, $0xb8;
	[tilespmem:$0x1C800] =	vst v63  }
0x59d: {  	v8 =	vld [tilespmem:$0x7E0];
	_ =	sdelay $0x4  }
0x59e: {  	v62 =	vshll.u32 v8, $0x2  }
0x59f: {  	v8 =	vand.u32 $0x7, v8;
	v9 =	vand.u32 $0xFFFFFFE0, v62  }
0x5a0: {  	v8 =	vor.u32 v8, v9  }
0x5a1: {  	v9 =	vperm.xlane v8, v5;
	_ =	sdelay $0x1  }
0x5a2: {  	v9 =	vadd.s32 v6, v9;
	_ =	sdelay $0x1  }
0x5a3: {  	v8 =	vperm.xlane v8, v7;
	_ =	sdelay $0x1  }
0x5a4: {  	v8 =	vadd.s32 v6, v8  }
0x5a5: {  	[tilespmem:s30], [sflag:$0x3] =	stream.indirect_vreg.gather [hbm4b:s3+s2], $0x80, v9, vm0, $0xb8;
	[tilespmem:$0x1C800] =	vst v63  }
0x5a6: {  	s22 =	simm.s32 $0x9000  }
0x5a7: {  	[tilespmem:s22], [sflag:$0x3] =	stream.indirect_vreg.gather [hbm4b:s7+s2], $0x80, v9, vm0, $0xb8;
	[tilespmem:$0x1C800] =	vst v63  }
0x5a8: {  	s23 =	simm.s32 $0x9800  }
0x5a9: {  	[tilespmem:s23], [sflag:$0x3] =	stream.indirect_vreg.gather [hbm4b:s3+s2], $0x80, v8, vm0, $0xb8;
	[tilespmem:$0x1C800] =	vst v63  }
0x5aa: {  	s24 =	simm.s32 $0xA000  }
0x5ab: {  	[tilespmem:s24], [sflag:$0x3] =	stream.indirect_vreg.gather [hbm4b:s7+s2], $0x80, v8, vm0, $0xb8;
	[tilespmem:$0x1C800] =	vst v63  }
0x5ac: {  	v8 =	vld [tilespmem:$0x7F0];
	_ =	sdelay $0x4  }
0x5ad: {  	v63 =	vshll.u32 v8, $0x2  }
0x5ae: {  	v8 =	vand.u32 $0x7, v8;
	v9 =	vand.u32 $0xFFFFFFE0, v63  }
0x5af: {  	v8 =	vor.u32 v8, v9  }
0x5b0: {  	v9 =	vperm.xlane v8, v5;
	_ =	sdelay $0x1  }
0x5b1: {  	v9 =	vadd.s32 v6, v9;
	_ =	sdelay $0x2  }
0x5b2: {  	v8 =	vperm.xlane v8, v7  }
0x5b3: {  	s26 =	simm.s32 $0xA800  }
0x5b4: {  	v8 =	vadd.s32 v6, v8;
	[tilespmem:s26], [sflag:$0x3] =	stream.indirect_vreg.gather [hbm4b:s3+s2], $0x80, v9, vm0, $0xb8;
	[tilespmem:$0x1C800] =	vst v63  }
0x5b5: {  	s28 =	simm.s32 $0xB000  }
0x5b6: {  	[tilespmem:s28], [sflag:$0x3] =	stream.indirect_vreg.gather [hbm4b:s7+s2], $0x80, v9, vm0, $0xb8;
	[tilespmem:$0x1C800] =	vst v63  }
.Ltmp21:
0x5b7: {  	_ = 	snop;
	(pc) =	sbr.rel .LBB2_39-.Ltmp21, $4  }
0x5b8: {  	s29 =	simm.s32 $0xB800  }
0x5b9: {  	[tilespmem:s29], [sflag:$0x3] =	stream.indirect_vreg.gather [hbm4b:s3+s2], $0x80, v8, vm0, $0xb8;
	[tilespmem:$0x1C800] =	vst v63  }
0x5ba: {  	s30 =	simm.s32 $0xC000  }
0x5bb: {  	[tilespmem:s30], [sflag:$0x3] =	stream.indirect_vreg.gather [hbm4b:s7+s2], $0x80, v8, vm0, $0xb8;
	[tilespmem:$0x1C800] =	vst v63  }
.LBB2_40:
0x5bc: {  	_ =	sfence.sel $0x180000  }
0x5bd: {  	[bflag:$0x0] =	sbarrier.arrive $0xFFFF  }
0x5be: {  	_ =	strace $0x90000047  }
0x5bf: {  	s0 =	stileid.u32;
	[bflag:$0x2] =	sbarrier.arrive $0xFFFF  }
0x5c0: {  	p0 =	sne.s32 s0, $0x0;
	s0 =	rddreg [dreg:$0x3]  }
0x5c1: {  	s0 =	sadd.s32 @!p0 $0x100000, s0  }
0x5c2: {  	[sflag:s0] =	ssyncadd.tile.s32 @!p0 $0x1;
	_ =	shalt  }
.Lfunc_end2:
_tile_overlayer_lowered:
.L_overlay_start_2:
0x5c3: {  	(tag) =	ssettag $0x2  }
0x5c4: {  	s0 =	rddreg [dreg:$0x0];
	s2 =	stileid.u32  }
0x5c5: {  	s1 =	rddreg [dreg:$0x1];
	p0 =	sne.s32 s2, $0x0  }
0x5c6: {  	s3 =	rddreg [dreg:$0x2];
	[bflag:$0x3] =	sbarrier.arrive $0xFFFF;
	s2 =	simm.s32 @!p0 $0x1C06  }
0x5c7: {  	[timem:s3], [sflag:s2] =	dma.local @!p0 [hbm:s0], s1  }
0x5c8: {  	s0 =	simm.s32 @!p0 $0x6  }
0x5c9: {  	_ =	swait.ge @!p0 [sflag:s0], s1  }
0x5ca: {  	s1 =	ssub.s32 @!p0 $0x0, s1;
	[sflag:s0] =	ssyncset.done @!p0 $0x0  }
0x5cb: {  	[sflag:s0] =	ssyncadd.s32 @!p0 s1  }
0x5cc: {  	[bflag:$0x3] =	sbarrier.arrive $0xFFFF  }
0x5cd: {  	_ =	shalt  }

</sc_bundles>
